<compile_context>
chip_gen: v7x
topology: tpu7x:2x2x1
jax: 0.10.2.dev20260603
libtpu: 0.0.44.dev20260713+nightly
codegen_flags: <defaults>
</compile_context>

<pallas_src>
import functools

import jax
import jax.numpy as jnp
from jax import lax
from jax.experimental import pallas as pl
from jax.experimental.pallas import tpu as pltpu
from jax.experimental.pallas import tpu_sc as plsc

NC = 2
NS = 16
NW = NC * NS
L = 16
K = 256

UNROLL = 8
INNER_UNROLL = 1
ROW_TILE = 8

_GATHER_DNUMS = lax.GatherDimensionNumbers(
    offset_dims=(), collapsed_slice_dims=(0,), start_index_map=(0,))


def _reg_gather(table, idx):
    return lax.gather(
        table, idx[:, None], _GATHER_DNUMS, (1,),
        mode=lax.GatherScatterMode.PROMISE_IN_BOUNDS)


def _search_group(midrep_v, svalrep_v, coarse, xin_v, xout_v, r, off, inv,
                  lane112):
    xs = [xin_v[r, pl.ds(off + u * L, L)] * inv for u in range(UNROLL)]

    c = [jnp.full((L,), 7, jnp.int32) for _ in range(UNROLL)]
    for s in (8, 4, 2):
        probes = [_reg_gather(coarse, c[u])
                  for u in range(UNROLL)]
        h = s // 2
        for u in range(UNROLL):
            c[u] = c[u] + jnp.where(probes[u] < xs[u], h, -h)
    probes = [_reg_gather(coarse, c[u])
              for u in range(UNROLL)]
    p = [((c[u] + jnp.where(probes[u] < xs[u], 1, 0)) << 8) + lane112
         for u in range(UNROLL)]

    for s in (8, 4, 2):
        probes = [plsc.load_gather(midrep_v, [p[u]]) for u in range(UNROLL)]
        h = (s // 2) * L
        for u in range(UNROLL):
            p[u] = p[u] + jnp.where(probes[u] < xs[u], h, -h)
    probes = [plsc.load_gather(midrep_v, [p[u]]) for u in range(UNROLL)]
    idx = [p[u] + jnp.where(probes[u] < xs[u], L, 0) for u in range(UNROLL)]
    q = [plsc.load_gather(svalrep_v, [idx[u]]) for u in range(UNROLL)]
    for u in range(UNROLL):
        xout_v[r, pl.ds(off + u * L, L)] = q[u]


def _make_sc_kernel(rows, cols, per_w_rows, chunk_rows):
    n_chunks = per_w_rows // chunk_rows
    n_pairs = n_chunks // 2

    mesh = plsc.VectorSubcoreMesh(core_axis_name="c", subcore_axis_name="s")

    @functools.partial(
        pl.kernel,
        out_type=jax.ShapeDtypeStruct((rows, cols), jnp.float32),
        mesh=mesh,
        compiler_params=pltpu.CompilerParams(
            needs_layout_passes=False, use_tc_tiling_on_sc=True),
        scratch_types=[
            pltpu.VMEM((K,), jnp.float32),
            pltpu.VMEM((K,), jnp.float32),
            pltpu.VMEM((K,), jnp.float32),
            pltpu.VMEM((K * L,), jnp.float32),
            pltpu.VMEM((K * L,), jnp.float32),
            pltpu.VMEM((L,), jnp.float32),
            pltpu.VMEM((L,), jnp.float32),
            pltpu.VMEM((chunk_rows, cols), jnp.float32),
            pltpu.VMEM((chunk_rows, cols), jnp.float32),
            pltpu.VMEM((chunk_rows, cols), jnp.float32),
            pltpu.VMEM((chunk_rows, cols), jnp.float32),
            pltpu.SemaphoreType.DMA,
            pltpu.SemaphoreType.DMA,
            pltpu.SemaphoreType.DMA,
            pltpu.SemaphoreType.DMA,
        ],
    )
    def sc_kernel(x_hbm, grid_hbm, alpha_hbm, inv_hbm, out_hbm,
                  grid_v, mid_v, sval_v, midrep_v, svalrep_v,
                  a_v, i_v, in0_v, in1_v, out0_v, out1_v,
                  si0, si1, so0, so1):
        wid = lax.axis_index("s") * NC + lax.axis_index("c")
        base = wid * per_w_rows

        pltpu.sync_copy(grid_hbm, grid_v)
        pltpu.sync_copy(alpha_hbm, a_v)
        pltpu.sync_copy(inv_hbm, i_v)

        alpha = a_v[...]
        inv = i_v[...]

        for i in range(K // L):
            lo = grid_v[pl.ds(i * L, L)]
            hi_idx = jnp.minimum(lax.iota(jnp.int32, L) + (i * L + 1), K - 1)
            hi = plsc.load_gather(grid_v, [hi_idx])
            mid_v[pl.ds(i * L, L)] = (lo + hi) * 0.5
            sval_v[pl.ds(i * L, L)] = lo * alpha

        @plsc.parallel_loop(0, K, 1, unroll=4)
        def replicate(j):
            jv = jnp.full((L,), 0, jnp.int32) + j
            midrep_v[pl.ds(j * L, L)] = plsc.load_gather(mid_v, [jv])
            svalrep_v[pl.ds(j * L, L)] = plsc.load_gather(sval_v, [jv])

        lane = lax.iota(jnp.int32, L)
        lane112 = lane + 7 * L
        coarse = plsc.load_gather(mid_v, [lane * L + (L - 1)])

        def compute(xin_v, xout_v):
            @plsc.parallel_loop(0, chunk_rows, 1)
            def row_body(r):
                @plsc.parallel_loop(0, cols, L * UNROLL, unroll=INNER_UNROLL)
                def group_body(off):
                    off = pl.multiple_of(off, L * UNROLL)
                    _search_group(midrep_v, svalrep_v, coarse, xin_v, xout_v,
                                  r, off, inv, lane112)

        pltpu.async_copy(x_hbm.at[pl.ds(base, chunk_rows)], in0_v, si0)
        pltpu.async_copy(
            x_hbm.at[pl.ds(base + chunk_rows, chunk_rows)], in1_v, si1)

        def half(k, start, in_v, out_v, si, so):
            pltpu.make_async_copy(
                x_hbm.at[pl.ds(start, chunk_rows)], in_v, si).wait()

            @pl.when(k > 0)
            def _():
                pltpu.make_async_copy(
                    out_v, out_hbm.at[pl.ds(start - 2 * chunk_rows,
                                            chunk_rows)], so).wait()

            compute(in_v, out_v)
            pltpu.async_copy(out_v, out_hbm.at[pl.ds(start, chunk_rows)], so)

            @pl.when(k + 1 < n_pairs)
            def _():
                pltpu.async_copy(
                    x_hbm.at[pl.ds(start + 2 * chunk_rows, chunk_rows)],
                    in_v, si)

        def pair_body(k, carry):
            start0 = base + (2 * k) * chunk_rows
            half(k, start0, in0_v, out0_v, si0, so0)
            half(k, start0 + chunk_rows, in1_v, out1_v, si1, so1)
            return carry

        lax.fori_loop(0, n_pairs, pair_body, 0, unroll=False)
        end = base + n_chunks * chunk_rows
        pltpu.make_async_copy(
            out0_v, out_hbm.at[pl.ds(end - 2 * chunk_rows, chunk_rows)],
            so0).wait()
        pltpu.make_async_copy(
            out1_v, out_hbm.at[pl.ds(end - chunk_rows, chunk_rows)],
            so1).wait()

    return sc_kernel


@jax.jit
def kernel(x, quant_grid, alpha):
    cols = x.shape[-1]
    rows = x.size // cols
    assert cols % (L * UNROLL) == 0 and rows % (NW * 2 * ROW_TILE) == 0
    per_w_rows = rows // NW
    chunk_rows = None
    for c in range(16, 0, -1):
        if per_w_rows % c == 0 and (per_w_rows // c) % 2 == 0 \
                and c % ROW_TILE == 0:
            chunk_rows = c
            break
    assert chunk_rows is not None

    x2 = x.reshape(rows, cols).astype(jnp.float32)
    alpha_f = jnp.asarray(alpha, jnp.float32)
    a_vec = jnp.broadcast_to(alpha_f, (L,))
    i_vec = jnp.broadcast_to(1.0 / alpha_f, (L,))

    out = _make_sc_kernel(rows, cols, per_w_rows, chunk_rows)(
        x2, quant_grid.astype(jnp.float32), a_vec, i_vec)
    return out.reshape(x.shape)

# --- scband reference (transcript-rebuilt; emitter-appended) ---
"""Pipeline reference for scband-quantizer-90984587199109 (READ-ONLY COPY).

The authoritative reference and input builder live on the scoring server;
editing this copy changes nothing except your own understanding.
"""

import jax, jax.numpy as jnp
import numpy as np

BIT = 8
K = 2 ** BIT  # size of quant_grid buffer


def setup_inputs(seed: int = 0) -> dict:
    key = jax.random.key(seed)
    k1, k2 = jax.random.split(key)
    # activation tensor to quantize (is_input=True -> per-tensor quantization)
    x = jax.random.normal(k1, (16, 576, 768), dtype=jnp.float32)
    # learned / initialized quantization grid (sorted, scaled like convert_tensor: values * 10/max)
    grid = jax.random.uniform(k2, (K,), dtype=jnp.float32, minval=-1.0, maxval=1.0)
    grid = jnp.sort(grid)
    grid = grid * (10.0 / jnp.max(grid))
    # learnable scale parameter alpha (nn.Parameter(torch.tensor(1.0)))
    alpha = jnp.asarray(1.0, dtype=jnp.float32)
    return {"x": x, "quant_grid": grid, "alpha": alpha}


def _nearest_grid(xs, grid):
    # QuantBase._quantization: map each element to the nearest value in quant_grid.
    # grid is sorted 1-D, so use searchsorted + neighbor comparison (equivalent to argmin |xs - grid|).
    pos = jnp.searchsorted(grid, xs)
    pos = jnp.clip(pos, 1, grid.shape[0] - 1)
    lo = jnp.take(grid, pos - 1)
    hi = jnp.take(grid, pos)
    choose_hi = (hi - xs) < (xs - lo)
    q = jnp.where(choose_hi, hi, lo)
    return q


def reference(x, quant_grid, alpha):
    # Quantizer.forward (enabled path): scale by alpha, snap to nearest grid value,
    # dequantize, with straight-through estimator on x (QuantBase.forward runs under no_grad,
    # so the quantization step is treated as identity for the input gradient).
    xs = x / alpha
    q = _nearest_grid(xs, quant_grid)
    out = alpha * (q + xs - jax.lax.stop_gradient(xs))
    return out

if __name__ == "__main__":
    import jax
    _d = setup_inputs()
    print(jax.jit(kernel)(*tuple(_d.values())))

</pallas_src>

<mosaic_0001>
#map = affine_map<(d0, d1) -> (0, 0)>
#map1 = affine_map<(d0, d1) -> (0)>
module attributes {stable_mosaic.version = 14 : i64} {
  func.func @sc_kernel(%arg0: i32, %arg1: i32, %arg2: memref<9216x768xf32, #tpu.memory_space<hbm>>, %arg3: memref<256xf32, #tpu.memory_space<hbm>>, %arg4: memref<16xf32, #tpu.memory_space<hbm>>, %arg5: memref<16xf32, #tpu.memory_space<hbm>>, %arg6: memref<9216x768xf32, #tpu.memory_space<hbm>>, %arg7: memref<256xf32, #tpu.memory_space<vmem>>, %arg8: memref<256xf32, #tpu.memory_space<vmem>>, %arg9: memref<256xf32, #tpu.memory_space<vmem>>, %arg10: memref<4096xf32, #tpu.memory_space<vmem>>, %arg11: memref<4096xf32, #tpu.memory_space<vmem>>, %arg12: memref<16xf32, #tpu.memory_space<vmem>>, %arg13: memref<16xf32, #tpu.memory_space<vmem>>, %arg14: memref<16x768xf32, #tpu.memory_space<vmem>>, %arg15: memref<16x768xf32, #tpu.memory_space<vmem>>, %arg16: memref<16x768xf32, #tpu.memory_space<vmem>>, %arg17: memref<16x768xf32, #tpu.memory_space<vmem>>, %arg18: memref<!tpu.dma_semaphore, #tpu.memory_space<semaphore_mem>>, %arg19: memref<!tpu.dma_semaphore, #tpu.memory_space<semaphore_mem>>, %arg20: memref<!tpu.dma_semaphore, #tpu.memory_space<semaphore_mem>>, %arg21: memref<!tpu.dma_semaphore, #tpu.memory_space<semaphore_mem>>) attributes {dimension_semantics = [#tpu.dimension_semantics<core_parallel>, #tpu.dimension_semantics<subcore_parallel>], iteration_bounds = array<i64: 2, 16>, scalar_prefetch = 0 : i64, scratch_operands = 15 : i64, tpu.core_type = #tpu.core_type<sc_vector_subcore>, window_params = [{transform_indices = #map}, {transform_indices = #map1}, {transform_indices = #map1}, {transform_indices = #map1}, {transform_indices = #map}]} {
    %mul3A = arith.constant 2 : i32
    %mul3A_0 = arith.muli %arg1, %mul3A : i32
    %add3A = arith.addi %mul3A_0, %arg0 : i32
    %mul3A_1 = arith.constant 288 : i32
    %mul3A_2 = arith.muli %add3A, %mul3A_1 : i32
    "tpu.region"() ({
      %run_scoped3A = tpu.sem_alloc : memref<!tpu.dma_semaphore, #tpu.memory_space<semaphore_mem>>
      tpu.enqueue_dma source(%arg3 : memref<256xf32, #tpu.memory_space<hbm>>) target(%arg7 : memref<256xf32, #tpu.memory_space<vmem>>) target_semaphore(%run_scoped3A : memref<!tpu.dma_semaphore, #tpu.memory_space<semaphore_mem>>)
      tpu.wait_dma2 semaphore(%run_scoped3A : memref<!tpu.dma_semaphore, #tpu.memory_space<semaphore_mem>>) src(%arg3 : memref<256xf32, #tpu.memory_space<hbm>>) dst(%arg7 : memref<256xf32, #tpu.memory_space<vmem>>)
      tpu.yield
    }) : () -> ()
    "tpu.region"() ({
      %run_scoped3A = tpu.sem_alloc : memref<!tpu.dma_semaphore, #tpu.memory_space<semaphore_mem>>
      tpu.enqueue_dma source(%arg4 : memref<16xf32, #tpu.memory_space<hbm>>) target(%arg12 : memref<16xf32, #tpu.memory_space<vmem>>) target_semaphore(%run_scoped3A : memref<!tpu.dma_semaphore, #tpu.memory_space<semaphore_mem>>)
      tpu.wait_dma2 semaphore(%run_scoped3A : memref<!tpu.dma_semaphore, #tpu.memory_space<semaphore_mem>>) src(%arg4 : memref<16xf32, #tpu.memory_space<hbm>>) dst(%arg12 : memref<16xf32, #tpu.memory_space<vmem>>)
      tpu.yield
    }) : () -> ()
    "tpu.region"() ({
      %run_scoped3A = tpu.sem_alloc : memref<!tpu.dma_semaphore, #tpu.memory_space<semaphore_mem>>
      tpu.enqueue_dma source(%arg5 : memref<16xf32, #tpu.memory_space<hbm>>) target(%arg13 : memref<16xf32, #tpu.memory_space<vmem>>) target_semaphore(%run_scoped3A : memref<!tpu.dma_semaphore, #tpu.memory_space<semaphore_mem>>)
      tpu.wait_dma2 semaphore(%run_scoped3A : memref<!tpu.dma_semaphore, #tpu.memory_space<semaphore_mem>>) src(%arg5 : memref<16xf32, #tpu.memory_space<hbm>>) dst(%arg13 : memref<16xf32, #tpu.memory_space<vmem>>)
      tpu.yield
    }) : () -> ()
    %get3A = arith.constant 0 : index
    %get3A_3 = tpu.vector_load %arg12[%get3A] {strides = array<i32>} : memref<16xf32, #tpu.memory_space<vmem>>, vector<16xf32>,
    %get3A_4 = arith.constant 0 : index
    %get3A_5 = tpu.vector_load %arg13[%get3A_4] {strides = array<i32>} : memref<16xf32, #tpu.memory_space<vmem>>, vector<16xf32>,
    %get3A_6 = arith.constant 0 : index
    %get3A_7 = tpu.vector_load %arg7[%get3A_6] {strides = array<i32>} : memref<256xf32, #tpu.memory_space<vmem>>, vector<16xf32>,
    %iota3A = tpu.iota {dimensions = array<i32: 0>} : vector<16xi32>
    %add3A_8 = arith.constant 1 : i32
    %add3A_9 = vector.broadcast %add3A_8 : i32 to vector<16xi32>
    %add3A_10 = arith.addi %iota3A, %add3A_9 : vector<16xi32>
    %min3A = arith.constant 255 : i32
    %min3A_11 = vector.broadcast %min3A : i32 to vector<16xi32>
    %min3A_12 = arith.minsi %add3A_10, %min3A_11 : vector<16xi32>
    %gather3A = tpu.vector_load_idx %arg7[%min3A_12] : memref<256xf32, #tpu.memory_space<vmem>>[vector<16xi32>], vector<16xf32>,
    %add3A_13 = arith.addf %get3A_7, %gather3A : vector<16xf32>
    %mul3A_14 = arith.constant 5.000000e-01 : f32
    %mul3A_15 = vector.broadcast %mul3A_14 : f32 to vector<16xf32>
    %mul3A_16 = arith.mulf %add3A_13, %mul3A_15 : vector<16xf32>
    %swap3A = arith.constant 0 : index
    %swap3A_17 = tpu.vector_load %arg8[%swap3A] {strides = array<i32>} : memref<256xf32, #tpu.memory_space<vmem>>, vector<16xf32>,
    tpu.vector_store %arg8[%swap3A], %mul3A_16 {strides = array<i32>} : memref<256xf32, #tpu.memory_space<vmem>>, vector<16xf32>,
    %mul3A_18 = arith.mulf %get3A_7, %get3A_3 : vector<16xf32>
    %swap3A_19 = arith.constant 0 : index
    %swap3A_20 = tpu.vector_load %arg9[%swap3A_19] {strides = array<i32>} : memref<256xf32, #tpu.memory_space<vmem>>, vector<16xf32>,
    tpu.vector_store %arg9[%swap3A_19], %mul3A_18 {strides = array<i32>} : memref<256xf32, #tpu.memory_space<vmem>>, vector<16xf32>,
    %get3A_21 = arith.constant 16 : index
    %get3A_22 = tpu.vector_load %arg7[%get3A_21] {strides = array<i32>} : memref<256xf32, #tpu.memory_space<vmem>>, vector<16xf32>,
    %iota3A_23 = tpu.iota {dimensions = array<i32: 0>} : vector<16xi32>
    %add3A_24 = arith.constant 17 : i32
    %add3A_25 = vector.broadcast %add3A_24 : i32 to vector<16xi32>
    %add3A_26 = arith.addi %iota3A_23, %add3A_25 : vector<16xi32>
    %min3A_27 = arith.constant 255 : i32
    %min3A_28 = vector.broadcast %min3A_27 : i32 to vector<16xi32>
    %min3A_29 = arith.minsi %add3A_26, %min3A_28 : vector<16xi32>
    %gather3A_30 = tpu.vector_load_idx %arg7[%min3A_29] : memref<256xf32, #tpu.memory_space<vmem>>[vector<16xi32>], vector<16xf32>,
    %add3A_31 = arith.addf %get3A_22, %gather3A_30 : vector<16xf32>
    %mul3A_32 = arith.constant 5.000000e-01 : f32
    %mul3A_33 = vector.broadcast %mul3A_32 : f32 to vector<16xf32>
    %mul3A_34 = arith.mulf %add3A_31, %mul3A_33 : vector<16xf32>
    %swap3A_35 = arith.constant 16 : index
    %swap3A_36 = tpu.vector_load %arg8[%swap3A_35] {strides = array<i32>} : memref<256xf32, #tpu.memory_space<vmem>>, vector<16xf32>,
    tpu.vector_store %arg8[%swap3A_35], %mul3A_34 {strides = array<i32>} : memref<256xf32, #tpu.memory_space<vmem>>, vector<16xf32>,
    %mul3A_37 = arith.mulf %get3A_22, %get3A_3 : vector<16xf32>
    %swap3A_38 = arith.constant 16 : index
    %swap3A_39 = tpu.vector_load %arg9[%swap3A_38] {strides = array<i32>} : memref<256xf32, #tpu.memory_space<vmem>>, vector<16xf32>,
    tpu.vector_store %arg9[%swap3A_38], %mul3A_37 {strides = array<i32>} : memref<256xf32, #tpu.memory_space<vmem>>, vector<16xf32>,
    %get3A_40 = arith.constant 32 : index
    %get3A_41 = tpu.vector_load %arg7[%get3A_40] {strides = array<i32>} : memref<256xf32, #tpu.memory_space<vmem>>, vector<16xf32>,
    %iota3A_42 = tpu.iota {dimensions = array<i32: 0>} : vector<16xi32>
    %add3A_43 = arith.constant 33 : i32
    %add3A_44 = vector.broadcast %add3A_43 : i32 to vector<16xi32>
    %add3A_45 = arith.addi %iota3A_42, %add3A_44 : vector<16xi32>
    %min3A_46 = arith.constant 255 : i32
    %min3A_47 = vector.broadcast %min3A_46 : i32 to vector<16xi32>
    %min3A_48 = arith.minsi %add3A_45, %min3A_47 : vector<16xi32>
    %gather3A_49 = tpu.vector_load_idx %arg7[%min3A_48] : memref<256xf32, #tpu.memory_space<vmem>>[vector<16xi32>], vector<16xf32>,
    %add3A_50 = arith.addf %get3A_41, %gather3A_49 : vector<16xf32>
    %mul3A_51 = arith.constant 5.000000e-01 : f32
    %mul3A_52 = vector.broadcast %mul3A_51 : f32 to vector<16xf32>
    %mul3A_53 = arith.mulf %add3A_50, %mul3A_52 : vector<16xf32>
    %swap3A_54 = arith.constant 32 : index
    %swap3A_55 = tpu.vector_load %arg8[%swap3A_54] {strides = array<i32>} : memref<256xf32, #tpu.memory_space<vmem>>, vector<16xf32>,
    tpu.vector_store %arg8[%swap3A_54], %mul3A_53 {strides = array<i32>} : memref<256xf32, #tpu.memory_space<vmem>>, vector<16xf32>,
    %mul3A_56 = arith.mulf %get3A_41, %get3A_3 : vector<16xf32>
    %swap3A_57 = arith.constant 32 : index
    %swap3A_58 = tpu.vector_load %arg9[%swap3A_57] {strides = array<i32>} : memref<256xf32, #tpu.memory_space<vmem>>, vector<16xf32>,
    tpu.vector_store %arg9[%swap3A_57], %mul3A_56 {strides = array<i32>} : memref<256xf32, #tpu.memory_space<vmem>>, vector<16xf32>,
    %get3A_59 = arith.constant 48 : index
    %get3A_60 = tpu.vector_load %arg7[%get3A_59] {strides = array<i32>} : memref<256xf32, #tpu.memory_space<vmem>>, vector<16xf32>,
    %iota3A_61 = tpu.iota {dimensions = array<i32: 0>} : vector<16xi32>
    %add3A_62 = arith.constant 49 : i32
    %add3A_63 = vector.broadcast %add3A_62 : i32 to vector<16xi32>
    %add3A_64 = arith.addi %iota3A_61, %add3A_63 : vector<16xi32>
    %min3A_65 = arith.constant 255 : i32
    %min3A_66 = vector.broadcast %min3A_65 : i32 to vector<16xi32>
    %min3A_67 = arith.minsi %add3A_64, %min3A_66 : vector<16xi32>
    %gather3A_68 = tpu.vector_load_idx %arg7[%min3A_67] : memref<256xf32, #tpu.memory_space<vmem>>[vector<16xi32>], vector<16xf32>,
    %add3A_69 = arith.addf %get3A_60, %gather3A_68 : vector<16xf32>
    %mul3A_70 = arith.constant 5.000000e-01 : f32
    %mul3A_71 = vector.broadcast %mul3A_70 : f32 to vector<16xf32>
    %mul3A_72 = arith.mulf %add3A_69, %mul3A_71 : vector<16xf32>
    %swap3A_73 = arith.constant 48 : index
    %swap3A_74 = tpu.vector_load %arg8[%swap3A_73] {strides = array<i32>} : memref<256xf32, #tpu.memory_space<vmem>>, vector<16xf32>,
    tpu.vector_store %arg8[%swap3A_73], %mul3A_72 {strides = array<i32>} : memref<256xf32, #tpu.memory_space<vmem>>, vector<16xf32>,
    %mul3A_75 = arith.mulf %get3A_60, %get3A_3 : vector<16xf32>
    %swap3A_76 = arith.constant 48 : index
    %swap3A_77 = tpu.vector_load %arg9[%swap3A_76] {strides = array<i32>} : memref<256xf32, #tpu.memory_space<vmem>>, vector<16xf32>,
    tpu.vector_store %arg9[%swap3A_76], %mul3A_75 {strides = array<i32>} : memref<256xf32, #tpu.memory_space<vmem>>, vector<16xf32>,
    %get3A_78 = arith.constant 64 : index
    %get3A_79 = tpu.vector_load %arg7[%get3A_78] {strides = array<i32>} : memref<256xf32, #tpu.memory_space<vmem>>, vector<16xf32>,
    %iota3A_80 = tpu.iota {dimensions = array<i32: 0>} : vector<16xi32>
    %add3A_81 = arith.constant 65 : i32
    %add3A_82 = vector.broadcast %add3A_81 : i32 to vector<16xi32>
    %add3A_83 = arith.addi %iota3A_80, %add3A_82 : vector<16xi32>
    %min3A_84 = arith.constant 255 : i32
    %min3A_85 = vector.broadcast %min3A_84 : i32 to vector<16xi32>
    %min3A_86 = arith.minsi %add3A_83, %min3A_85 : vector<16xi32>
    %gather3A_87 = tpu.vector_load_idx %arg7[%min3A_86] : memref<256xf32, #tpu.memory_space<vmem>>[vector<16xi32>], vector<16xf32>,
    %add3A_88 = arith.addf %get3A_79, %gather3A_87 : vector<16xf32>
    %mul3A_89 = arith.constant 5.000000e-01 : f32
    %mul3A_90 = vector.broadcast %mul3A_89 : f32 to vector<16xf32>
    %mul3A_91 = arith.mulf %add3A_88, %mul3A_90 : vector<16xf32>
    %swap3A_92 = arith.constant 64 : index
    %swap3A_93 = tpu.vector_load %arg8[%swap3A_92] {strides = array<i32>} : memref<256xf32, #tpu.memory_space<vmem>>, vector<16xf32>,
    tpu.vector_store %arg8[%swap3A_92], %mul3A_91 {strides = array<i32>} : memref<256xf32, #tpu.memory_space<vmem>>, vector<16xf32>,
    %mul3A_94 = arith.mulf %get3A_79, %get3A_3 : vector<16xf32>
    %swap3A_95 = arith.constant 64 : index
    %swap3A_96 = tpu.vector_load %arg9[%swap3A_95] {strides = array<i32>} : memref<256xf32, #tpu.memory_space<vmem>>, vector<16xf32>,
    tpu.vector_store %arg9[%swap3A_95], %mul3A_94 {strides = array<i32>} : memref<256xf32, #tpu.memory_space<vmem>>, vector<16xf32>,
    %get3A_97 = arith.constant 80 : index
    %get3A_98 = tpu.vector_load %arg7[%get3A_97] {strides = array<i32>} : memref<256xf32, #tpu.memory_space<vmem>>, vector<16xf32>,
    %iota3A_99 = tpu.iota {dimensions = array<i32: 0>} : vector<16xi32>
    %add3A_100 = arith.constant 81 : i32
    %add3A_101 = vector.broadcast %add3A_100 : i32 to vector<16xi32>
    %add3A_102 = arith.addi %iota3A_99, %add3A_101 : vector<16xi32>
    %min3A_103 = arith.constant 255 : i32
    %min3A_104 = vector.broadcast %min3A_103 : i32 to vector<16xi32>
    %min3A_105 = arith.minsi %add3A_102, %min3A_104 : vector<16xi32>
    %gather3A_106 = tpu.vector_load_idx %arg7[%min3A_105] : memref<256xf32, #tpu.memory_space<vmem>>[vector<16xi32>], vector<16xf32>,
    %add3A_107 = arith.addf %get3A_98, %gather3A_106 : vector<16xf32>
    %mul3A_108 = arith.constant 5.000000e-01 : f32
    %mul3A_109 = vector.broadcast %mul3A_108 : f32 to vector<16xf32>
    %mul3A_110 = arith.mulf %add3A_107, %mul3A_109 : vector<16xf32>
    %swap3A_111 = arith.constant 80 : index
    %swap3A_112 = tpu.vector_load %arg8[%swap3A_111] {strides = array<i32>} : memref<256xf32, #tpu.memory_space<vmem>>, vector<16xf32>,
    tpu.vector_store %arg8[%swap3A_111], %mul3A_110 {strides = array<i32>} : memref<256xf32, #tpu.memory_space<vmem>>, vector<16xf32>,
    %mul3A_113 = arith.mulf %get3A_98, %get3A_3 : vector<16xf32>
    %swap3A_114 = arith.constant 80 : index
    %swap3A_115 = tpu.vector_load %arg9[%swap3A_114] {strides = array<i32>} : memref<256xf32, #tpu.memory_space<vmem>>, vector<16xf32>,
    tpu.vector_store %arg9[%swap3A_114], %mul3A_113 {strides = array<i32>} : memref<256xf32, #tpu.memory_space<vmem>>, vector<16xf32>,
    %get3A_116 = arith.constant 96 : index
    %get3A_117 = tpu.vector_load %arg7[%get3A_116] {strides = array<i32>} : memref<256xf32, #tpu.memory_space<vmem>>, vector<16xf32>,
    %iota3A_118 = tpu.iota {dimensions = array<i32: 0>} : vector<16xi32>
    %add3A_119 = arith.constant 97 : i32
    %add3A_120 = vector.broadcast %add3A_119 : i32 to vector<16xi32>
    %add3A_121 = arith.addi %iota3A_118, %add3A_120 : vector<16xi32>
    %min3A_122 = arith.constant 255 : i32
    %min3A_123 = vector.broadcast %min3A_122 : i32 to vector<16xi32>
    %min3A_124 = arith.minsi %add3A_121, %min3A_123 : vector<16xi32>
    %gather3A_125 = tpu.vector_load_idx %arg7[%min3A_124] : memref<256xf32, #tpu.memory_space<vmem>>[vector<16xi32>], vector<16xf32>,
    %add3A_126 = arith.addf %get3A_117, %gather3A_125 : vector<16xf32>
    %mul3A_127 = arith.constant 5.000000e-01 : f32
    %mul3A_128 = vector.broadcast %mul3A_127 : f32 to vector<16xf32>
    %mul3A_129 = arith.mulf %add3A_126, %mul3A_128 : vector<16xf32>
    %swap3A_130 = arith.constant 96 : index
    %swap3A_131 = tpu.vector_load %arg8[%swap3A_130] {strides = array<i32>} : memref<256xf32, #tpu.memory_space<vmem>>, vector<16xf32>,
    tpu.vector_store %arg8[%swap3A_130], %mul3A_129 {strides = array<i32>} : memref<256xf32, #tpu.memory_space<vmem>>, vector<16xf32>,
    %mul3A_132 = arith.mulf %get3A_117, %get3A_3 : vector<16xf32>
    %swap3A_133 = arith.constant 96 : index
    %swap3A_134 = tpu.vector_load %arg9[%swap3A_133] {strides = array<i32>} : memref<256xf32, #tpu.memory_space<vmem>>, vector<16xf32>,
    tpu.vector_store %arg9[%swap3A_133], %mul3A_132 {strides = array<i32>} : memref<256xf32, #tpu.memory_space<vmem>>, vector<16xf32>,
    %get3A_135 = arith.constant 112 : index
    %get3A_136 = tpu.vector_load %arg7[%get3A_135] {strides = array<i32>} : memref<256xf32, #tpu.memory_space<vmem>>, vector<16xf32>,
    %iota3A_137 = tpu.iota {dimensions = array<i32: 0>} : vector<16xi32>
    %add3A_138 = arith.constant 113 : i32
    %add3A_139 = vector.broadcast %add3A_138 : i32 to vector<16xi32>
    %add3A_140 = arith.addi %iota3A_137, %add3A_139 : vector<16xi32>
    %min3A_141 = arith.constant 255 : i32
    %min3A_142 = vector.broadcast %min3A_141 : i32 to vector<16xi32>
    %min3A_143 = arith.minsi %add3A_140, %min3A_142 : vector<16xi32>
    %gather3A_144 = tpu.vector_load_idx %arg7[%min3A_143] : memref<256xf32, #tpu.memory_space<vmem>>[vector<16xi32>], vector<16xf32>,
    %add3A_145 = arith.addf %get3A_136, %gather3A_144 : vector<16xf32>
    %mul3A_146 = arith.constant 5.000000e-01 : f32
    %mul3A_147 = vector.broadcast %mul3A_146 : f32 to vector<16xf32>
    %mul3A_148 = arith.mulf %add3A_145, %mul3A_147 : vector<16xf32>
    %swap3A_149 = arith.constant 112 : index
    %swap3A_150 = tpu.vector_load %arg8[%swap3A_149] {strides = array<i32>} : memref<256xf32, #tpu.memory_space<vmem>>, vector<16xf32>,
    tpu.vector_store %arg8[%swap3A_149], %mul3A_148 {strides = array<i32>} : memref<256xf32, #tpu.memory_space<vmem>>, vector<16xf32>,
    %mul3A_151 = arith.mulf %get3A_136, %get3A_3 : vector<16xf32>
    %swap3A_152 = arith.constant 112 : index
    %swap3A_153 = tpu.vector_load %arg9[%swap3A_152] {strides = array<i32>} : memref<256xf32, #tpu.memory_space<vmem>>, vector<16xf32>,
    tpu.vector_store %arg9[%swap3A_152], %mul3A_151 {strides = array<i32>} : memref<256xf32, #tpu.memory_space<vmem>>, vector<16xf32>,
    %get3A_154 = arith.constant 128 : index
    %get3A_155 = tpu.vector_load %arg7[%get3A_154] {strides = array<i32>} : memref<256xf32, #tpu.memory_space<vmem>>, vector<16xf32>,
    %iota3A_156 = tpu.iota {dimensions = array<i32: 0>} : vector<16xi32>
    %add3A_157 = arith.constant 129 : i32
    %add3A_158 = vector.broadcast %add3A_157 : i32 to vector<16xi32>
    %add3A_159 = arith.addi %iota3A_156, %add3A_158 : vector<16xi32>
    %min3A_160 = arith.constant 255 : i32
    %min3A_161 = vector.broadcast %min3A_160 : i32 to vector<16xi32>
    %min3A_162 = arith.minsi %add3A_159, %min3A_161 : vector<16xi32>
    %gather3A_163 = tpu.vector_load_idx %arg7[%min3A_162] : memref<256xf32, #tpu.memory_space<vmem>>[vector<16xi32>], vector<16xf32>,
    %add3A_164 = arith.addf %get3A_155, %gather3A_163 : vector<16xf32>
    %mul3A_165 = arith.constant 5.000000e-01 : f32
    %mul3A_166 = vector.broadcast %mul3A_165 : f32 to vector<16xf32>
    %mul3A_167 = arith.mulf %add3A_164, %mul3A_166 : vector<16xf32>
    %swap3A_168 = arith.constant 128 : index
    %swap3A_169 = tpu.vector_load %arg8[%swap3A_168] {strides = array<i32>} : memref<256xf32, #tpu.memory_space<vmem>>, vector<16xf32>,
    tpu.vector_store %arg8[%swap3A_168], %mul3A_167 {strides = array<i32>} : memref<256xf32, #tpu.memory_space<vmem>>, vector<16xf32>,
    %mul3A_170 = arith.mulf %get3A_155, %get3A_3 : vector<16xf32>
    %swap3A_171 = arith.constant 128 : index
    %swap3A_172 = tpu.vector_load %arg9[%swap3A_171] {strides = array<i32>} : memref<256xf32, #tpu.memory_space<vmem>>, vector<16xf32>,
    tpu.vector_store %arg9[%swap3A_171], %mul3A_170 {strides = array<i32>} : memref<256xf32, #tpu.memory_space<vmem>>, vector<16xf32>,
    %get3A_173 = arith.constant 144 : index
    %get3A_174 = tpu.vector_load %arg7[%get3A_173] {strides = array<i32>} : memref<256xf32, #tpu.memory_space<vmem>>, vector<16xf32>,
    %iota3A_175 = tpu.iota {dimensions = array<i32: 0>} : vector<16xi32>
    %add3A_176 = arith.constant 145 : i32
    %add3A_177 = vector.broadcast %add3A_176 : i32 to vector<16xi32>
    %add3A_178 = arith.addi %iota3A_175, %add3A_177 : vector<16xi32>
    %min3A_179 = arith.constant 255 : i32
    %min3A_180 = vector.broadcast %min3A_179 : i32 to vector<16xi32>
    %min3A_181 = arith.minsi %add3A_178, %min3A_180 : vector<16xi32>
    %gather3A_182 = tpu.vector_load_idx %arg7[%min3A_181] : memref<256xf32, #tpu.memory_space<vmem>>[vector<16xi32>], vector<16xf32>,
    %add3A_183 = arith.addf %get3A_174, %gather3A_182 : vector<16xf32>
    %mul3A_184 = arith.constant 5.000000e-01 : f32
    %mul3A_185 = vector.broadcast %mul3A_184 : f32 to vector<16xf32>
    %mul3A_186 = arith.mulf %add3A_183, %mul3A_185 : vector<16xf32>
    %swap3A_187 = arith.constant 144 : index
    %swap3A_188 = tpu.vector_load %arg8[%swap3A_187] {strides = array<i32>} : memref<256xf32, #tpu.memory_space<vmem>>, vector<16xf32>,
    tpu.vector_store %arg8[%swap3A_187], %mul3A_186 {strides = array<i32>} : memref<256xf32, #tpu.memory_space<vmem>>, vector<16xf32>,
    %mul3A_189 = arith.mulf %get3A_174, %get3A_3 : vector<16xf32>
    %swap3A_190 = arith.constant 144 : index
    %swap3A_191 = tpu.vector_load %arg9[%swap3A_190] {strides = array<i32>} : memref<256xf32, #tpu.memory_space<vmem>>, vector<16xf32>,
    tpu.vector_store %arg9[%swap3A_190], %mul3A_189 {strides = array<i32>} : memref<256xf32, #tpu.memory_space<vmem>>, vector<16xf32>,
    %get3A_192 = arith.constant 160 : index
    %get3A_193 = tpu.vector_load %arg7[%get3A_192] {strides = array<i32>} : memref<256xf32, #tpu.memory_space<vmem>>, vector<16xf32>,
    %iota3A_194 = tpu.iota {dimensions = array<i32: 0>} : vector<16xi32>
    %add3A_195 = arith.constant 161 : i32
    %add3A_196 = vector.broadcast %add3A_195 : i32 to vector<16xi32>
    %add3A_197 = arith.addi %iota3A_194, %add3A_196 : vector<16xi32>
    %min3A_198 = arith.constant 255 : i32
    %min3A_199 = vector.broadcast %min3A_198 : i32 to vector<16xi32>
    %min3A_200 = arith.minsi %add3A_197, %min3A_199 : vector<16xi32>
    %gather3A_201 = tpu.vector_load_idx %arg7[%min3A_200] : memref<256xf32, #tpu.memory_space<vmem>>[vector<16xi32>], vector<16xf32>,
    %add3A_202 = arith.addf %get3A_193, %gather3A_201 : vector<16xf32>
    %mul3A_203 = arith.constant 5.000000e-01 : f32
    %mul3A_204 = vector.broadcast %mul3A_203 : f32 to vector<16xf32>
    %mul3A_205 = arith.mulf %add3A_202, %mul3A_204 : vector<16xf32>
    %swap3A_206 = arith.constant 160 : index
    %swap3A_207 = tpu.vector_load %arg8[%swap3A_206] {strides = array<i32>} : memref<256xf32, #tpu.memory_space<vmem>>, vector<16xf32>,
    tpu.vector_store %arg8[%swap3A_206], %mul3A_205 {strides = array<i32>} : memref<256xf32, #tpu.memory_space<vmem>>, vector<16xf32>,
    %mul3A_208 = arith.mulf %get3A_193, %get3A_3 : vector<16xf32>
    %swap3A_209 = arith.constant 160 : index
    %swap3A_210 = tpu.vector_load %arg9[%swap3A_209] {strides = array<i32>} : memref<256xf32, #tpu.memory_space<vmem>>, vector<16xf32>,
    tpu.vector_store %arg9[%swap3A_209], %mul3A_208 {strides = array<i32>} : memref<256xf32, #tpu.memory_space<vmem>>, vector<16xf32>,
    %get3A_211 = arith.constant 176 : index
    %get3A_212 = tpu.vector_load %arg7[%get3A_211] {strides = array<i32>} : memref<256xf32, #tpu.memory_space<vmem>>, vector<16xf32>,
    %iota3A_213 = tpu.iota {dimensions = array<i32: 0>} : vector<16xi32>
    %add3A_214 = arith.constant 177 : i32
    %add3A_215 = vector.broadcast %add3A_214 : i32 to vector<16xi32>
    %add3A_216 = arith.addi %iota3A_213, %add3A_215 : vector<16xi32>
    %min3A_217 = arith.constant 255 : i32
    %min3A_218 = vector.broadcast %min3A_217 : i32 to vector<16xi32>
    %min3A_219 = arith.minsi %add3A_216, %min3A_218 : vector<16xi32>
    %gather3A_220 = tpu.vector_load_idx %arg7[%min3A_219] : memref<256xf32, #tpu.memory_space<vmem>>[vector<16xi32>], vector<16xf32>,
    %add3A_221 = arith.addf %get3A_212, %gather3A_220 : vector<16xf32>
    %mul3A_222 = arith.constant 5.000000e-01 : f32
    %mul3A_223 = vector.broadcast %mul3A_222 : f32 to vector<16xf32>
    %mul3A_224 = arith.mulf %add3A_221, %mul3A_223 : vector<16xf32>
    %swap3A_225 = arith.constant 176 : index
    %swap3A_226 = tpu.vector_load %arg8[%swap3A_225] {strides = array<i32>} : memref<256xf32, #tpu.memory_space<vmem>>, vector<16xf32>,
    tpu.vector_store %arg8[%swap3A_225], %mul3A_224 {strides = array<i32>} : memref<256xf32, #tpu.memory_space<vmem>>, vector<16xf32>,
    %mul3A_227 = arith.mulf %get3A_212, %get3A_3 : vector<16xf32>
    %swap3A_228 = arith.constant 176 : index
    %swap3A_229 = tpu.vector_load %arg9[%swap3A_228] {strides = array<i32>} : memref<256xf32, #tpu.memory_space<vmem>>, vector<16xf32>,
    tpu.vector_store %arg9[%swap3A_228], %mul3A_227 {strides = array<i32>} : memref<256xf32, #tpu.memory_space<vmem>>, vector<16xf32>,
    %get3A_230 = arith.constant 192 : index
    %get3A_231 = tpu.vector_load %arg7[%get3A_230] {strides = array<i32>} : memref<256xf32, #tpu.memory_space<vmem>>, vector<16xf32>,
    %iota3A_232 = tpu.iota {dimensions = array<i32: 0>} : vector<16xi32>
    %add3A_233 = arith.constant 193 : i32
    %add3A_234 = vector.broadcast %add3A_233 : i32 to vector<16xi32>
    %add3A_235 = arith.addi %iota3A_232, %add3A_234 : vector<16xi32>
    %min3A_236 = arith.constant 255 : i32
    %min3A_237 = vector.broadcast %min3A_236 : i32 to vector<16xi32>
    %min3A_238 = arith.minsi %add3A_235, %min3A_237 : vector<16xi32>
    %gather3A_239 = tpu.vector_load_idx %arg7[%min3A_238] : memref<256xf32, #tpu.memory_space<vmem>>[vector<16xi32>], vector<16xf32>,
    %add3A_240 = arith.addf %get3A_231, %gather3A_239 : vector<16xf32>
    %mul3A_241 = arith.constant 5.000000e-01 : f32
    %mul3A_242 = vector.broadcast %mul3A_241 : f32 to vector<16xf32>
    %mul3A_243 = arith.mulf %add3A_240, %mul3A_242 : vector<16xf32>
    %swap3A_244 = arith.constant 192 : index
    %swap3A_245 = tpu.vector_load %arg8[%swap3A_244] {strides = array<i32>} : memref<256xf32, #tpu.memory_space<vmem>>, vector<16xf32>,
    tpu.vector_store %arg8[%swap3A_244], %mul3A_243 {strides = array<i32>} : memref<256xf32, #tpu.memory_space<vmem>>, vector<16xf32>,
    %mul3A_246 = arith.mulf %get3A_231, %get3A_3 : vector<16xf32>
    %swap3A_247 = arith.constant 192 : index
    %swap3A_248 = tpu.vector_load %arg9[%swap3A_247] {strides = array<i32>} : memref<256xf32, #tpu.memory_space<vmem>>, vector<16xf32>,
    tpu.vector_store %arg9[%swap3A_247], %mul3A_246 {strides = array<i32>} : memref<256xf32, #tpu.memory_space<vmem>>, vector<16xf32>,
    %get3A_249 = arith.constant 208 : index
    %get3A_250 = tpu.vector_load %arg7[%get3A_249] {strides = array<i32>} : memref<256xf32, #tpu.memory_space<vmem>>, vector<16xf32>,
    %iota3A_251 = tpu.iota {dimensions = array<i32: 0>} : vector<16xi32>
    %add3A_252 = arith.constant 209 : i32
    %add3A_253 = vector.broadcast %add3A_252 : i32 to vector<16xi32>
    %add3A_254 = arith.addi %iota3A_251, %add3A_253 : vector<16xi32>
    %min3A_255 = arith.constant 255 : i32
    %min3A_256 = vector.broadcast %min3A_255 : i32 to vector<16xi32>
    %min3A_257 = arith.minsi %add3A_254, %min3A_256 : vector<16xi32>
    %gather3A_258 = tpu.vector_load_idx %arg7[%min3A_257] : memref<256xf32, #tpu.memory_space<vmem>>[vector<16xi32>], vector<16xf32>,
    %add3A_259 = arith.addf %get3A_250, %gather3A_258 : vector<16xf32>
    %mul3A_260 = arith.constant 5.000000e-01 : f32
    %mul3A_261 = vector.broadcast %mul3A_260 : f32 to vector<16xf32>
    %mul3A_262 = arith.mulf %add3A_259, %mul3A_261 : vector<16xf32>
    %swap3A_263 = arith.constant 208 : index
    %swap3A_264 = tpu.vector_load %arg8[%swap3A_263] {strides = array<i32>} : memref<256xf32, #tpu.memory_space<vmem>>, vector<16xf32>,
    tpu.vector_store %arg8[%swap3A_263], %mul3A_262 {strides = array<i32>} : memref<256xf32, #tpu.memory_space<vmem>>, vector<16xf32>,
    %mul3A_265 = arith.mulf %get3A_250, %get3A_3 : vector<16xf32>
    %swap3A_266 = arith.constant 208 : index
    %swap3A_267 = tpu.vector_load %arg9[%swap3A_266] {strides = array<i32>} : memref<256xf32, #tpu.memory_space<vmem>>, vector<16xf32>,
    tpu.vector_store %arg9[%swap3A_266], %mul3A_265 {strides = array<i32>} : memref<256xf32, #tpu.memory_space<vmem>>, vector<16xf32>,
    %get3A_268 = arith.constant 224 : index
    %get3A_269 = tpu.vector_load %arg7[%get3A_268] {strides = array<i32>} : memref<256xf32, #tpu.memory_space<vmem>>, vector<16xf32>,
    %iota3A_270 = tpu.iota {dimensions = array<i32: 0>} : vector<16xi32>
    %add3A_271 = arith.constant 225 : i32
    %add3A_272 = vector.broadcast %add3A_271 : i32 to vector<16xi32>
    %add3A_273 = arith.addi %iota3A_270, %add3A_272 : vector<16xi32>
    %min3A_274 = arith.constant 255 : i32
    %min3A_275 = vector.broadcast %min3A_274 : i32 to vector<16xi32>
    %min3A_276 = arith.minsi %add3A_273, %min3A_275 : vector<16xi32>
    %gather3A_277 = tpu.vector_load_idx %arg7[%min3A_276] : memref<256xf32, #tpu.memory_space<vmem>>[vector<16xi32>], vector<16xf32>,
    %add3A_278 = arith.addf %get3A_269, %gather3A_277 : vector<16xf32>
    %mul3A_279 = arith.constant 5.000000e-01 : f32
    %mul3A_280 = vector.broadcast %mul3A_279 : f32 to vector<16xf32>
    %mul3A_281 = arith.mulf %add3A_278, %mul3A_280 : vector<16xf32>
    %swap3A_282 = arith.constant 224 : index
    %swap3A_283 = tpu.vector_load %arg8[%swap3A_282] {strides = array<i32>} : memref<256xf32, #tpu.memory_space<vmem>>, vector<16xf32>,
    tpu.vector_store %arg8[%swap3A_282], %mul3A_281 {strides = array<i32>} : memref<256xf32, #tpu.memory_space<vmem>>, vector<16xf32>,
    %mul3A_284 = arith.mulf %get3A_269, %get3A_3 : vector<16xf32>
    %swap3A_285 = arith.constant 224 : index
    %swap3A_286 = tpu.vector_load %arg9[%swap3A_285] {strides = array<i32>} : memref<256xf32, #tpu.memory_space<vmem>>, vector<16xf32>,
    tpu.vector_store %arg9[%swap3A_285], %mul3A_284 {strides = array<i32>} : memref<256xf32, #tpu.memory_space<vmem>>, vector<16xf32>,
    %get3A_287 = arith.constant 240 : index
    %get3A_288 = tpu.vector_load %arg7[%get3A_287] {strides = array<i32>} : memref<256xf32, #tpu.memory_space<vmem>>, vector<16xf32>,
    %iota3A_289 = tpu.iota {dimensions = array<i32: 0>} : vector<16xi32>
    %add3A_290 = arith.constant 241 : i32
    %add3A_291 = vector.broadcast %add3A_290 : i32 to vector<16xi32>
    %add3A_292 = arith.addi %iota3A_289, %add3A_291 : vector<16xi32>
    %min3A_293 = arith.constant 255 : i32
    %min3A_294 = vector.broadcast %min3A_293 : i32 to vector<16xi32>
    %min3A_295 = arith.minsi %add3A_292, %min3A_294 : vector<16xi32>
    %gather3A_296 = tpu.vector_load_idx %arg7[%min3A_295] : memref<256xf32, #tpu.memory_space<vmem>>[vector<16xi32>], vector<16xf32>,
    %add3A_297 = arith.addf %get3A_288, %gather3A_296 : vector<16xf32>
    %mul3A_298 = arith.constant 5.000000e-01 : f32
    %mul3A_299 = vector.broadcast %mul3A_298 : f32 to vector<16xf32>
    %mul3A_300 = arith.mulf %add3A_297, %mul3A_299 : vector<16xf32>
    %swap3A_301 = arith.constant 240 : index
    %swap3A_302 = tpu.vector_load %arg8[%swap3A_301] {strides = array<i32>} : memref<256xf32, #tpu.memory_space<vmem>>, vector<16xf32>,
    tpu.vector_store %arg8[%swap3A_301], %mul3A_300 {strides = array<i32>} : memref<256xf32, #tpu.memory_space<vmem>>, vector<16xf32>,
    %mul3A_303 = arith.mulf %get3A_288, %get3A_3 : vector<16xf32>
    %swap3A_304 = arith.constant 240 : index
    %swap3A_305 = tpu.vector_load %arg9[%swap3A_304] {strides = array<i32>} : memref<256xf32, #tpu.memory_space<vmem>>, vector<16xf32>,
    tpu.vector_store %arg9[%swap3A_304], %mul3A_303 {strides = array<i32>} : memref<256xf32, #tpu.memory_space<vmem>>, vector<16xf32>,
    %parallel_loop3A = arith.constant 0 : i32
    %parallel_loop3A_306 = arith.constant 256 : i32
    %parallel_loop3A_307 = arith.constant 1 : i32
    scf.for %parallel_loop3A_345 = %parallel_loop3A to %parallel_loop3A_306 step %parallel_loop3A_307  : i32 {
      %parallel_loop3A_346 = arith.constant 0 : i32
      %parallel_loop3A_347 = vector.broadcast %parallel_loop3A_346 : i32 to vector<16xi32>
      %parallel_loop3A_348 = vector.broadcast %parallel_loop3A_345 : i32 to vector<16xi32>
      %parallel_loop3A_349 = arith.addi %parallel_loop3A_347, %parallel_loop3A_348 : vector<16xi32>
      %parallel_loop3A_350 = tpu.vector_load_idx %arg8[%parallel_loop3A_349] : memref<256xf32, #tpu.memory_space<vmem>>[vector<16xi32>], vector<16xf32>,
      %parallel_loop3A_351 = arith.constant 16 : i32
      %parallel_loop3A_352 = arith.muli %parallel_loop3A_345, %parallel_loop3A_351 : i32
      %parallel_loop3A_353 = arith.index_cast %parallel_loop3A_352 : i32 to index
      %parallel_loop3A_354 = tpu.vector_load %arg10[%parallel_loop3A_353] {strides = array<i32>} : memref<4096xf32, #tpu.memory_space<vmem>>, vector<16xf32>,
      tpu.vector_store %arg10[%parallel_loop3A_353], %parallel_loop3A_350 {strides = array<i32>} : memref<4096xf32, #tpu.memory_space<vmem>>, vector<16xf32>,
      %parallel_loop3A_355 = tpu.vector_load_idx %arg9[%parallel_loop3A_349] : memref<256xf32, #tpu.memory_space<vmem>>[vector<16xi32>], vector<16xf32>,
      %parallel_loop3A_356 = arith.constant 16 : i32
      %parallel_loop3A_357 = arith.muli %parallel_loop3A_345, %parallel_loop3A_356 : i32
      %parallel_loop3A_358 = arith.index_cast %parallel_loop3A_357 : i32 to index
      %parallel_loop3A_359 = tpu.vector_load %arg11[%parallel_loop3A_358] {strides = array<i32>} : memref<4096xf32, #tpu.memory_space<vmem>>, vector<16xf32>,
      tpu.vector_store %arg11[%parallel_loop3A_358], %parallel_loop3A_355 {strides = array<i32>} : memref<4096xf32, #tpu.memory_space<vmem>>, vector<16xf32>,
    } {sc.loop_unroll_factor = 4 : i64, sc.parallel_access}
    %iota3A_308 = tpu.iota {dimensions = array<i32: 0>} : vector<16xi32>
    %add3A_309 = arith.constant 112 : i32
    %add3A_310 = vector.broadcast %add3A_309 : i32 to vector<16xi32>
    %add3A_311 = arith.addi %iota3A_308, %add3A_310 : vector<16xi32>
    %mul3A_312 = arith.constant 16 : i32
    %mul3A_313 = vector.broadcast %mul3A_312 : i32 to vector<16xi32>
    %mul3A_314 = arith.muli %iota3A_308, %mul3A_313 : vector<16xi32>
    %add3A_315 = arith.constant 15 : i32
    %add3A_316 = vector.broadcast %add3A_315 : i32 to vector<16xi32>
    %add3A_317 = arith.addi %mul3A_314, %add3A_316 : vector<16xi32>
    %gather3A_318 = tpu.vector_load_idx %arg8[%add3A_317] : memref<256xf32, #tpu.memory_space<vmem>>[vector<16xi32>], vector<16xf32>,
    %dma_start3A = arith.constant 0 : i32
    %dma_start3A_319 = tpu.memref_slice %arg2[%mul3A_2, %dma_start3A] : memref<9216x768xf32, #tpu.memory_space<hbm>> -> memref<16x768xf32, #tpu.memory_space<hbm>>
    %dma_start3A_320 = arith.constant 0 : i32
    %dma_start3A_321 = tpu.memref_slice %arg2[%mul3A_2, %dma_start3A_320] : memref<9216x768xf32, #tpu.memory_space<hbm>> -> memref<16x768xf32, #tpu.memory_space<hbm>>
    tpu.enqueue_dma source(%dma_start3A_321 : memref<16x768xf32, #tpu.memory_space<hbm>>) target(%arg14 : memref<16x768xf32, #tpu.memory_space<vmem>>) target_semaphore(%arg18 : memref<!tpu.dma_semaphore, #tpu.memory_space<semaphore_mem>>)
    %add3A_322 = arith.constant 16 : i32
    %add3A_323 = arith.addi %mul3A_2, %add3A_322 : i32
    %dma_start3A_324 = arith.constant 0 : i32
    %dma_start3A_325 = tpu.memref_slice %arg2[%add3A_323, %dma_start3A_324] : memref<9216x768xf32, #tpu.memory_space<hbm>> -> memref<16x768xf32, #tpu.memory_space<hbm>>
    %dma_start3A_326 = arith.constant 0 : i32
    %dma_start3A_327 = tpu.memref_slice %arg2[%add3A_323, %dma_start3A_326] : memref<9216x768xf32, #tpu.memory_space<hbm>> -> memref<16x768xf32, #tpu.memory_space<hbm>>
    tpu.enqueue_dma source(%dma_start3A_327 : memref<16x768xf32, #tpu.memory_space<hbm>>) target(%arg15 : memref<16x768xf32, #tpu.memory_space<vmem>>) target_semaphore(%arg19 : memref<!tpu.dma_semaphore, #tpu.memory_space<semaphore_mem>>)
    %scan3A = arith.constant 0 : i32
    %scan3A_328 = arith.constant 0 : i32
    %scan3A_329 = arith.constant 9 : i32
    %scan3A_330 = arith.addi %scan3A_328, %scan3A_329 : i32
    %scan3A_331 = arith.constant 1 : i32
    scf.for %scan3A_345 = %scan3A_328 to %scan3A_330 step %scan3A_331  : i32 {
      %mul3A_346 = arith.constant 2 : i32
      %mul3A_347 = arith.muli %mul3A_346, %scan3A_345 : i32
      %mul3A_348 = arith.constant 16 : i32
      %mul3A_349 = arith.muli %mul3A_347, %mul3A_348 : i32
      %add3A_350 = arith.addi %mul3A_2, %mul3A_349 : i32
      %dma_wait3A_351 = arith.constant 0 : i32
      %dma_wait3A_352 = tpu.memref_slice %arg2[%add3A_350, %dma_wait3A_351] : memref<9216x768xf32, #tpu.memory_space<hbm>> -> memref<16x768xf32, #tpu.memory_space<hbm>>
      %dma_wait3A_353 = arith.constant 0 : i32
      %dma_wait3A_354 = tpu.memref_slice %arg2[%add3A_350, %dma_wait3A_353] : memref<9216x768xf32, #tpu.memory_space<hbm>> -> memref<16x768xf32, #tpu.memory_space<hbm>>
      tpu.wait_dma2 semaphore(%arg18 : memref<!tpu.dma_semaphore, #tpu.memory_space<semaphore_mem>>) src(%dma_wait3A_354 : memref<16x768xf32, #tpu.memory_space<hbm>>) dst(%arg14 : memref<16x768xf32, #tpu.memory_space<vmem>>)
      %gt3A = arith.constant 0 : i32
      %gt3A_355 = arith.cmpi sgt, %scan3A_345, %gt3A : i32
      %convert_element_type3A = arith.extui %gt3A_355 : i1 to i32
      %cond3A = arith.constant 0 : i32
      %cond3A_356 = arith.cmpi ne, %convert_element_type3A, %cond3A : i32
      scf.if %cond3A_356 {
        %sub3A_395 = arith.constant 32 : i32
        %sub3A_396 = arith.subi %add3A_350, %sub3A_395 : i32
        %dma_wait3A_397 = arith.constant 0 : i32
        %dma_wait3A_398 = tpu.memref_slice %arg6[%sub3A_396, %dma_wait3A_397] : memref<9216x768xf32, #tpu.memory_space<hbm>> -> memref<16x768xf32, #tpu.memory_space<hbm>>
        %dma_wait3A_399 = arith.constant 0 : i32
        %dma_wait3A_400 = tpu.memref_slice %arg6[%sub3A_396, %dma_wait3A_399] : memref<9216x768xf32, #tpu.memory_space<hbm>> -> memref<16x768xf32, #tpu.memory_space<hbm>>
        tpu.wait_dma2 semaphore(%arg20 : memref<!tpu.dma_semaphore, #tpu.memory_space<semaphore_mem>>) src(%arg16 : memref<16x768xf32, #tpu.memory_space<vmem>>) dst(%dma_wait3A_400 : memref<16x768xf32, #tpu.memory_space<hbm>>)
      } else {
      }
      %parallel_loop3A_357 = arith.constant 0 : i32
      %parallel_loop3A_358 = arith.constant 16 : i32
      %parallel_loop3A_359 = arith.constant 1 : i32
      scf.for %parallel_loop3A_395 = %parallel_loop3A_357 to %parallel_loop3A_358 step %parallel_loop3A_359  : i32 {
        %parallel_loop3A_396 = arith.constant 0 : i32
        %parallel_loop3A_397 = arith.constant 768 : i32
        %parallel_loop3A_398 = arith.constant 128 : i32
        scf.for %parallel_loop3A_399 = %parallel_loop3A_396 to %parallel_loop3A_397 step %parallel_loop3A_398  : i32 {
          %parallel_loop3A_400 = tpu.assume_multiple %parallel_loop3A_399, 128 : i32
          %parallel_loop3A_401 = arith.constant 0 : i32
          %parallel_loop3A_402 = arith.addi %parallel_loop3A_400, %parallel_loop3A_401 : i32
          %parallel_loop3A_403 = arith.index_cast %parallel_loop3A_395 : i32 to index
          %parallel_loop3A_404 = arith.index_cast %parallel_loop3A_402 : i32 to index
          %parallel_loop3A_405 = tpu.vector_load %arg14[%parallel_loop3A_403, %parallel_loop3A_404] {strides = array<i32>} : memref<16x768xf32, #tpu.memory_space<vmem>>, vector<16xf32>,
          %parallel_loop3A_406 = arith.mulf %parallel_loop3A_405, %get3A_5 : vector<16xf32>
          %parallel_loop3A_407 = arith.constant 16 : i32
          %parallel_loop3A_408 = arith.addi %parallel_loop3A_400, %parallel_loop3A_407 : i32
          %parallel_loop3A_409 = arith.index_cast %parallel_loop3A_395 : i32 to index
          %parallel_loop3A_410 = arith.index_cast %parallel_loop3A_408 : i32 to index
          %parallel_loop3A_411 = tpu.vector_load %arg14[%parallel_loop3A_409, %parallel_loop3A_410] {strides = array<i32>} : memref<16x768xf32, #tpu.memory_space<vmem>>, vector<16xf32>,
          %parallel_loop3A_412 = arith.mulf %parallel_loop3A_411, %get3A_5 : vector<16xf32>
          %parallel_loop3A_413 = arith.constant 32 : i32
          %parallel_loop3A_414 = arith.addi %parallel_loop3A_400, %parallel_loop3A_413 : i32
          %parallel_loop3A_415 = arith.index_cast %parallel_loop3A_395 : i32 to index
          %parallel_loop3A_416 = arith.index_cast %parallel_loop3A_414 : i32 to index
          %parallel_loop3A_417 = tpu.vector_load %arg14[%parallel_loop3A_415, %parallel_loop3A_416] {strides = array<i32>} : memref<16x768xf32, #tpu.memory_space<vmem>>, vector<16xf32>,
          %parallel_loop3A_418 = arith.mulf %parallel_loop3A_417, %get3A_5 : vector<16xf32>
          %parallel_loop3A_419 = arith.constant 48 : i32
          %parallel_loop3A_420 = arith.addi %parallel_loop3A_400, %parallel_loop3A_419 : i32
          %parallel_loop3A_421 = arith.index_cast %parallel_loop3A_395 : i32 to index
          %parallel_loop3A_422 = arith.index_cast %parallel_loop3A_420 : i32 to index
          %parallel_loop3A_423 = tpu.vector_load %arg14[%parallel_loop3A_421, %parallel_loop3A_422] {strides = array<i32>} : memref<16x768xf32, #tpu.memory_space<vmem>>, vector<16xf32>,
          %parallel_loop3A_424 = arith.mulf %parallel_loop3A_423, %get3A_5 : vector<16xf32>
          %parallel_loop3A_425 = arith.constant 64 : i32
          %parallel_loop3A_426 = arith.addi %parallel_loop3A_400, %parallel_loop3A_425 : i32
          %parallel_loop3A_427 = arith.index_cast %parallel_loop3A_395 : i32 to index
          %parallel_loop3A_428 = arith.index_cast %parallel_loop3A_426 : i32 to index
          %parallel_loop3A_429 = tpu.vector_load %arg14[%parallel_loop3A_427, %parallel_loop3A_428] {strides = array<i32>} : memref<16x768xf32, #tpu.memory_space<vmem>>, vector<16xf32>,
          %parallel_loop3A_430 = arith.mulf %parallel_loop3A_429, %get3A_5 : vector<16xf32>
          %parallel_loop3A_431 = arith.constant 80 : i32
          %parallel_loop3A_432 = arith.addi %parallel_loop3A_400, %parallel_loop3A_431 : i32
          %parallel_loop3A_433 = arith.index_cast %parallel_loop3A_395 : i32 to index
          %parallel_loop3A_434 = arith.index_cast %parallel_loop3A_432 : i32 to index
          %parallel_loop3A_435 = tpu.vector_load %arg14[%parallel_loop3A_433, %parallel_loop3A_434] {strides = array<i32>} : memref<16x768xf32, #tpu.memory_space<vmem>>, vector<16xf32>,
          %parallel_loop3A_436 = arith.mulf %parallel_loop3A_435, %get3A_5 : vector<16xf32>
          %parallel_loop3A_437 = arith.constant 96 : i32
          %parallel_loop3A_438 = arith.addi %parallel_loop3A_400, %parallel_loop3A_437 : i32
          %parallel_loop3A_439 = arith.index_cast %parallel_loop3A_395 : i32 to index
          %parallel_loop3A_440 = arith.index_cast %parallel_loop3A_438 : i32 to index
          %parallel_loop3A_441 = tpu.vector_load %arg14[%parallel_loop3A_439, %parallel_loop3A_440] {strides = array<i32>} : memref<16x768xf32, #tpu.memory_space<vmem>>, vector<16xf32>,
          %parallel_loop3A_442 = arith.mulf %parallel_loop3A_441, %get3A_5 : vector<16xf32>
          %parallel_loop3A_443 = arith.constant 112 : i32
          %parallel_loop3A_444 = arith.addi %parallel_loop3A_400, %parallel_loop3A_443 : i32
          %parallel_loop3A_445 = arith.index_cast %parallel_loop3A_395 : i32 to index
          %parallel_loop3A_446 = arith.index_cast %parallel_loop3A_444 : i32 to index
          %parallel_loop3A_447 = tpu.vector_load %arg14[%parallel_loop3A_445, %parallel_loop3A_446] {strides = array<i32>} : memref<16x768xf32, #tpu.memory_space<vmem>>, vector<16xf32>,
          %parallel_loop3A_448 = arith.mulf %parallel_loop3A_447, %get3A_5 : vector<16xf32>
          %parallel_loop3A_449 = arith.constant 7 : i32
          %parallel_loop3A_450 = vector.broadcast %parallel_loop3A_449 : i32 to vector<16xi32>
          %parallel_loop3A_451 = arith.constant 7 : i32
          %parallel_loop3A_452 = vector.broadcast %parallel_loop3A_451 : i32 to vector<16xi32>
          %parallel_loop3A_453 = arith.constant 7 : i32
          %parallel_loop3A_454 = vector.broadcast %parallel_loop3A_453 : i32 to vector<16xi32>
          %parallel_loop3A_455 = arith.constant 7 : i32
          %parallel_loop3A_456 = vector.broadcast %parallel_loop3A_455 : i32 to vector<16xi32>
          %parallel_loop3A_457 = arith.constant 7 : i32
          %parallel_loop3A_458 = vector.broadcast %parallel_loop3A_457 : i32 to vector<16xi32>
          %parallel_loop3A_459 = arith.constant 7 : i32
          %parallel_loop3A_460 = vector.broadcast %parallel_loop3A_459 : i32 to vector<16xi32>
          %parallel_loop3A_461 = arith.constant 7 : i32
          %parallel_loop3A_462 = vector.broadcast %parallel_loop3A_461 : i32 to vector<16xi32>
          %parallel_loop3A_463 = arith.constant 7 : i32
          %parallel_loop3A_464 = vector.broadcast %parallel_loop3A_463 : i32 to vector<16xi32>
          %parallel_loop3A_465 = vector.shape_cast %parallel_loop3A_450 : vector<16xi32> to vector<16x1xi32>
          %parallel_loop3A_466 = vector.shape_cast %parallel_loop3A_465 : vector<16x1xi32> to vector<16xi32>
          %parallel_loop3A_467 = tpu.dynamic_gather %gather3A_318[%parallel_loop3A_466] in [0] : vector<16xf32>, vector<16xi32> -> vector<16xf32>
          %parallel_loop3A_468 = vector.shape_cast %parallel_loop3A_452 : vector<16xi32> to vector<16x1xi32>
          %parallel_loop3A_469 = vector.shape_cast %parallel_loop3A_468 : vector<16x1xi32> to vector<16xi32>
          %parallel_loop3A_470 = tpu.dynamic_gather %gather3A_318[%parallel_loop3A_469] in [0] : vector<16xf32>, vector<16xi32> -> vector<16xf32>
          %parallel_loop3A_471 = vector.shape_cast %parallel_loop3A_454 : vector<16xi32> to vector<16x1xi32>
          %parallel_loop3A_472 = vector.shape_cast %parallel_loop3A_471 : vector<16x1xi32> to vector<16xi32>
          %parallel_loop3A_473 = tpu.dynamic_gather %gather3A_318[%parallel_loop3A_472] in [0] : vector<16xf32>, vector<16xi32> -> vector<16xf32>
          %parallel_loop3A_474 = vector.shape_cast %parallel_loop3A_456 : vector<16xi32> to vector<16x1xi32>
          %parallel_loop3A_475 = vector.shape_cast %parallel_loop3A_474 : vector<16x1xi32> to vector<16xi32>
          %parallel_loop3A_476 = tpu.dynamic_gather %gather3A_318[%parallel_loop3A_475] in [0] : vector<16xf32>, vector<16xi32> -> vector<16xf32>
          %parallel_loop3A_477 = vector.shape_cast %parallel_loop3A_458 : vector<16xi32> to vector<16x1xi32>
          %parallel_loop3A_478 = vector.shape_cast %parallel_loop3A_477 : vector<16x1xi32> to vector<16xi32>
          %parallel_loop3A_479 = tpu.dynamic_gather %gather3A_318[%parallel_loop3A_478] in [0] : vector<16xf32>, vector<16xi32> -> vector<16xf32>
          %parallel_loop3A_480 = vector.shape_cast %parallel_loop3A_460 : vector<16xi32> to vector<16x1xi32>
          %parallel_loop3A_481 = vector.shape_cast %parallel_loop3A_480 : vector<16x1xi32> to vector<16xi32>
          %parallel_loop3A_482 = tpu.dynamic_gather %gather3A_318[%parallel_loop3A_481] in [0] : vector<16xf32>, vector<16xi32> -> vector<16xf32>
          %parallel_loop3A_483 = vector.shape_cast %parallel_loop3A_462 : vector<16xi32> to vector<16x1xi32>
          %parallel_loop3A_484 = vector.shape_cast %parallel_loop3A_483 : vector<16x1xi32> to vector<16xi32>
          %parallel_loop3A_485 = tpu.dynamic_gather %gather3A_318[%parallel_loop3A_484] in [0] : vector<16xf32>, vector<16xi32> -> vector<16xf32>
          %parallel_loop3A_486 = vector.shape_cast %parallel_loop3A_464 : vector<16xi32> to vector<16x1xi32>
          %parallel_loop3A_487 = vector.shape_cast %parallel_loop3A_486 : vector<16x1xi32> to vector<16xi32>
          %parallel_loop3A_488 = tpu.dynamic_gather %gather3A_318[%parallel_loop3A_487] in [0] : vector<16xf32>, vector<16xi32> -> vector<16xf32>
          %parallel_loop3A_489 = arith.cmpf olt, %parallel_loop3A_467, %parallel_loop3A_406 : vector<16xf32>
          %parallel_loop3A_490 = arith.constant 4 : i32
          %parallel_loop3A_491 = arith.constant -4 : i32
          %parallel_loop3A_492 = vector.broadcast %parallel_loop3A_490 : i32 to vector<16xi32>
          %parallel_loop3A_493 = vector.broadcast %parallel_loop3A_491 : i32 to vector<16xi32>
          %parallel_loop3A_494 = arith.select %parallel_loop3A_489, %parallel_loop3A_492, %parallel_loop3A_493 : vector<16xi1>, vector<16xi32>
          %parallel_loop3A_495 = arith.addi %parallel_loop3A_450, %parallel_loop3A_494 : vector<16xi32>
          %parallel_loop3A_496 = arith.cmpf olt, %parallel_loop3A_470, %parallel_loop3A_412 : vector<16xf32>
          %parallel_loop3A_497 = arith.constant 4 : i32
          %parallel_loop3A_498 = arith.constant -4 : i32
          %parallel_loop3A_499 = vector.broadcast %parallel_loop3A_497 : i32 to vector<16xi32>
          %parallel_loop3A_500 = vector.broadcast %parallel_loop3A_498 : i32 to vector<16xi32>
          %parallel_loop3A_501 = arith.select %parallel_loop3A_496, %parallel_loop3A_499, %parallel_loop3A_500 : vector<16xi1>, vector<16xi32>
          %parallel_loop3A_502 = arith.addi %parallel_loop3A_452, %parallel_loop3A_501 : vector<16xi32>
          %parallel_loop3A_503 = arith.cmpf olt, %parallel_loop3A_473, %parallel_loop3A_418 : vector<16xf32>
          %parallel_loop3A_504 = arith.constant 4 : i32
          %parallel_loop3A_505 = arith.constant -4 : i32
          %parallel_loop3A_506 = vector.broadcast %parallel_loop3A_504 : i32 to vector<16xi32>
          %parallel_loop3A_507 = vector.broadcast %parallel_loop3A_505 : i32 to vector<16xi32>
          %parallel_loop3A_508 = arith.select %parallel_loop3A_503, %parallel_loop3A_506, %parallel_loop3A_507 : vector<16xi1>, vector<16xi32>
          %parallel_loop3A_509 = arith.addi %parallel_loop3A_454, %parallel_loop3A_508 : vector<16xi32>
          %parallel_loop3A_510 = arith.cmpf olt, %parallel_loop3A_476, %parallel_loop3A_424 : vector<16xf32>
          %parallel_loop3A_511 = arith.constant 4 : i32
          %parallel_loop3A_512 = arith.constant -4 : i32
          %parallel_loop3A_513 = vector.broadcast %parallel_loop3A_511 : i32 to vector<16xi32>
          %parallel_loop3A_514 = vector.broadcast %parallel_loop3A_512 : i32 to vector<16xi32>
          %parallel_loop3A_515 = arith.select %parallel_loop3A_510, %parallel_loop3A_513, %parallel_loop3A_514 : vector<16xi1>, vector<16xi32>
          %parallel_loop3A_516 = arith.addi %parallel_loop3A_456, %parallel_loop3A_515 : vector<16xi32>
          %parallel_loop3A_517 = arith.cmpf olt, %parallel_loop3A_479, %parallel_loop3A_430 : vector<16xf32>
          %parallel_loop3A_518 = arith.constant 4 : i32
          %parallel_loop3A_519 = arith.constant -4 : i32
          %parallel_loop3A_520 = vector.broadcast %parallel_loop3A_518 : i32 to vector<16xi32>
          %parallel_loop3A_521 = vector.broadcast %parallel_loop3A_519 : i32 to vector<16xi32>
          %parallel_loop3A_522 = arith.select %parallel_loop3A_517, %parallel_loop3A_520, %parallel_loop3A_521 : vector<16xi1>, vector<16xi32>
          %parallel_loop3A_523 = arith.addi %parallel_loop3A_458, %parallel_loop3A_522 : vector<16xi32>
          %parallel_loop3A_524 = arith.cmpf olt, %parallel_loop3A_482, %parallel_loop3A_436 : vector<16xf32>
          %parallel_loop3A_525 = arith.constant 4 : i32
          %parallel_loop3A_526 = arith.constant -4 : i32
          %parallel_loop3A_527 = vector.broadcast %parallel_loop3A_525 : i32 to vector<16xi32>
          %parallel_loop3A_528 = vector.broadcast %parallel_loop3A_526 : i32 to vector<16xi32>
          %parallel_loop3A_529 = arith.select %parallel_loop3A_524, %parallel_loop3A_527, %parallel_loop3A_528 : vector<16xi1>, vector<16xi32>
          %parallel_loop3A_530 = arith.addi %parallel_loop3A_460, %parallel_loop3A_529 : vector<16xi32>
          %parallel_loop3A_531 = arith.cmpf olt, %parallel_loop3A_485, %parallel_loop3A_442 : vector<16xf32>
          %parallel_loop3A_532 = arith.constant 4 : i32
          %parallel_loop3A_533 = arith.constant -4 : i32
          %parallel_loop3A_534 = vector.broadcast %parallel_loop3A_532 : i32 to vector<16xi32>
          %parallel_loop3A_535 = vector.broadcast %parallel_loop3A_533 : i32 to vector<16xi32>
          %parallel_loop3A_536 = arith.select %parallel_loop3A_531, %parallel_loop3A_534, %parallel_loop3A_535 : vector<16xi1>, vector<16xi32>
          %parallel_loop3A_537 = arith.addi %parallel_loop3A_462, %parallel_loop3A_536 : vector<16xi32>
          %parallel_loop3A_538 = arith.cmpf olt, %parallel_loop3A_488, %parallel_loop3A_448 : vector<16xf32>
          %parallel_loop3A_539 = arith.constant 4 : i32
          %parallel_loop3A_540 = arith.constant -4 : i32
          %parallel_loop3A_541 = vector.broadcast %parallel_loop3A_539 : i32 to vector<16xi32>
          %parallel_loop3A_542 = vector.broadcast %parallel_loop3A_540 : i32 to vector<16xi32>
          %parallel_loop3A_543 = arith.select %parallel_loop3A_538, %parallel_loop3A_541, %parallel_loop3A_542 : vector<16xi1>, vector<16xi32>
          %parallel_loop3A_544 = arith.addi %parallel_loop3A_464, %parallel_loop3A_543 : vector<16xi32>
          %parallel_loop3A_545 = vector.shape_cast %parallel_loop3A_495 : vector<16xi32> to vector<16x1xi32>
          %parallel_loop3A_546 = vector.shape_cast %parallel_loop3A_545 : vector<16x1xi32> to vector<16xi32>
          %parallel_loop3A_547 = tpu.dynamic_gather %gather3A_318[%parallel_loop3A_546] in [0] : vector<16xf32>, vector<16xi32> -> vector<16xf32>
          %parallel_loop3A_548 = vector.shape_cast %parallel_loop3A_502 : vector<16xi32> to vector<16x1xi32>
          %parallel_loop3A_549 = vector.shape_cast %parallel_loop3A_548 : vector<16x1xi32> to vector<16xi32>
          %parallel_loop3A_550 = tpu.dynamic_gather %gather3A_318[%parallel_loop3A_549] in [0] : vector<16xf32>, vector<16xi32> -> vector<16xf32>
          %parallel_loop3A_551 = vector.shape_cast %parallel_loop3A_509 : vector<16xi32> to vector<16x1xi32>
          %parallel_loop3A_552 = vector.shape_cast %parallel_loop3A_551 : vector<16x1xi32> to vector<16xi32>
          %parallel_loop3A_553 = tpu.dynamic_gather %gather3A_318[%parallel_loop3A_552] in [0] : vector<16xf32>, vector<16xi32> -> vector<16xf32>
          %parallel_loop3A_554 = vector.shape_cast %parallel_loop3A_516 : vector<16xi32> to vector<16x1xi32>
          %parallel_loop3A_555 = vector.shape_cast %parallel_loop3A_554 : vector<16x1xi32> to vector<16xi32>
          %parallel_loop3A_556 = tpu.dynamic_gather %gather3A_318[%parallel_loop3A_555] in [0] : vector<16xf32>, vector<16xi32> -> vector<16xf32>
          %parallel_loop3A_557 = vector.shape_cast %parallel_loop3A_523 : vector<16xi32> to vector<16x1xi32>
          %parallel_loop3A_558 = vector.shape_cast %parallel_loop3A_557 : vector<16x1xi32> to vector<16xi32>
          %parallel_loop3A_559 = tpu.dynamic_gather %gather3A_318[%parallel_loop3A_558] in [0] : vector<16xf32>, vector<16xi32> -> vector<16xf32>
          %parallel_loop3A_560 = vector.shape_cast %parallel_loop3A_530 : vector<16xi32> to vector<16x1xi32>
          %parallel_loop3A_561 = vector.shape_cast %parallel_loop3A_560 : vector<16x1xi32> to vector<16xi32>
          %parallel_loop3A_562 = tpu.dynamic_gather %gather3A_318[%parallel_loop3A_561] in [0] : vector<16xf32>, vector<16xi32> -> vector<16xf32>
          %parallel_loop3A_563 = vector.shape_cast %parallel_loop3A_537 : vector<16xi32> to vector<16x1xi32>
          %parallel_loop3A_564 = vector.shape_cast %parallel_loop3A_563 : vector<16x1xi32> to vector<16xi32>
          %parallel_loop3A_565 = tpu.dynamic_gather %gather3A_318[%parallel_loop3A_564] in [0] : vector<16xf32>, vector<16xi32> -> vector<16xf32>
          %parallel_loop3A_566 = vector.shape_cast %parallel_loop3A_544 : vector<16xi32> to vector<16x1xi32>
          %parallel_loop3A_567 = vector.shape_cast %parallel_loop3A_566 : vector<16x1xi32> to vector<16xi32>
          %parallel_loop3A_568 = tpu.dynamic_gather %gather3A_318[%parallel_loop3A_567] in [0] : vector<16xf32>, vector<16xi32> -> vector<16xf32>
          %parallel_loop3A_569 = arith.cmpf olt, %parallel_loop3A_547, %parallel_loop3A_406 : vector<16xf32>
          %parallel_loop3A_570 = arith.constant 2 : i32
          %parallel_loop3A_571 = arith.constant -2 : i32
          %parallel_loop3A_572 = vector.broadcast %parallel_loop3A_570 : i32 to vector<16xi32>
          %parallel_loop3A_573 = vector.broadcast %parallel_loop3A_571 : i32 to vector<16xi32>
          %parallel_loop3A_574 = arith.select %parallel_loop3A_569, %parallel_loop3A_572, %parallel_loop3A_573 : vector<16xi1>, vector<16xi32>
          %parallel_loop3A_575 = arith.addi %parallel_loop3A_495, %parallel_loop3A_574 : vector<16xi32>
          %parallel_loop3A_576 = arith.cmpf olt, %parallel_loop3A_550, %parallel_loop3A_412 : vector<16xf32>
          %parallel_loop3A_577 = arith.constant 2 : i32
          %parallel_loop3A_578 = arith.constant -2 : i32
          %parallel_loop3A_579 = vector.broadcast %parallel_loop3A_577 : i32 to vector<16xi32>
          %parallel_loop3A_580 = vector.broadcast %parallel_loop3A_578 : i32 to vector<16xi32>
          %parallel_loop3A_581 = arith.select %parallel_loop3A_576, %parallel_loop3A_579, %parallel_loop3A_580 : vector<16xi1>, vector<16xi32>
          %parallel_loop3A_582 = arith.addi %parallel_loop3A_502, %parallel_loop3A_581 : vector<16xi32>
          %parallel_loop3A_583 = arith.cmpf olt, %parallel_loop3A_553, %parallel_loop3A_418 : vector<16xf32>
          %parallel_loop3A_584 = arith.constant 2 : i32
          %parallel_loop3A_585 = arith.constant -2 : i32
          %parallel_loop3A_586 = vector.broadcast %parallel_loop3A_584 : i32 to vector<16xi32>
          %parallel_loop3A_587 = vector.broadcast %parallel_loop3A_585 : i32 to vector<16xi32>
          %parallel_loop3A_588 = arith.select %parallel_loop3A_583, %parallel_loop3A_586, %parallel_loop3A_587 : vector<16xi1>, vector<16xi32>
          %parallel_loop3A_589 = arith.addi %parallel_loop3A_509, %parallel_loop3A_588 : vector<16xi32>
          %parallel_loop3A_590 = arith.cmpf olt, %parallel_loop3A_556, %parallel_loop3A_424 : vector<16xf32>
          %parallel_loop3A_591 = arith.constant 2 : i32
          %parallel_loop3A_592 = arith.constant -2 : i32
          %parallel_loop3A_593 = vector.broadcast %parallel_loop3A_591 : i32 to vector<16xi32>
          %parallel_loop3A_594 = vector.broadcast %parallel_loop3A_592 : i32 to vector<16xi32>
          %parallel_loop3A_595 = arith.select %parallel_loop3A_590, %parallel_loop3A_593, %parallel_loop3A_594 : vector<16xi1>, vector<16xi32>
          %parallel_loop3A_596 = arith.addi %parallel_loop3A_516, %parallel_loop3A_595 : vector<16xi32>
          %parallel_loop3A_597 = arith.cmpf olt, %parallel_loop3A_559, %parallel_loop3A_430 : vector<16xf32>
          %parallel_loop3A_598 = arith.constant 2 : i32
          %parallel_loop3A_599 = arith.constant -2 : i32
          %parallel_loop3A_600 = vector.broadcast %parallel_loop3A_598 : i32 to vector<16xi32>
          %parallel_loop3A_601 = vector.broadcast %parallel_loop3A_599 : i32 to vector<16xi32>
          %parallel_loop3A_602 = arith.select %parallel_loop3A_597, %parallel_loop3A_600, %parallel_loop3A_601 : vector<16xi1>, vector<16xi32>
          %parallel_loop3A_603 = arith.addi %parallel_loop3A_523, %parallel_loop3A_602 : vector<16xi32>
          %parallel_loop3A_604 = arith.cmpf olt, %parallel_loop3A_562, %parallel_loop3A_436 : vector<16xf32>
          %parallel_loop3A_605 = arith.constant 2 : i32
          %parallel_loop3A_606 = arith.constant -2 : i32
          %parallel_loop3A_607 = vector.broadcast %parallel_loop3A_605 : i32 to vector<16xi32>
          %parallel_loop3A_608 = vector.broadcast %parallel_loop3A_606 : i32 to vector<16xi32>
          %parallel_loop3A_609 = arith.select %parallel_loop3A_604, %parallel_loop3A_607, %parallel_loop3A_608 : vector<16xi1>, vector<16xi32>
          %parallel_loop3A_610 = arith.addi %parallel_loop3A_530, %parallel_loop3A_609 : vector<16xi32>
          %parallel_loop3A_611 = arith.cmpf olt, %parallel_loop3A_565, %parallel_loop3A_442 : vector<16xf32>
          %parallel_loop3A_612 = arith.constant 2 : i32
          %parallel_loop3A_613 = arith.constant -2 : i32
          %parallel_loop3A_614 = vector.broadcast %parallel_loop3A_612 : i32 to vector<16xi32>
          %parallel_loop3A_615 = vector.broadcast %parallel_loop3A_613 : i32 to vector<16xi32>
          %parallel_loop3A_616 = arith.select %parallel_loop3A_611, %parallel_loop3A_614, %parallel_loop3A_615 : vector<16xi1>, vector<16xi32>
          %parallel_loop3A_617 = arith.addi %parallel_loop3A_537, %parallel_loop3A_616 : vector<16xi32>
          %parallel_loop3A_618 = arith.cmpf olt, %parallel_loop3A_568, %parallel_loop3A_448 : vector<16xf32>
          %parallel_loop3A_619 = arith.constant 2 : i32
          %parallel_loop3A_620 = arith.constant -2 : i32
          %parallel_loop3A_621 = vector.broadcast %parallel_loop3A_619 : i32 to vector<16xi32>
          %parallel_loop3A_622 = vector.broadcast %parallel_loop3A_620 : i32 to vector<16xi32>
          %parallel_loop3A_623 = arith.select %parallel_loop3A_618, %parallel_loop3A_621, %parallel_loop3A_622 : vector<16xi1>, vector<16xi32>
          %parallel_loop3A_624 = arith.addi %parallel_loop3A_544, %parallel_loop3A_623 : vector<16xi32>
          %parallel_loop3A_625 = vector.shape_cast %parallel_loop3A_575 : vector<16xi32> to vector<16x1xi32>
          %parallel_loop3A_626 = vector.shape_cast %parallel_loop3A_625 : vector<16x1xi32> to vector<16xi32>
          %parallel_loop3A_627 = tpu.dynamic_gather %gather3A_318[%parallel_loop3A_626] in [0] : vector<16xf32>, vector<16xi32> -> vector<16xf32>
          %parallel_loop3A_628 = vector.shape_cast %parallel_loop3A_582 : vector<16xi32> to vector<16x1xi32>
          %parallel_loop3A_629 = vector.shape_cast %parallel_loop3A_628 : vector<16x1xi32> to vector<16xi32>
          %parallel_loop3A_630 = tpu.dynamic_gather %gather3A_318[%parallel_loop3A_629] in [0] : vector<16xf32>, vector<16xi32> -> vector<16xf32>
          %parallel_loop3A_631 = vector.shape_cast %parallel_loop3A_589 : vector<16xi32> to vector<16x1xi32>
          %parallel_loop3A_632 = vector.shape_cast %parallel_loop3A_631 : vector<16x1xi32> to vector<16xi32>
          %parallel_loop3A_633 = tpu.dynamic_gather %gather3A_318[%parallel_loop3A_632] in [0] : vector<16xf32>, vector<16xi32> -> vector<16xf32>
          %parallel_loop3A_634 = vector.shape_cast %parallel_loop3A_596 : vector<16xi32> to vector<16x1xi32>
          %parallel_loop3A_635 = vector.shape_cast %parallel_loop3A_634 : vector<16x1xi32> to vector<16xi32>
          %parallel_loop3A_636 = tpu.dynamic_gather %gather3A_318[%parallel_loop3A_635] in [0] : vector<16xf32>, vector<16xi32> -> vector<16xf32>
          %parallel_loop3A_637 = vector.shape_cast %parallel_loop3A_603 : vector<16xi32> to vector<16x1xi32>
          %parallel_loop3A_638 = vector.shape_cast %parallel_loop3A_637 : vector<16x1xi32> to vector<16xi32>
          %parallel_loop3A_639 = tpu.dynamic_gather %gather3A_318[%parallel_loop3A_638] in [0] : vector<16xf32>, vector<16xi32> -> vector<16xf32>
          %parallel_loop3A_640 = vector.shape_cast %parallel_loop3A_610 : vector<16xi32> to vector<16x1xi32>
          %parallel_loop3A_641 = vector.shape_cast %parallel_loop3A_640 : vector<16x1xi32> to vector<16xi32>
          %parallel_loop3A_642 = tpu.dynamic_gather %gather3A_318[%parallel_loop3A_641] in [0] : vector<16xf32>, vector<16xi32> -> vector<16xf32>
          %parallel_loop3A_643 = vector.shape_cast %parallel_loop3A_617 : vector<16xi32> to vector<16x1xi32>
          %parallel_loop3A_644 = vector.shape_cast %parallel_loop3A_643 : vector<16x1xi32> to vector<16xi32>
          %parallel_loop3A_645 = tpu.dynamic_gather %gather3A_318[%parallel_loop3A_644] in [0] : vector<16xf32>, vector<16xi32> -> vector<16xf32>
          %parallel_loop3A_646 = vector.shape_cast %parallel_loop3A_624 : vector<16xi32> to vector<16x1xi32>
          %parallel_loop3A_647 = vector.shape_cast %parallel_loop3A_646 : vector<16x1xi32> to vector<16xi32>
          %parallel_loop3A_648 = tpu.dynamic_gather %gather3A_318[%parallel_loop3A_647] in [0] : vector<16xf32>, vector<16xi32> -> vector<16xf32>
          %parallel_loop3A_649 = arith.cmpf olt, %parallel_loop3A_627, %parallel_loop3A_406 : vector<16xf32>
          %parallel_loop3A_650 = arith.constant 1 : i32
          %parallel_loop3A_651 = arith.constant -1 : i32
          %parallel_loop3A_652 = vector.broadcast %parallel_loop3A_650 : i32 to vector<16xi32>
          %parallel_loop3A_653 = vector.broadcast %parallel_loop3A_651 : i32 to vector<16xi32>
          %parallel_loop3A_654 = arith.select %parallel_loop3A_649, %parallel_loop3A_652, %parallel_loop3A_653 : vector<16xi1>, vector<16xi32>
          %parallel_loop3A_655 = arith.addi %parallel_loop3A_575, %parallel_loop3A_654 : vector<16xi32>
          %parallel_loop3A_656 = arith.cmpf olt, %parallel_loop3A_630, %parallel_loop3A_412 : vector<16xf32>
          %parallel_loop3A_657 = arith.constant 1 : i32
          %parallel_loop3A_658 = arith.constant -1 : i32
          %parallel_loop3A_659 = vector.broadcast %parallel_loop3A_657 : i32 to vector<16xi32>
          %parallel_loop3A_660 = vector.broadcast %parallel_loop3A_658 : i32 to vector<16xi32>
          %parallel_loop3A_661 = arith.select %parallel_loop3A_656, %parallel_loop3A_659, %parallel_loop3A_660 : vector<16xi1>, vector<16xi32>
          %parallel_loop3A_662 = arith.addi %parallel_loop3A_582, %parallel_loop3A_661 : vector<16xi32>
          %parallel_loop3A_663 = arith.cmpf olt, %parallel_loop3A_633, %parallel_loop3A_418 : vector<16xf32>
          %parallel_loop3A_664 = arith.constant 1 : i32
          %parallel_loop3A_665 = arith.constant -1 : i32
          %parallel_loop3A_666 = vector.broadcast %parallel_loop3A_664 : i32 to vector<16xi32>
          %parallel_loop3A_667 = vector.broadcast %parallel_loop3A_665 : i32 to vector<16xi32>
          %parallel_loop3A_668 = arith.select %parallel_loop3A_663, %parallel_loop3A_666, %parallel_loop3A_667 : vector<16xi1>, vector<16xi32>
          %parallel_loop3A_669 = arith.addi %parallel_loop3A_589, %parallel_loop3A_668 : vector<16xi32>
          %parallel_loop3A_670 = arith.cmpf olt, %parallel_loop3A_636, %parallel_loop3A_424 : vector<16xf32>
          %parallel_loop3A_671 = arith.constant 1 : i32
          %parallel_loop3A_672 = arith.constant -1 : i32
          %parallel_loop3A_673 = vector.broadcast %parallel_loop3A_671 : i32 to vector<16xi32>
          %parallel_loop3A_674 = vector.broadcast %parallel_loop3A_672 : i32 to vector<16xi32>
          %parallel_loop3A_675 = arith.select %parallel_loop3A_670, %parallel_loop3A_673, %parallel_loop3A_674 : vector<16xi1>, vector<16xi32>
          %parallel_loop3A_676 = arith.addi %parallel_loop3A_596, %parallel_loop3A_675 : vector<16xi32>
          %parallel_loop3A_677 = arith.cmpf olt, %parallel_loop3A_639, %parallel_loop3A_430 : vector<16xf32>
          %parallel_loop3A_678 = arith.constant 1 : i32
          %parallel_loop3A_679 = arith.constant -1 : i32
          %parallel_loop3A_680 = vector.broadcast %parallel_loop3A_678 : i32 to vector<16xi32>
          %parallel_loop3A_681 = vector.broadcast %parallel_loop3A_679 : i32 to vector<16xi32>
          %parallel_loop3A_682 = arith.select %parallel_loop3A_677, %parallel_loop3A_680, %parallel_loop3A_681 : vector<16xi1>, vector<16xi32>
          %parallel_loop3A_683 = arith.addi %parallel_loop3A_603, %parallel_loop3A_682 : vector<16xi32>
          %parallel_loop3A_684 = arith.cmpf olt, %parallel_loop3A_642, %parallel_loop3A_436 : vector<16xf32>
          %parallel_loop3A_685 = arith.constant 1 : i32
          %parallel_loop3A_686 = arith.constant -1 : i32
          %parallel_loop3A_687 = vector.broadcast %parallel_loop3A_685 : i32 to vector<16xi32>
          %parallel_loop3A_688 = vector.broadcast %parallel_loop3A_686 : i32 to vector<16xi32>
          %parallel_loop3A_689 = arith.select %parallel_loop3A_684, %parallel_loop3A_687, %parallel_loop3A_688 : vector<16xi1>, vector<16xi32>
          %parallel_loop3A_690 = arith.addi %parallel_loop3A_610, %parallel_loop3A_689 : vector<16xi32>
          %parallel_loop3A_691 = arith.cmpf olt, %parallel_loop3A_645, %parallel_loop3A_442 : vector<16xf32>
          %parallel_loop3A_692 = arith.constant 1 : i32
          %parallel_loop3A_693 = arith.constant -1 : i32
          %parallel_loop3A_694 = vector.broadcast %parallel_loop3A_692 : i32 to vector<16xi32>
          %parallel_loop3A_695 = vector.broadcast %parallel_loop3A_693 : i32 to vector<16xi32>
          %parallel_loop3A_696 = arith.select %parallel_loop3A_691, %parallel_loop3A_694, %parallel_loop3A_695 : vector<16xi1>, vector<16xi32>
          %parallel_loop3A_697 = arith.addi %parallel_loop3A_617, %parallel_loop3A_696 : vector<16xi32>
          %parallel_loop3A_698 = arith.cmpf olt, %parallel_loop3A_648, %parallel_loop3A_448 : vector<16xf32>
          %parallel_loop3A_699 = arith.constant 1 : i32
          %parallel_loop3A_700 = arith.constant -1 : i32
          %parallel_loop3A_701 = vector.broadcast %parallel_loop3A_699 : i32 to vector<16xi32>
          %parallel_loop3A_702 = vector.broadcast %parallel_loop3A_700 : i32 to vector<16xi32>
          %parallel_loop3A_703 = arith.select %parallel_loop3A_698, %parallel_loop3A_701, %parallel_loop3A_702 : vector<16xi1>, vector<16xi32>
          %parallel_loop3A_704 = arith.addi %parallel_loop3A_624, %parallel_loop3A_703 : vector<16xi32>
          %parallel_loop3A_705 = vector.shape_cast %parallel_loop3A_655 : vector<16xi32> to vector<16x1xi32>
          %parallel_loop3A_706 = vector.shape_cast %parallel_loop3A_705 : vector<16x1xi32> to vector<16xi32>
          %parallel_loop3A_707 = tpu.dynamic_gather %gather3A_318[%parallel_loop3A_706] in [0] : vector<16xf32>, vector<16xi32> -> vector<16xf32>
          %parallel_loop3A_708 = vector.shape_cast %parallel_loop3A_662 : vector<16xi32> to vector<16x1xi32>
          %parallel_loop3A_709 = vector.shape_cast %parallel_loop3A_708 : vector<16x1xi32> to vector<16xi32>
          %parallel_loop3A_710 = tpu.dynamic_gather %gather3A_318[%parallel_loop3A_709] in [0] : vector<16xf32>, vector<16xi32> -> vector<16xf32>
          %parallel_loop3A_711 = vector.shape_cast %parallel_loop3A_669 : vector<16xi32> to vector<16x1xi32>
          %parallel_loop3A_712 = vector.shape_cast %parallel_loop3A_711 : vector<16x1xi32> to vector<16xi32>
          %parallel_loop3A_713 = tpu.dynamic_gather %gather3A_318[%parallel_loop3A_712] in [0] : vector<16xf32>, vector<16xi32> -> vector<16xf32>
          %parallel_loop3A_714 = vector.shape_cast %parallel_loop3A_676 : vector<16xi32> to vector<16x1xi32>
          %parallel_loop3A_715 = vector.shape_cast %parallel_loop3A_714 : vector<16x1xi32> to vector<16xi32>
          %parallel_loop3A_716 = tpu.dynamic_gather %gather3A_318[%parallel_loop3A_715] in [0] : vector<16xf32>, vector<16xi32> -> vector<16xf32>
          %parallel_loop3A_717 = vector.shape_cast %parallel_loop3A_683 : vector<16xi32> to vector<16x1xi32>
          %parallel_loop3A_718 = vector.shape_cast %parallel_loop3A_717 : vector<16x1xi32> to vector<16xi32>
          %parallel_loop3A_719 = tpu.dynamic_gather %gather3A_318[%parallel_loop3A_718] in [0] : vector<16xf32>, vector<16xi32> -> vector<16xf32>
          %parallel_loop3A_720 = vector.shape_cast %parallel_loop3A_690 : vector<16xi32> to vector<16x1xi32>
          %parallel_loop3A_721 = vector.shape_cast %parallel_loop3A_720 : vector<16x1xi32> to vector<16xi32>
          %parallel_loop3A_722 = tpu.dynamic_gather %gather3A_318[%parallel_loop3A_721] in [0] : vector<16xf32>, vector<16xi32> -> vector<16xf32>
          %parallel_loop3A_723 = vector.shape_cast %parallel_loop3A_697 : vector<16xi32> to vector<16x1xi32>
          %parallel_loop3A_724 = vector.shape_cast %parallel_loop3A_723 : vector<16x1xi32> to vector<16xi32>
          %parallel_loop3A_725 = tpu.dynamic_gather %gather3A_318[%parallel_loop3A_724] in [0] : vector<16xf32>, vector<16xi32> -> vector<16xf32>
          %parallel_loop3A_726 = vector.shape_cast %parallel_loop3A_704 : vector<16xi32> to vector<16x1xi32>
          %parallel_loop3A_727 = vector.shape_cast %parallel_loop3A_726 : vector<16x1xi32> to vector<16xi32>
          %parallel_loop3A_728 = tpu.dynamic_gather %gather3A_318[%parallel_loop3A_727] in [0] : vector<16xf32>, vector<16xi32> -> vector<16xf32>
          %parallel_loop3A_729 = arith.cmpf olt, %parallel_loop3A_707, %parallel_loop3A_406 : vector<16xf32>
          %parallel_loop3A_730 = arith.constant 1 : i32
          %parallel_loop3A_731 = arith.constant 0 : i32
          %parallel_loop3A_732 = vector.broadcast %parallel_loop3A_730 : i32 to vector<16xi32>
          %parallel_loop3A_733 = vector.broadcast %parallel_loop3A_731 : i32 to vector<16xi32>
          %parallel_loop3A_734 = arith.select %parallel_loop3A_729, %parallel_loop3A_732, %parallel_loop3A_733 : vector<16xi1>, vector<16xi32>
          %parallel_loop3A_735 = arith.addi %parallel_loop3A_655, %parallel_loop3A_734 : vector<16xi32>
          %parallel_loop3A_736 = arith.constant 8 : i32
          %parallel_loop3A_737 = vector.broadcast %parallel_loop3A_736 : i32 to vector<16xi32>
          %parallel_loop3A_738 = arith.shli %parallel_loop3A_735, %parallel_loop3A_737 : vector<16xi32>
          %parallel_loop3A_739 = arith.addi %parallel_loop3A_738, %add3A_311 : vector<16xi32>
          %parallel_loop3A_740 = arith.cmpf olt, %parallel_loop3A_710, %parallel_loop3A_412 : vector<16xf32>
          %parallel_loop3A_741 = arith.constant 1 : i32
          %parallel_loop3A_742 = arith.constant 0 : i32
          %parallel_loop3A_743 = vector.broadcast %parallel_loop3A_741 : i32 to vector<16xi32>
          %parallel_loop3A_744 = vector.broadcast %parallel_loop3A_742 : i32 to vector<16xi32>
          %parallel_loop3A_745 = arith.select %parallel_loop3A_740, %parallel_loop3A_743, %parallel_loop3A_744 : vector<16xi1>, vector<16xi32>
          %parallel_loop3A_746 = arith.addi %parallel_loop3A_662, %parallel_loop3A_745 : vector<16xi32>
          %parallel_loop3A_747 = arith.constant 8 : i32
          %parallel_loop3A_748 = vector.broadcast %parallel_loop3A_747 : i32 to vector<16xi32>
          %parallel_loop3A_749 = arith.shli %parallel_loop3A_746, %parallel_loop3A_748 : vector<16xi32>
          %parallel_loop3A_750 = arith.addi %parallel_loop3A_749, %add3A_311 : vector<16xi32>
          %parallel_loop3A_751 = arith.cmpf olt, %parallel_loop3A_713, %parallel_loop3A_418 : vector<16xf32>
          %parallel_loop3A_752 = arith.constant 1 : i32
          %parallel_loop3A_753 = arith.constant 0 : i32
          %parallel_loop3A_754 = vector.broadcast %parallel_loop3A_752 : i32 to vector<16xi32>
          %parallel_loop3A_755 = vector.broadcast %parallel_loop3A_753 : i32 to vector<16xi32>
          %parallel_loop3A_756 = arith.select %parallel_loop3A_751, %parallel_loop3A_754, %parallel_loop3A_755 : vector<16xi1>, vector<16xi32>
          %parallel_loop3A_757 = arith.addi %parallel_loop3A_669, %parallel_loop3A_756 : vector<16xi32>
          %parallel_loop3A_758 = arith.constant 8 : i32
          %parallel_loop3A_759 = vector.broadcast %parallel_loop3A_758 : i32 to vector<16xi32>
          %parallel_loop3A_760 = arith.shli %parallel_loop3A_757, %parallel_loop3A_759 : vector<16xi32>
          %parallel_loop3A_761 = arith.addi %parallel_loop3A_760, %add3A_311 : vector<16xi32>
          %parallel_loop3A_762 = arith.cmpf olt, %parallel_loop3A_716, %parallel_loop3A_424 : vector<16xf32>
          %parallel_loop3A_763 = arith.constant 1 : i32
          %parallel_loop3A_764 = arith.constant 0 : i32
          %parallel_loop3A_765 = vector.broadcast %parallel_loop3A_763 : i32 to vector<16xi32>
          %parallel_loop3A_766 = vector.broadcast %parallel_loop3A_764 : i32 to vector<16xi32>
          %parallel_loop3A_767 = arith.select %parallel_loop3A_762, %parallel_loop3A_765, %parallel_loop3A_766 : vector<16xi1>, vector<16xi32>
          %parallel_loop3A_768 = arith.addi %parallel_loop3A_676, %parallel_loop3A_767 : vector<16xi32>
          %parallel_loop3A_769 = arith.constant 8 : i32
          %parallel_loop3A_770 = vector.broadcast %parallel_loop3A_769 : i32 to vector<16xi32>
          %parallel_loop3A_771 = arith.shli %parallel_loop3A_768, %parallel_loop3A_770 : vector<16xi32>
          %parallel_loop3A_772 = arith.addi %parallel_loop3A_771, %add3A_311 : vector<16xi32>
          %parallel_loop3A_773 = arith.cmpf olt, %parallel_loop3A_719, %parallel_loop3A_430 : vector<16xf32>
          %parallel_loop3A_774 = arith.constant 1 : i32
          %parallel_loop3A_775 = arith.constant 0 : i32
          %parallel_loop3A_776 = vector.broadcast %parallel_loop3A_774 : i32 to vector<16xi32>
          %parallel_loop3A_777 = vector.broadcast %parallel_loop3A_775 : i32 to vector<16xi32>
          %parallel_loop3A_778 = arith.select %parallel_loop3A_773, %parallel_loop3A_776, %parallel_loop3A_777 : vector<16xi1>, vector<16xi32>
          %parallel_loop3A_779 = arith.addi %parallel_loop3A_683, %parallel_loop3A_778 : vector<16xi32>
          %parallel_loop3A_780 = arith.constant 8 : i32
          %parallel_loop3A_781 = vector.broadcast %parallel_loop3A_780 : i32 to vector<16xi32>
          %parallel_loop3A_782 = arith.shli %parallel_loop3A_779, %parallel_loop3A_781 : vector<16xi32>
          %parallel_loop3A_783 = arith.addi %parallel_loop3A_782, %add3A_311 : vector<16xi32>
          %parallel_loop3A_784 = arith.cmpf olt, %parallel_loop3A_722, %parallel_loop3A_436 : vector<16xf32>
          %parallel_loop3A_785 = arith.constant 1 : i32
          %parallel_loop3A_786 = arith.constant 0 : i32
          %parallel_loop3A_787 = vector.broadcast %parallel_loop3A_785 : i32 to vector<16xi32>
          %parallel_loop3A_788 = vector.broadcast %parallel_loop3A_786 : i32 to vector<16xi32>
          %parallel_loop3A_789 = arith.select %parallel_loop3A_784, %parallel_loop3A_787, %parallel_loop3A_788 : vector<16xi1>, vector<16xi32>
          %parallel_loop3A_790 = arith.addi %parallel_loop3A_690, %parallel_loop3A_789 : vector<16xi32>
          %parallel_loop3A_791 = arith.constant 8 : i32
          %parallel_loop3A_792 = vector.broadcast %parallel_loop3A_791 : i32 to vector<16xi32>
          %parallel_loop3A_793 = arith.shli %parallel_loop3A_790, %parallel_loop3A_792 : vector<16xi32>
          %parallel_loop3A_794 = arith.addi %parallel_loop3A_793, %add3A_311 : vector<16xi32>
          %parallel_loop3A_795 = arith.cmpf olt, %parallel_loop3A_725, %parallel_loop3A_442 : vector<16xf32>
          %parallel_loop3A_796 = arith.constant 1 : i32
          %parallel_loop3A_797 = arith.constant 0 : i32
          %parallel_loop3A_798 = vector.broadcast %parallel_loop3A_796 : i32 to vector<16xi32>
          %parallel_loop3A_799 = vector.broadcast %parallel_loop3A_797 : i32 to vector<16xi32>
          %parallel_loop3A_800 = arith.select %parallel_loop3A_795, %parallel_loop3A_798, %parallel_loop3A_799 : vector<16xi1>, vector<16xi32>
          %parallel_loop3A_801 = arith.addi %parallel_loop3A_697, %parallel_loop3A_800 : vector<16xi32>
          %parallel_loop3A_802 = arith.constant 8 : i32
          %parallel_loop3A_803 = vector.broadcast %parallel_loop3A_802 : i32 to vector<16xi32>
          %parallel_loop3A_804 = arith.shli %parallel_loop3A_801, %parallel_loop3A_803 : vector<16xi32>
          %parallel_loop3A_805 = arith.addi %parallel_loop3A_804, %add3A_311 : vector<16xi32>
          %parallel_loop3A_806 = arith.cmpf olt, %parallel_loop3A_728, %parallel_loop3A_448 : vector<16xf32>
          %parallel_loop3A_807 = arith.constant 1 : i32
          %parallel_loop3A_808 = arith.constant 0 : i32
          %parallel_loop3A_809 = vector.broadcast %parallel_loop3A_807 : i32 to vector<16xi32>
          %parallel_loop3A_810 = vector.broadcast %parallel_loop3A_808 : i32 to vector<16xi32>
          %parallel_loop3A_811 = arith.select %parallel_loop3A_806, %parallel_loop3A_809, %parallel_loop3A_810 : vector<16xi1>, vector<16xi32>
          %parallel_loop3A_812 = arith.addi %parallel_loop3A_704, %parallel_loop3A_811 : vector<16xi32>
          %parallel_loop3A_813 = arith.constant 8 : i32
          %parallel_loop3A_814 = vector.broadcast %parallel_loop3A_813 : i32 to vector<16xi32>
          %parallel_loop3A_815 = arith.shli %parallel_loop3A_812, %parallel_loop3A_814 : vector<16xi32>
          %parallel_loop3A_816 = arith.addi %parallel_loop3A_815, %add3A_311 : vector<16xi32>
          %parallel_loop3A_817 = tpu.vector_load_idx %arg10[%parallel_loop3A_739] : memref<4096xf32, #tpu.memory_space<vmem>>[vector<16xi32>], vector<16xf32>,
          %parallel_loop3A_818 = tpu.vector_load_idx %arg10[%parallel_loop3A_750] : memref<4096xf32, #tpu.memory_space<vmem>>[vector<16xi32>], vector<16xf32>,
          %parallel_loop3A_819 = tpu.vector_load_idx %arg10[%parallel_loop3A_761] : memref<4096xf32, #tpu.memory_space<vmem>>[vector<16xi32>], vector<16xf32>,
          %parallel_loop3A_820 = tpu.vector_load_idx %arg10[%parallel_loop3A_772] : memref<4096xf32, #tpu.memory_space<vmem>>[vector<16xi32>], vector<16xf32>,
          %parallel_loop3A_821 = tpu.vector_load_idx %arg10[%parallel_loop3A_783] : memref<4096xf32, #tpu.memory_space<vmem>>[vector<16xi32>], vector<16xf32>,
          %parallel_loop3A_822 = tpu.vector_load_idx %arg10[%parallel_loop3A_794] : memref<4096xf32, #tpu.memory_space<vmem>>[vector<16xi32>], vector<16xf32>,
          %parallel_loop3A_823 = tpu.vector_load_idx %arg10[%parallel_loop3A_805] : memref<4096xf32, #tpu.memory_space<vmem>>[vector<16xi32>], vector<16xf32>,
          %parallel_loop3A_824 = tpu.vector_load_idx %arg10[%parallel_loop3A_816] : memref<4096xf32, #tpu.memory_space<vmem>>[vector<16xi32>], vector<16xf32>,
          %parallel_loop3A_825 = arith.cmpf olt, %parallel_loop3A_817, %parallel_loop3A_406 : vector<16xf32>
          %parallel_loop3A_826 = arith.constant 64 : i32
          %parallel_loop3A_827 = arith.constant -64 : i32
          %parallel_loop3A_828 = vector.broadcast %parallel_loop3A_826 : i32 to vector<16xi32>
          %parallel_loop3A_829 = vector.broadcast %parallel_loop3A_827 : i32 to vector<16xi32>
          %parallel_loop3A_830 = arith.select %parallel_loop3A_825, %parallel_loop3A_828, %parallel_loop3A_829 : vector<16xi1>, vector<16xi32>
          %parallel_loop3A_831 = arith.addi %parallel_loop3A_739, %parallel_loop3A_830 : vector<16xi32>
          %parallel_loop3A_832 = arith.cmpf olt, %parallel_loop3A_818, %parallel_loop3A_412 : vector<16xf32>
          %parallel_loop3A_833 = arith.constant 64 : i32
          %parallel_loop3A_834 = arith.constant -64 : i32
          %parallel_loop3A_835 = vector.broadcast %parallel_loop3A_833 : i32 to vector<16xi32>
          %parallel_loop3A_836 = vector.broadcast %parallel_loop3A_834 : i32 to vector<16xi32>
          %parallel_loop3A_837 = arith.select %parallel_loop3A_832, %parallel_loop3A_835, %parallel_loop3A_836 : vector<16xi1>, vector<16xi32>
          %parallel_loop3A_838 = arith.addi %parallel_loop3A_750, %parallel_loop3A_837 : vector<16xi32>
          %parallel_loop3A_839 = arith.cmpf olt, %parallel_loop3A_819, %parallel_loop3A_418 : vector<16xf32>
          %parallel_loop3A_840 = arith.constant 64 : i32
          %parallel_loop3A_841 = arith.constant -64 : i32
          %parallel_loop3A_842 = vector.broadcast %parallel_loop3A_840 : i32 to vector<16xi32>
          %parallel_loop3A_843 = vector.broadcast %parallel_loop3A_841 : i32 to vector<16xi32>
          %parallel_loop3A_844 = arith.select %parallel_loop3A_839, %parallel_loop3A_842, %parallel_loop3A_843 : vector<16xi1>, vector<16xi32>
          %parallel_loop3A_845 = arith.addi %parallel_loop3A_761, %parallel_loop3A_844 : vector<16xi32>
          %parallel_loop3A_846 = arith.cmpf olt, %parallel_loop3A_820, %parallel_loop3A_424 : vector<16xf32>
          %parallel_loop3A_847 = arith.constant 64 : i32
          %parallel_loop3A_848 = arith.constant -64 : i32
          %parallel_loop3A_849 = vector.broadcast %parallel_loop3A_847 : i32 to vector<16xi32>
          %parallel_loop3A_850 = vector.broadcast %parallel_loop3A_848 : i32 to vector<16xi32>
          %parallel_loop3A_851 = arith.select %parallel_loop3A_846, %parallel_loop3A_849, %parallel_loop3A_850 : vector<16xi1>, vector<16xi32>
          %parallel_loop3A_852 = arith.addi %parallel_loop3A_772, %parallel_loop3A_851 : vector<16xi32>
          %parallel_loop3A_853 = arith.cmpf olt, %parallel_loop3A_821, %parallel_loop3A_430 : vector<16xf32>
          %parallel_loop3A_854 = arith.constant 64 : i32
          %parallel_loop3A_855 = arith.constant -64 : i32
          %parallel_loop3A_856 = vector.broadcast %parallel_loop3A_854 : i32 to vector<16xi32>
          %parallel_loop3A_857 = vector.broadcast %parallel_loop3A_855 : i32 to vector<16xi32>
          %parallel_loop3A_858 = arith.select %parallel_loop3A_853, %parallel_loop3A_856, %parallel_loop3A_857 : vector<16xi1>, vector<16xi32>
          %parallel_loop3A_859 = arith.addi %parallel_loop3A_783, %parallel_loop3A_858 : vector<16xi32>
          %parallel_loop3A_860 = arith.cmpf olt, %parallel_loop3A_822, %parallel_loop3A_436 : vector<16xf32>
          %parallel_loop3A_861 = arith.constant 64 : i32
          %parallel_loop3A_862 = arith.constant -64 : i32
          %parallel_loop3A_863 = vector.broadcast %parallel_loop3A_861 : i32 to vector<16xi32>
          %parallel_loop3A_864 = vector.broadcast %parallel_loop3A_862 : i32 to vector<16xi32>
          %parallel_loop3A_865 = arith.select %parallel_loop3A_860, %parallel_loop3A_863, %parallel_loop3A_864 : vector<16xi1>, vector<16xi32>
          %parallel_loop3A_866 = arith.addi %parallel_loop3A_794, %parallel_loop3A_865 : vector<16xi32>
          %parallel_loop3A_867 = arith.cmpf olt, %parallel_loop3A_823, %parallel_loop3A_442 : vector<16xf32>
          %parallel_loop3A_868 = arith.constant 64 : i32
          %parallel_loop3A_869 = arith.constant -64 : i32
          %parallel_loop3A_870 = vector.broadcast %parallel_loop3A_868 : i32 to vector<16xi32>
          %parallel_loop3A_871 = vector.broadcast %parallel_loop3A_869 : i32 to vector<16xi32>
          %parallel_loop3A_872 = arith.select %parallel_loop3A_867, %parallel_loop3A_870, %parallel_loop3A_871 : vector<16xi1>, vector<16xi32>
          %parallel_loop3A_873 = arith.addi %parallel_loop3A_805, %parallel_loop3A_872 : vector<16xi32>
          %parallel_loop3A_874 = arith.cmpf olt, %parallel_loop3A_824, %parallel_loop3A_448 : vector<16xf32>
          %parallel_loop3A_875 = arith.constant 64 : i32
          %parallel_loop3A_876 = arith.constant -64 : i32
          %parallel_loop3A_877 = vector.broadcast %parallel_loop3A_875 : i32 to vector<16xi32>
          %parallel_loop3A_878 = vector.broadcast %parallel_loop3A_876 : i32 to vector<16xi32>
          %parallel_loop3A_879 = arith.select %parallel_loop3A_874, %parallel_loop3A_877, %parallel_loop3A_878 : vector<16xi1>, vector<16xi32>
          %parallel_loop3A_880 = arith.addi %parallel_loop3A_816, %parallel_loop3A_879 : vector<16xi32>
          %parallel_loop3A_881 = tpu.vector_load_idx %arg10[%parallel_loop3A_831] : memref<4096xf32, #tpu.memory_space<vmem>>[vector<16xi32>], vector<16xf32>,
          %parallel_loop3A_882 = tpu.vector_load_idx %arg10[%parallel_loop3A_838] : memref<4096xf32, #tpu.memory_space<vmem>>[vector<16xi32>], vector<16xf32>,
          %parallel_loop3A_883 = tpu.vector_load_idx %arg10[%parallel_loop3A_845] : memref<4096xf32, #tpu.memory_space<vmem>>[vector<16xi32>], vector<16xf32>,
          %parallel_loop3A_884 = tpu.vector_load_idx %arg10[%parallel_loop3A_852] : memref<4096xf32, #tpu.memory_space<vmem>>[vector<16xi32>], vector<16xf32>,
          %parallel_loop3A_885 = tpu.vector_load_idx %arg10[%parallel_loop3A_859] : memref<4096xf32, #tpu.memory_space<vmem>>[vector<16xi32>], vector<16xf32>,
          %parallel_loop3A_886 = tpu.vector_load_idx %arg10[%parallel_loop3A_866] : memref<4096xf32, #tpu.memory_space<vmem>>[vector<16xi32>], vector<16xf32>,
          %parallel_loop3A_887 = tpu.vector_load_idx %arg10[%parallel_loop3A_873] : memref<4096xf32, #tpu.memory_space<vmem>>[vector<16xi32>], vector<16xf32>,
          %parallel_loop3A_888 = tpu.vector_load_idx %arg10[%parallel_loop3A_880] : memref<4096xf32, #tpu.memory_space<vmem>>[vector<16xi32>], vector<16xf32>,
          %parallel_loop3A_889 = arith.cmpf olt, %parallel_loop3A_881, %parallel_loop3A_406 : vector<16xf32>
          %parallel_loop3A_890 = arith.constant 32 : i32
          %parallel_loop3A_891 = arith.constant -32 : i32
          %parallel_loop3A_892 = vector.broadcast %parallel_loop3A_890 : i32 to vector<16xi32>
          %parallel_loop3A_893 = vector.broadcast %parallel_loop3A_891 : i32 to vector<16xi32>
          %parallel_loop3A_894 = arith.select %parallel_loop3A_889, %parallel_loop3A_892, %parallel_loop3A_893 : vector<16xi1>, vector<16xi32>
          %parallel_loop3A_895 = arith.addi %parallel_loop3A_831, %parallel_loop3A_894 : vector<16xi32>
          %parallel_loop3A_896 = arith.cmpf olt, %parallel_loop3A_882, %parallel_loop3A_412 : vector<16xf32>
          %parallel_loop3A_897 = arith.constant 32 : i32
          %parallel_loop3A_898 = arith.constant -32 : i32
          %parallel_loop3A_899 = vector.broadcast %parallel_loop3A_897 : i32 to vector<16xi32>
          %parallel_loop3A_900 = vector.broadcast %parallel_loop3A_898 : i32 to vector<16xi32>
          %parallel_loop3A_901 = arith.select %parallel_loop3A_896, %parallel_loop3A_899, %parallel_loop3A_900 : vector<16xi1>, vector<16xi32>
          %parallel_loop3A_902 = arith.addi %parallel_loop3A_838, %parallel_loop3A_901 : vector<16xi32>
          %parallel_loop3A_903 = arith.cmpf olt, %parallel_loop3A_883, %parallel_loop3A_418 : vector<16xf32>
          %parallel_loop3A_904 = arith.constant 32 : i32
          %parallel_loop3A_905 = arith.constant -32 : i32
          %parallel_loop3A_906 = vector.broadcast %parallel_loop3A_904 : i32 to vector<16xi32>
          %parallel_loop3A_907 = vector.broadcast %parallel_loop3A_905 : i32 to vector<16xi32>
          %parallel_loop3A_908 = arith.select %parallel_loop3A_903, %parallel_loop3A_906, %parallel_loop3A_907 : vector<16xi1>, vector<16xi32>
          %parallel_loop3A_909 = arith.addi %parallel_loop3A_845, %parallel_loop3A_908 : vector<16xi32>
          %parallel_loop3A_910 = arith.cmpf olt, %parallel_loop3A_884, %parallel_loop3A_424 : vector<16xf32>
          %parallel_loop3A_911 = arith.constant 32 : i32
          %parallel_loop3A_912 = arith.constant -32 : i32
          %parallel_loop3A_913 = vector.broadcast %parallel_loop3A_911 : i32 to vector<16xi32>
          %parallel_loop3A_914 = vector.broadcast %parallel_loop3A_912 : i32 to vector<16xi32>
          %parallel_loop3A_915 = arith.select %parallel_loop3A_910, %parallel_loop3A_913, %parallel_loop3A_914 : vector<16xi1>, vector<16xi32>
          %parallel_loop3A_916 = arith.addi %parallel_loop3A_852, %parallel_loop3A_915 : vector<16xi32>
          %parallel_loop3A_917 = arith.cmpf olt, %parallel_loop3A_885, %parallel_loop3A_430 : vector<16xf32>
          %parallel_loop3A_918 = arith.constant 32 : i32
          %parallel_loop3A_919 = arith.constant -32 : i32
          %parallel_loop3A_920 = vector.broadcast %parallel_loop3A_918 : i32 to vector<16xi32>
          %parallel_loop3A_921 = vector.broadcast %parallel_loop3A_919 : i32 to vector<16xi32>
          %parallel_loop3A_922 = arith.select %parallel_loop3A_917, %parallel_loop3A_920, %parallel_loop3A_921 : vector<16xi1>, vector<16xi32>
          %parallel_loop3A_923 = arith.addi %parallel_loop3A_859, %parallel_loop3A_922 : vector<16xi32>
          %parallel_loop3A_924 = arith.cmpf olt, %parallel_loop3A_886, %parallel_loop3A_436 : vector<16xf32>
          %parallel_loop3A_925 = arith.constant 32 : i32
          %parallel_loop3A_926 = arith.constant -32 : i32
          %parallel_loop3A_927 = vector.broadcast %parallel_loop3A_925 : i32 to vector<16xi32>
          %parallel_loop3A_928 = vector.broadcast %parallel_loop3A_926 : i32 to vector<16xi32>
          %parallel_loop3A_929 = arith.select %parallel_loop3A_924, %parallel_loop3A_927, %parallel_loop3A_928 : vector<16xi1>, vector<16xi32>
          %parallel_loop3A_930 = arith.addi %parallel_loop3A_866, %parallel_loop3A_929 : vector<16xi32>
          %parallel_loop3A_931 = arith.cmpf olt, %parallel_loop3A_887, %parallel_loop3A_442 : vector<16xf32>
          %parallel_loop3A_932 = arith.constant 32 : i32
          %parallel_loop3A_933 = arith.constant -32 : i32
          %parallel_loop3A_934 = vector.broadcast %parallel_loop3A_932 : i32 to vector<16xi32>
          %parallel_loop3A_935 = vector.broadcast %parallel_loop3A_933 : i32 to vector<16xi32>
          %parallel_loop3A_936 = arith.select %parallel_loop3A_931, %parallel_loop3A_934, %parallel_loop3A_935 : vector<16xi1>, vector<16xi32>
          %parallel_loop3A_937 = arith.addi %parallel_loop3A_873, %parallel_loop3A_936 : vector<16xi32>
          %parallel_loop3A_938 = arith.cmpf olt, %parallel_loop3A_888, %parallel_loop3A_448 : vector<16xf32>
          %parallel_loop3A_939 = arith.constant 32 : i32
          %parallel_loop3A_940 = arith.constant -32 : i32
          %parallel_loop3A_941 = vector.broadcast %parallel_loop3A_939 : i32 to vector<16xi32>
          %parallel_loop3A_942 = vector.broadcast %parallel_loop3A_940 : i32 to vector<16xi32>
          %parallel_loop3A_943 = arith.select %parallel_loop3A_938, %parallel_loop3A_941, %parallel_loop3A_942 : vector<16xi1>, vector<16xi32>
          %parallel_loop3A_944 = arith.addi %parallel_loop3A_880, %parallel_loop3A_943 : vector<16xi32>
          %parallel_loop3A_945 = tpu.vector_load_idx %arg10[%parallel_loop3A_895] : memref<4096xf32, #tpu.memory_space<vmem>>[vector<16xi32>], vector<16xf32>,
          %parallel_loop3A_946 = tpu.vector_load_idx %arg10[%parallel_loop3A_902] : memref<4096xf32, #tpu.memory_space<vmem>>[vector<16xi32>], vector<16xf32>,
          %parallel_loop3A_947 = tpu.vector_load_idx %arg10[%parallel_loop3A_909] : memref<4096xf32, #tpu.memory_space<vmem>>[vector<16xi32>], vector<16xf32>,
          %parallel_loop3A_948 = tpu.vector_load_idx %arg10[%parallel_loop3A_916] : memref<4096xf32, #tpu.memory_space<vmem>>[vector<16xi32>], vector<16xf32>,
          %parallel_loop3A_949 = tpu.vector_load_idx %arg10[%parallel_loop3A_923] : memref<4096xf32, #tpu.memory_space<vmem>>[vector<16xi32>], vector<16xf32>,
          %parallel_loop3A_950 = tpu.vector_load_idx %arg10[%parallel_loop3A_930] : memref<4096xf32, #tpu.memory_space<vmem>>[vector<16xi32>], vector<16xf32>,
          %parallel_loop3A_951 = tpu.vector_load_idx %arg10[%parallel_loop3A_937] : memref<4096xf32, #tpu.memory_space<vmem>>[vector<16xi32>], vector<16xf32>,
          %parallel_loop3A_952 = tpu.vector_load_idx %arg10[%parallel_loop3A_944] : memref<4096xf32, #tpu.memory_space<vmem>>[vector<16xi32>], vector<16xf32>,
          %parallel_loop3A_953 = arith.cmpf olt, %parallel_loop3A_945, %parallel_loop3A_406 : vector<16xf32>
          %parallel_loop3A_954 = arith.constant 16 : i32
          %parallel_loop3A_955 = arith.constant -16 : i32
          %parallel_loop3A_956 = vector.broadcast %parallel_loop3A_954 : i32 to vector<16xi32>
          %parallel_loop3A_957 = vector.broadcast %parallel_loop3A_955 : i32 to vector<16xi32>
          %parallel_loop3A_958 = arith.select %parallel_loop3A_953, %parallel_loop3A_956, %parallel_loop3A_957 : vector<16xi1>, vector<16xi32>
          %parallel_loop3A_959 = arith.addi %parallel_loop3A_895, %parallel_loop3A_958 : vector<16xi32>
          %parallel_loop3A_960 = arith.cmpf olt, %parallel_loop3A_946, %parallel_loop3A_412 : vector<16xf32>
          %parallel_loop3A_961 = arith.constant 16 : i32
          %parallel_loop3A_962 = arith.constant -16 : i32
          %parallel_loop3A_963 = vector.broadcast %parallel_loop3A_961 : i32 to vector<16xi32>
          %parallel_loop3A_964 = vector.broadcast %parallel_loop3A_962 : i32 to vector<16xi32>
          %parallel_loop3A_965 = arith.select %parallel_loop3A_960, %parallel_loop3A_963, %parallel_loop3A_964 : vector<16xi1>, vector<16xi32>
          %parallel_loop3A_966 = arith.addi %parallel_loop3A_902, %parallel_loop3A_965 : vector<16xi32>
          %parallel_loop3A_967 = arith.cmpf olt, %parallel_loop3A_947, %parallel_loop3A_418 : vector<16xf32>
          %parallel_loop3A_968 = arith.constant 16 : i32
          %parallel_loop3A_969 = arith.constant -16 : i32
          %parallel_loop3A_970 = vector.broadcast %parallel_loop3A_968 : i32 to vector<16xi32>
          %parallel_loop3A_971 = vector.broadcast %parallel_loop3A_969 : i32 to vector<16xi32>
          %parallel_loop3A_972 = arith.select %parallel_loop3A_967, %parallel_loop3A_970, %parallel_loop3A_971 : vector<16xi1>, vector<16xi32>
          %parallel_loop3A_973 = arith.addi %parallel_loop3A_909, %parallel_loop3A_972 : vector<16xi32>
          %parallel_loop3A_974 = arith.cmpf olt, %parallel_loop3A_948, %parallel_loop3A_424 : vector<16xf32>
          %parallel_loop3A_975 = arith.constant 16 : i32
          %parallel_loop3A_976 = arith.constant -16 : i32
          %parallel_loop3A_977 = vector.broadcast %parallel_loop3A_975 : i32 to vector<16xi32>
          %parallel_loop3A_978 = vector.broadcast %parallel_loop3A_976 : i32 to vector<16xi32>
          %parallel_loop3A_979 = arith.select %parallel_loop3A_974, %parallel_loop3A_977, %parallel_loop3A_978 : vector<16xi1>, vector<16xi32>
          %parallel_loop3A_980 = arith.addi %parallel_loop3A_916, %parallel_loop3A_979 : vector<16xi32>
          %parallel_loop3A_981 = arith.cmpf olt, %parallel_loop3A_949, %parallel_loop3A_430 : vector<16xf32>
          %parallel_loop3A_982 = arith.constant 16 : i32
          %parallel_loop3A_983 = arith.constant -16 : i32
          %parallel_loop3A_984 = vector.broadcast %parallel_loop3A_982 : i32 to vector<16xi32>
          %parallel_loop3A_985 = vector.broadcast %parallel_loop3A_983 : i32 to vector<16xi32>
          %parallel_loop3A_986 = arith.select %parallel_loop3A_981, %parallel_loop3A_984, %parallel_loop3A_985 : vector<16xi1>, vector<16xi32>
          %parallel_loop3A_987 = arith.addi %parallel_loop3A_923, %parallel_loop3A_986 : vector<16xi32>
          %parallel_loop3A_988 = arith.cmpf olt, %parallel_loop3A_950, %parallel_loop3A_436 : vector<16xf32>
          %parallel_loop3A_989 = arith.constant 16 : i32
          %parallel_loop3A_990 = arith.constant -16 : i32
          %parallel_loop3A_991 = vector.broadcast %parallel_loop3A_989 : i32 to vector<16xi32>
          %parallel_loop3A_992 = vector.broadcast %parallel_loop3A_990 : i32 to vector<16xi32>
          %parallel_loop3A_993 = arith.select %parallel_loop3A_988, %parallel_loop3A_991, %parallel_loop3A_992 : vector<16xi1>, vector<16xi32>
          %parallel_loop3A_994 = arith.addi %parallel_loop3A_930, %parallel_loop3A_993 : vector<16xi32>
          %parallel_loop3A_995 = arith.cmpf olt, %parallel_loop3A_951, %parallel_loop3A_442 : vector<16xf32>
          %parallel_loop3A_996 = arith.constant 16 : i32
          %parallel_loop3A_997 = arith.constant -16 : i32
          %parallel_loop3A_998 = vector.broadcast %parallel_loop3A_996 : i32 to vector<16xi32>
          %parallel_loop3A_999 = vector.broadcast %parallel_loop3A_997 : i32 to vector<16xi32>
          %parallel_loop3A_1000 = arith.select %parallel_loop3A_995, %parallel_loop3A_998, %parallel_loop3A_999 : vector<16xi1>, vector<16xi32>
          %parallel_loop3A_1001 = arith.addi %parallel_loop3A_937, %parallel_loop3A_1000 : vector<16xi32>
          %parallel_loop3A_1002 = arith.cmpf olt, %parallel_loop3A_952, %parallel_loop3A_448 : vector<16xf32>
          %parallel_loop3A_1003 = arith.constant 16 : i32
          %parallel_loop3A_1004 = arith.constant -16 : i32
          %parallel_loop3A_1005 = vector.broadcast %parallel_loop3A_1003 : i32 to vector<16xi32>
          %parallel_loop3A_1006 = vector.broadcast %parallel_loop3A_1004 : i32 to vector<16xi32>
          %parallel_loop3A_1007 = arith.select %parallel_loop3A_1002, %parallel_loop3A_1005, %parallel_loop3A_1006 : vector<16xi1>, vector<16xi32>
          %parallel_loop3A_1008 = arith.addi %parallel_loop3A_944, %parallel_loop3A_1007 : vector<16xi32>
          %parallel_loop3A_1009 = tpu.vector_load_idx %arg10[%parallel_loop3A_959] : memref<4096xf32, #tpu.memory_space<vmem>>[vector<16xi32>], vector<16xf32>,
          %parallel_loop3A_1010 = tpu.vector_load_idx %arg10[%parallel_loop3A_966] : memref<4096xf32, #tpu.memory_space<vmem>>[vector<16xi32>], vector<16xf32>,
          %parallel_loop3A_1011 = tpu.vector_load_idx %arg10[%parallel_loop3A_973] : memref<4096xf32, #tpu.memory_space<vmem>>[vector<16xi32>], vector<16xf32>,
          %parallel_loop3A_1012 = tpu.vector_load_idx %arg10[%parallel_loop3A_980] : memref<4096xf32, #tpu.memory_space<vmem>>[vector<16xi32>], vector<16xf32>,
          %parallel_loop3A_1013 = tpu.vector_load_idx %arg10[%parallel_loop3A_987] : memref<4096xf32, #tpu.memory_space<vmem>>[vector<16xi32>], vector<16xf32>,
          %parallel_loop3A_1014 = tpu.vector_load_idx %arg10[%parallel_loop3A_994] : memref<4096xf32, #tpu.memory_space<vmem>>[vector<16xi32>], vector<16xf32>,
          %parallel_loop3A_1015 = tpu.vector_load_idx %arg10[%parallel_loop3A_1001] : memref<4096xf32, #tpu.memory_space<vmem>>[vector<16xi32>], vector<16xf32>,
          %parallel_loop3A_1016 = tpu.vector_load_idx %arg10[%parallel_loop3A_1008] : memref<4096xf32, #tpu.memory_space<vmem>>[vector<16xi32>], vector<16xf32>,
          %parallel_loop3A_1017 = arith.cmpf olt, %parallel_loop3A_1009, %parallel_loop3A_406 : vector<16xf32>
          %parallel_loop3A_1018 = arith.constant 16 : i32
          %parallel_loop3A_1019 = arith.constant 0 : i32
          %parallel_loop3A_1020 = vector.broadcast %parallel_loop3A_1018 : i32 to vector<16xi32>
          %parallel_loop3A_1021 = vector.broadcast %parallel_loop3A_1019 : i32 to vector<16xi32>
          %parallel_loop3A_1022 = arith.select %parallel_loop3A_1017, %parallel_loop3A_1020, %parallel_loop3A_1021 : vector<16xi1>, vector<16xi32>
          %parallel_loop3A_1023 = arith.addi %parallel_loop3A_959, %parallel_loop3A_1022 : vector<16xi32>
          %parallel_loop3A_1024 = arith.cmpf olt, %parallel_loop3A_1010, %parallel_loop3A_412 : vector<16xf32>
          %parallel_loop3A_1025 = arith.constant 16 : i32
          %parallel_loop3A_1026 = arith.constant 0 : i32
          %parallel_loop3A_1027 = vector.broadcast %parallel_loop3A_1025 : i32 to vector<16xi32>
          %parallel_loop3A_1028 = vector.broadcast %parallel_loop3A_1026 : i32 to vector<16xi32>
          %parallel_loop3A_1029 = arith.select %parallel_loop3A_1024, %parallel_loop3A_1027, %parallel_loop3A_1028 : vector<16xi1>, vector<16xi32>
          %parallel_loop3A_1030 = arith.addi %parallel_loop3A_966, %parallel_loop3A_1029 : vector<16xi32>
          %parallel_loop3A_1031 = arith.cmpf olt, %parallel_loop3A_1011, %parallel_loop3A_418 : vector<16xf32>
          %parallel_loop3A_1032 = arith.constant 16 : i32
          %parallel_loop3A_1033 = arith.constant 0 : i32
          %parallel_loop3A_1034 = vector.broadcast %parallel_loop3A_1032 : i32 to vector<16xi32>
          %parallel_loop3A_1035 = vector.broadcast %parallel_loop3A_1033 : i32 to vector<16xi32>
          %parallel_loop3A_1036 = arith.select %parallel_loop3A_1031, %parallel_loop3A_1034, %parallel_loop3A_1035 : vector<16xi1>, vector<16xi32>
          %parallel_loop3A_1037 = arith.addi %parallel_loop3A_973, %parallel_loop3A_1036 : vector<16xi32>
          %parallel_loop3A_1038 = arith.cmpf olt, %parallel_loop3A_1012, %parallel_loop3A_424 : vector<16xf32>
          %parallel_loop3A_1039 = arith.constant 16 : i32
          %parallel_loop3A_1040 = arith.constant 0 : i32
          %parallel_loop3A_1041 = vector.broadcast %parallel_loop3A_1039 : i32 to vector<16xi32>
          %parallel_loop3A_1042 = vector.broadcast %parallel_loop3A_1040 : i32 to vector<16xi32>
          %parallel_loop3A_1043 = arith.select %parallel_loop3A_1038, %parallel_loop3A_1041, %parallel_loop3A_1042 : vector<16xi1>, vector<16xi32>
          %parallel_loop3A_1044 = arith.addi %parallel_loop3A_980, %parallel_loop3A_1043 : vector<16xi32>
          %parallel_loop3A_1045 = arith.cmpf olt, %parallel_loop3A_1013, %parallel_loop3A_430 : vector<16xf32>
          %parallel_loop3A_1046 = arith.constant 16 : i32
          %parallel_loop3A_1047 = arith.constant 0 : i32
          %parallel_loop3A_1048 = vector.broadcast %parallel_loop3A_1046 : i32 to vector<16xi32>
          %parallel_loop3A_1049 = vector.broadcast %parallel_loop3A_1047 : i32 to vector<16xi32>
          %parallel_loop3A_1050 = arith.select %parallel_loop3A_1045, %parallel_loop3A_1048, %parallel_loop3A_1049 : vector<16xi1>, vector<16xi32>
          %parallel_loop3A_1051 = arith.addi %parallel_loop3A_987, %parallel_loop3A_1050 : vector<16xi32>
          %parallel_loop3A_1052 = arith.cmpf olt, %parallel_loop3A_1014, %parallel_loop3A_436 : vector<16xf32>
          %parallel_loop3A_1053 = arith.constant 16 : i32
          %parallel_loop3A_1054 = arith.constant 0 : i32
          %parallel_loop3A_1055 = vector.broadcast %parallel_loop3A_1053 : i32 to vector<16xi32>
          %parallel_loop3A_1056 = vector.broadcast %parallel_loop3A_1054 : i32 to vector<16xi32>
          %parallel_loop3A_1057 = arith.select %parallel_loop3A_1052, %parallel_loop3A_1055, %parallel_loop3A_1056 : vector<16xi1>, vector<16xi32>
          %parallel_loop3A_1058 = arith.addi %parallel_loop3A_994, %parallel_loop3A_1057 : vector<16xi32>
          %parallel_loop3A_1059 = arith.cmpf olt, %parallel_loop3A_1015, %parallel_loop3A_442 : vector<16xf32>
          %parallel_loop3A_1060 = arith.constant 16 : i32
          %parallel_loop3A_1061 = arith.constant 0 : i32
          %parallel_loop3A_1062 = vector.broadcast %parallel_loop3A_1060 : i32 to vector<16xi32>
          %parallel_loop3A_1063 = vector.broadcast %parallel_loop3A_1061 : i32 to vector<16xi32>
          %parallel_loop3A_1064 = arith.select %parallel_loop3A_1059, %parallel_loop3A_1062, %parallel_loop3A_1063 : vector<16xi1>, vector<16xi32>
          %parallel_loop3A_1065 = arith.addi %parallel_loop3A_1001, %parallel_loop3A_1064 : vector<16xi32>
          %parallel_loop3A_1066 = arith.cmpf olt, %parallel_loop3A_1016, %parallel_loop3A_448 : vector<16xf32>
          %parallel_loop3A_1067 = arith.constant 16 : i32
          %parallel_loop3A_1068 = arith.constant 0 : i32
          %parallel_loop3A_1069 = vector.broadcast %parallel_loop3A_1067 : i32 to vector<16xi32>
          %parallel_loop3A_1070 = vector.broadcast %parallel_loop3A_1068 : i32 to vector<16xi32>
          %parallel_loop3A_1071 = arith.select %parallel_loop3A_1066, %parallel_loop3A_1069, %parallel_loop3A_1070 : vector<16xi1>, vector<16xi32>
          %parallel_loop3A_1072 = arith.addi %parallel_loop3A_1008, %parallel_loop3A_1071 : vector<16xi32>
          %parallel_loop3A_1073 = tpu.vector_load_idx %arg11[%parallel_loop3A_1023] : memref<4096xf32, #tpu.memory_space<vmem>>[vector<16xi32>], vector<16xf32>,
          %parallel_loop3A_1074 = tpu.vector_load_idx %arg11[%parallel_loop3A_1030] : memref<4096xf32, #tpu.memory_space<vmem>>[vector<16xi32>], vector<16xf32>,
          %parallel_loop3A_1075 = tpu.vector_load_idx %arg11[%parallel_loop3A_1037] : memref<4096xf32, #tpu.memory_space<vmem>>[vector<16xi32>], vector<16xf32>,
          %parallel_loop3A_1076 = tpu.vector_load_idx %arg11[%parallel_loop3A_1044] : memref<4096xf32, #tpu.memory_space<vmem>>[vector<16xi32>], vector<16xf32>,
          %parallel_loop3A_1077 = tpu.vector_load_idx %arg11[%parallel_loop3A_1051] : memref<4096xf32, #tpu.memory_space<vmem>>[vector<16xi32>], vector<16xf32>,
          %parallel_loop3A_1078 = tpu.vector_load_idx %arg11[%parallel_loop3A_1058] : memref<4096xf32, #tpu.memory_space<vmem>>[vector<16xi32>], vector<16xf32>,
          %parallel_loop3A_1079 = tpu.vector_load_idx %arg11[%parallel_loop3A_1065] : memref<4096xf32, #tpu.memory_space<vmem>>[vector<16xi32>], vector<16xf32>,
          %parallel_loop3A_1080 = tpu.vector_load_idx %arg11[%parallel_loop3A_1072] : memref<4096xf32, #tpu.memory_space<vmem>>[vector<16xi32>], vector<16xf32>,
          %parallel_loop3A_1081 = arith.constant 0 : i32
          %parallel_loop3A_1082 = arith.addi %parallel_loop3A_400, %parallel_loop3A_1081 : i32
          %parallel_loop3A_1083 = arith.index_cast %parallel_loop3A_395 : i32 to index
          %parallel_loop3A_1084 = arith.index_cast %parallel_loop3A_1082 : i32 to index
          %parallel_loop3A_1085 = tpu.vector_load %arg16[%parallel_loop3A_1083, %parallel_loop3A_1084] {strides = array<i32>} : memref<16x768xf32, #tpu.memory_space<vmem>>, vector<16xf32>,
          tpu.vector_store %arg16[%parallel_loop3A_1083, %parallel_loop3A_1084], %parallel_loop3A_1073 {strides = array<i32>} : memref<16x768xf32, #tpu.memory_space<vmem>>, vector<16xf32>,
          %parallel_loop3A_1086 = arith.constant 16 : i32
          %parallel_loop3A_1087 = arith.addi %parallel_loop3A_400, %parallel_loop3A_1086 : i32
          %parallel_loop3A_1088 = arith.index_cast %parallel_loop3A_395 : i32 to index
          %parallel_loop3A_1089 = arith.index_cast %parallel_loop3A_1087 : i32 to index
          %parallel_loop3A_1090 = tpu.vector_load %arg16[%parallel_loop3A_1088, %parallel_loop3A_1089] {strides = array<i32>} : memref<16x768xf32, #tpu.memory_space<vmem>>, vector<16xf32>,
          tpu.vector_store %arg16[%parallel_loop3A_1088, %parallel_loop3A_1089], %parallel_loop3A_1074 {strides = array<i32>} : memref<16x768xf32, #tpu.memory_space<vmem>>, vector<16xf32>,
          %parallel_loop3A_1091 = arith.constant 32 : i32
          %parallel_loop3A_1092 = arith.addi %parallel_loop3A_400, %parallel_loop3A_1091 : i32
          %parallel_loop3A_1093 = arith.index_cast %parallel_loop3A_395 : i32 to index
          %parallel_loop3A_1094 = arith.index_cast %parallel_loop3A_1092 : i32 to index
          %parallel_loop3A_1095 = tpu.vector_load %arg16[%parallel_loop3A_1093, %parallel_loop3A_1094] {strides = array<i32>} : memref<16x768xf32, #tpu.memory_space<vmem>>, vector<16xf32>,
          tpu.vector_store %arg16[%parallel_loop3A_1093, %parallel_loop3A_1094], %parallel_loop3A_1075 {strides = array<i32>} : memref<16x768xf32, #tpu.memory_space<vmem>>, vector<16xf32>,
          %parallel_loop3A_1096 = arith.constant 48 : i32
          %parallel_loop3A_1097 = arith.addi %parallel_loop3A_400, %parallel_loop3A_1096 : i32
          %parallel_loop3A_1098 = arith.index_cast %parallel_loop3A_395 : i32 to index
          %parallel_loop3A_1099 = arith.index_cast %parallel_loop3A_1097 : i32 to index
          %parallel_loop3A_1100 = tpu.vector_load %arg16[%parallel_loop3A_1098, %parallel_loop3A_1099] {strides = array<i32>} : memref<16x768xf32, #tpu.memory_space<vmem>>, vector<16xf32>,
          tpu.vector_store %arg16[%parallel_loop3A_1098, %parallel_loop3A_1099], %parallel_loop3A_1076 {strides = array<i32>} : memref<16x768xf32, #tpu.memory_space<vmem>>, vector<16xf32>,
          %parallel_loop3A_1101 = arith.constant 64 : i32
          %parallel_loop3A_1102 = arith.addi %parallel_loop3A_400, %parallel_loop3A_1101 : i32
          %parallel_loop3A_1103 = arith.index_cast %parallel_loop3A_395 : i32 to index
          %parallel_loop3A_1104 = arith.index_cast %parallel_loop3A_1102 : i32 to index
          %parallel_loop3A_1105 = tpu.vector_load %arg16[%parallel_loop3A_1103, %parallel_loop3A_1104] {strides = array<i32>} : memref<16x768xf32, #tpu.memory_space<vmem>>, vector<16xf32>,
          tpu.vector_store %arg16[%parallel_loop3A_1103, %parallel_loop3A_1104], %parallel_loop3A_1077 {strides = array<i32>} : memref<16x768xf32, #tpu.memory_space<vmem>>, vector<16xf32>,
          %parallel_loop3A_1106 = arith.constant 80 : i32
          %parallel_loop3A_1107 = arith.addi %parallel_loop3A_400, %parallel_loop3A_1106 : i32
          %parallel_loop3A_1108 = arith.index_cast %parallel_loop3A_395 : i32 to index
          %parallel_loop3A_1109 = arith.index_cast %parallel_loop3A_1107 : i32 to index
          %parallel_loop3A_1110 = tpu.vector_load %arg16[%parallel_loop3A_1108, %parallel_loop3A_1109] {strides = array<i32>} : memref<16x768xf32, #tpu.memory_space<vmem>>, vector<16xf32>,
          tpu.vector_store %arg16[%parallel_loop3A_1108, %parallel_loop3A_1109], %parallel_loop3A_1078 {strides = array<i32>} : memref<16x768xf32, #tpu.memory_space<vmem>>, vector<16xf32>,
          %parallel_loop3A_1111 = arith.constant 96 : i32
          %parallel_loop3A_1112 = arith.addi %parallel_loop3A_400, %parallel_loop3A_1111 : i32
          %parallel_loop3A_1113 = arith.index_cast %parallel_loop3A_395 : i32 to index
          %parallel_loop3A_1114 = arith.index_cast %parallel_loop3A_1112 : i32 to index
          %parallel_loop3A_1115 = tpu.vector_load %arg16[%parallel_loop3A_1113, %parallel_loop3A_1114] {strides = array<i32>} : memref<16x768xf32, #tpu.memory_space<vmem>>, vector<16xf32>,
          tpu.vector_store %arg16[%parallel_loop3A_1113, %parallel_loop3A_1114], %parallel_loop3A_1079 {strides = array<i32>} : memref<16x768xf32, #tpu.memory_space<vmem>>, vector<16xf32>,
          %parallel_loop3A_1116 = arith.constant 112 : i32
          %parallel_loop3A_1117 = arith.addi %parallel_loop3A_400, %parallel_loop3A_1116 : i32
          %parallel_loop3A_1118 = arith.index_cast %parallel_loop3A_395 : i32 to index
          %parallel_loop3A_1119 = arith.index_cast %parallel_loop3A_1117 : i32 to index
          %parallel_loop3A_1120 = tpu.vector_load %arg16[%parallel_loop3A_1118, %parallel_loop3A_1119] {strides = array<i32>} : memref<16x768xf32, #tpu.memory_space<vmem>>, vector<16xf32>,
          tpu.vector_store %arg16[%parallel_loop3A_1118, %parallel_loop3A_1119], %parallel_loop3A_1080 {strides = array<i32>} : memref<16x768xf32, #tpu.memory_space<vmem>>, vector<16xf32>,
        } {sc.loop_unroll_factor = 1 : i64, sc.parallel_access}
      } {sc.loop_unroll_factor = 1 : i64, sc.parallel_access}
      %dma_start3A_360 = arith.constant 0 : i32
      %dma_start3A_361 = tpu.memref_slice %arg6[%add3A_350, %dma_start3A_360] : memref<9216x768xf32, #tpu.memory_space<hbm>> -> memref<16x768xf32, #tpu.memory_space<hbm>>
      %dma_start3A_362 = arith.constant 0 : i32
      %dma_start3A_363 = tpu.memref_slice %arg6[%add3A_350, %dma_start3A_362] : memref<9216x768xf32, #tpu.memory_space<hbm>> -> memref<16x768xf32, #tpu.memory_space<hbm>>
      tpu.enqueue_dma source(%arg16 : memref<16x768xf32, #tpu.memory_space<vmem>>) target(%dma_start3A_363 : memref<16x768xf32, #tpu.memory_space<hbm>>) target_semaphore(%arg20 : memref<!tpu.dma_semaphore, #tpu.memory_space<semaphore_mem>>)
      %add3A_364 = arith.constant 1 : i32
      %add3A_365 = arith.addi %scan3A_345, %add3A_364 : i32
      %lt3A = arith.constant 9 : i32
      %lt3A_366 = arith.cmpi slt, %add3A_365, %lt3A : i32
      %convert_element_type3A_367 = arith.extui %lt3A_366 : i1 to i32
      %cond3A_368 = arith.constant 0 : i32
      %cond3A_369 = arith.cmpi ne, %convert_element_type3A_367, %cond3A_368 : i32
      scf.if %cond3A_369 {
        %add3A_395 = arith.constant 32 : i32
        %add3A_396 = arith.addi %add3A_350, %add3A_395 : i32
        %dma_start3A_397 = arith.constant 0 : i32
        %dma_start3A_398 = tpu.memref_slice %arg2[%add3A_396, %dma_start3A_397] : memref<9216x768xf32, #tpu.memory_space<hbm>> -> memref<16x768xf32, #tpu.memory_space<hbm>>
        %dma_start3A_399 = arith.constant 0 : i32
        %dma_start3A_400 = tpu.memref_slice %arg2[%add3A_396, %dma_start3A_399] : memref<9216x768xf32, #tpu.memory_space<hbm>> -> memref<16x768xf32, #tpu.memory_space<hbm>>
        tpu.enqueue_dma source(%dma_start3A_400 : memref<16x768xf32, #tpu.memory_space<hbm>>) target(%arg14 : memref<16x768xf32, #tpu.memory_space<vmem>>) target_semaphore(%arg18 : memref<!tpu.dma_semaphore, #tpu.memory_space<semaphore_mem>>)
      } else {
      }
      %add3A_370 = arith.constant 16 : i32
      %add3A_371 = arith.addi %add3A_350, %add3A_370 : i32
      %dma_wait3A_372 = arith.constant 0 : i32
      %dma_wait3A_373 = tpu.memref_slice %arg2[%add3A_371, %dma_wait3A_372] : memref<9216x768xf32, #tpu.memory_space<hbm>> -> memref<16x768xf32, #tpu.memory_space<hbm>>
      %dma_wait3A_374 = arith.constant 0 : i32
      %dma_wait3A_375 = tpu.memref_slice %arg2[%add3A_371, %dma_wait3A_374] : memref<9216x768xf32, #tpu.memory_space<hbm>> -> memref<16x768xf32, #tpu.memory_space<hbm>>
      tpu.wait_dma2 semaphore(%arg19 : memref<!tpu.dma_semaphore, #tpu.memory_space<semaphore_mem>>) src(%dma_wait3A_375 : memref<16x768xf32, #tpu.memory_space<hbm>>) dst(%arg15 : memref<16x768xf32, #tpu.memory_space<vmem>>)
      %gt3A_376 = arith.constant 0 : i32
      %gt3A_377 = arith.cmpi sgt, %scan3A_345, %gt3A_376 : i32
      %convert_element_type3A_378 = arith.extui %gt3A_377 : i1 to i32
      %cond3A_379 = arith.constant 0 : i32
      %cond3A_380 = arith.cmpi ne, %convert_element_type3A_378, %cond3A_379 : i32
      scf.if %cond3A_380 {
        %sub3A_395 = arith.constant 32 : i32
        %sub3A_396 = arith.subi %add3A_371, %sub3A_395 : i32
        %dma_wait3A_397 = arith.constant 0 : i32
        %dma_wait3A_398 = tpu.memref_slice %arg6[%sub3A_396, %dma_wait3A_397] : memref<9216x768xf32, #tpu.memory_space<hbm>> -> memref<16x768xf32, #tpu.memory_space<hbm>>
        %dma_wait3A_399 = arith.constant 0 : i32
        %dma_wait3A_400 = tpu.memref_slice %arg6[%sub3A_396, %dma_wait3A_399] : memref<9216x768xf32, #tpu.memory_space<hbm>> -> memref<16x768xf32, #tpu.memory_space<hbm>>
        tpu.wait_dma2 semaphore(%arg21 : memref<!tpu.dma_semaphore, #tpu.memory_space<semaphore_mem>>) src(%arg17 : memref<16x768xf32, #tpu.memory_space<vmem>>) dst(%dma_wait3A_400 : memref<16x768xf32, #tpu.memory_space<hbm>>)
      } else {
      }
      %parallel_loop3A_381 = arith.constant 0 : i32
      %parallel_loop3A_382 = arith.constant 16 : i32
      %parallel_loop3A_383 = arith.constant 1 : i32
      scf.for %parallel_loop3A_395 = %parallel_loop3A_381 to %parallel_loop3A_382 step %parallel_loop3A_383  : i32 {
        %parallel_loop3A_396 = arith.constant 0 : i32
        %parallel_loop3A_397 = arith.constant 768 : i32
        %parallel_loop3A_398 = arith.constant 128 : i32
        scf.for %parallel_loop3A_399 = %parallel_loop3A_396 to %parallel_loop3A_397 step %parallel_loop3A_398  : i32 {
          %parallel_loop3A_400 = tpu.assume_multiple %parallel_loop3A_399, 128 : i32
          %parallel_loop3A_401 = arith.constant 0 : i32
          %parallel_loop3A_402 = arith.addi %parallel_loop3A_400, %parallel_loop3A_401 : i32
          %parallel_loop3A_403 = arith.index_cast %parallel_loop3A_395 : i32 to index
          %parallel_loop3A_404 = arith.index_cast %parallel_loop3A_402 : i32 to index
          %parallel_loop3A_405 = tpu.vector_load %arg15[%parallel_loop3A_403, %parallel_loop3A_404] {strides = array<i32>} : memref<16x768xf32, #tpu.memory_space<vmem>>, vector<16xf32>,
          %parallel_loop3A_406 = arith.mulf %parallel_loop3A_405, %get3A_5 : vector<16xf32>
          %parallel_loop3A_407 = arith.constant 16 : i32
          %parallel_loop3A_408 = arith.addi %parallel_loop3A_400, %parallel_loop3A_407 : i32
          %parallel_loop3A_409 = arith.index_cast %parallel_loop3A_395 : i32 to index
          %parallel_loop3A_410 = arith.index_cast %parallel_loop3A_408 : i32 to index
          %parallel_loop3A_411 = tpu.vector_load %arg15[%parallel_loop3A_409, %parallel_loop3A_410] {strides = array<i32>} : memref<16x768xf32, #tpu.memory_space<vmem>>, vector<16xf32>,
          %parallel_loop3A_412 = arith.mulf %parallel_loop3A_411, %get3A_5 : vector<16xf32>
          %parallel_loop3A_413 = arith.constant 32 : i32
          %parallel_loop3A_414 = arith.addi %parallel_loop3A_400, %parallel_loop3A_413 : i32
          %parallel_loop3A_415 = arith.index_cast %parallel_loop3A_395 : i32 to index
          %parallel_loop3A_416 = arith.index_cast %parallel_loop3A_414 : i32 to index
          %parallel_loop3A_417 = tpu.vector_load %arg15[%parallel_loop3A_415, %parallel_loop3A_416] {strides = array<i32>} : memref<16x768xf32, #tpu.memory_space<vmem>>, vector<16xf32>,
          %parallel_loop3A_418 = arith.mulf %parallel_loop3A_417, %get3A_5 : vector<16xf32>
          %parallel_loop3A_419 = arith.constant 48 : i32
          %parallel_loop3A_420 = arith.addi %parallel_loop3A_400, %parallel_loop3A_419 : i32
          %parallel_loop3A_421 = arith.index_cast %parallel_loop3A_395 : i32 to index
          %parallel_loop3A_422 = arith.index_cast %parallel_loop3A_420 : i32 to index
          %parallel_loop3A_423 = tpu.vector_load %arg15[%parallel_loop3A_421, %parallel_loop3A_422] {strides = array<i32>} : memref<16x768xf32, #tpu.memory_space<vmem>>, vector<16xf32>,
          %parallel_loop3A_424 = arith.mulf %parallel_loop3A_423, %get3A_5 : vector<16xf32>
          %parallel_loop3A_425 = arith.constant 64 : i32
          %parallel_loop3A_426 = arith.addi %parallel_loop3A_400, %parallel_loop3A_425 : i32
          %parallel_loop3A_427 = arith.index_cast %parallel_loop3A_395 : i32 to index
          %parallel_loop3A_428 = arith.index_cast %parallel_loop3A_426 : i32 to index
          %parallel_loop3A_429 = tpu.vector_load %arg15[%parallel_loop3A_427, %parallel_loop3A_428] {strides = array<i32>} : memref<16x768xf32, #tpu.memory_space<vmem>>, vector<16xf32>,
          %parallel_loop3A_430 = arith.mulf %parallel_loop3A_429, %get3A_5 : vector<16xf32>
          %parallel_loop3A_431 = arith.constant 80 : i32
          %parallel_loop3A_432 = arith.addi %parallel_loop3A_400, %parallel_loop3A_431 : i32
          %parallel_loop3A_433 = arith.index_cast %parallel_loop3A_395 : i32 to index
          %parallel_loop3A_434 = arith.index_cast %parallel_loop3A_432 : i32 to index
          %parallel_loop3A_435 = tpu.vector_load %arg15[%parallel_loop3A_433, %parallel_loop3A_434] {strides = array<i32>} : memref<16x768xf32, #tpu.memory_space<vmem>>, vector<16xf32>,
          %parallel_loop3A_436 = arith.mulf %parallel_loop3A_435, %get3A_5 : vector<16xf32>
          %parallel_loop3A_437 = arith.constant 96 : i32
          %parallel_loop3A_438 = arith.addi %parallel_loop3A_400, %parallel_loop3A_437 : i32
          %parallel_loop3A_439 = arith.index_cast %parallel_loop3A_395 : i32 to index
          %parallel_loop3A_440 = arith.index_cast %parallel_loop3A_438 : i32 to index
          %parallel_loop3A_441 = tpu.vector_load %arg15[%parallel_loop3A_439, %parallel_loop3A_440] {strides = array<i32>} : memref<16x768xf32, #tpu.memory_space<vmem>>, vector<16xf32>,
          %parallel_loop3A_442 = arith.mulf %parallel_loop3A_441, %get3A_5 : vector<16xf32>
          %parallel_loop3A_443 = arith.constant 112 : i32
          %parallel_loop3A_444 = arith.addi %parallel_loop3A_400, %parallel_loop3A_443 : i32
          %parallel_loop3A_445 = arith.index_cast %parallel_loop3A_395 : i32 to index
          %parallel_loop3A_446 = arith.index_cast %parallel_loop3A_444 : i32 to index
          %parallel_loop3A_447 = tpu.vector_load %arg15[%parallel_loop3A_445, %parallel_loop3A_446] {strides = array<i32>} : memref<16x768xf32, #tpu.memory_space<vmem>>, vector<16xf32>,
          %parallel_loop3A_448 = arith.mulf %parallel_loop3A_447, %get3A_5 : vector<16xf32>
          %parallel_loop3A_449 = arith.constant 7 : i32
          %parallel_loop3A_450 = vector.broadcast %parallel_loop3A_449 : i32 to vector<16xi32>
          %parallel_loop3A_451 = arith.constant 7 : i32
          %parallel_loop3A_452 = vector.broadcast %parallel_loop3A_451 : i32 to vector<16xi32>
          %parallel_loop3A_453 = arith.constant 7 : i32
          %parallel_loop3A_454 = vector.broadcast %parallel_loop3A_453 : i32 to vector<16xi32>
          %parallel_loop3A_455 = arith.constant 7 : i32
          %parallel_loop3A_456 = vector.broadcast %parallel_loop3A_455 : i32 to vector<16xi32>
          %parallel_loop3A_457 = arith.constant 7 : i32
          %parallel_loop3A_458 = vector.broadcast %parallel_loop3A_457 : i32 to vector<16xi32>
          %parallel_loop3A_459 = arith.constant 7 : i32
          %parallel_loop3A_460 = vector.broadcast %parallel_loop3A_459 : i32 to vector<16xi32>
          %parallel_loop3A_461 = arith.constant 7 : i32
          %parallel_loop3A_462 = vector.broadcast %parallel_loop3A_461 : i32 to vector<16xi32>
          %parallel_loop3A_463 = arith.constant 7 : i32
          %parallel_loop3A_464 = vector.broadcast %parallel_loop3A_463 : i32 to vector<16xi32>
          %parallel_loop3A_465 = vector.shape_cast %parallel_loop3A_450 : vector<16xi32> to vector<16x1xi32>
          %parallel_loop3A_466 = vector.shape_cast %parallel_loop3A_465 : vector<16x1xi32> to vector<16xi32>
          %parallel_loop3A_467 = tpu.dynamic_gather %gather3A_318[%parallel_loop3A_466] in [0] : vector<16xf32>, vector<16xi32> -> vector<16xf32>
          %parallel_loop3A_468 = vector.shape_cast %parallel_loop3A_452 : vector<16xi32> to vector<16x1xi32>
          %parallel_loop3A_469 = vector.shape_cast %parallel_loop3A_468 : vector<16x1xi32> to vector<16xi32>
          %parallel_loop3A_470 = tpu.dynamic_gather %gather3A_318[%parallel_loop3A_469] in [0] : vector<16xf32>, vector<16xi32> -> vector<16xf32>
          %parallel_loop3A_471 = vector.shape_cast %parallel_loop3A_454 : vector<16xi32> to vector<16x1xi32>
          %parallel_loop3A_472 = vector.shape_cast %parallel_loop3A_471 : vector<16x1xi32> to vector<16xi32>
          %parallel_loop3A_473 = tpu.dynamic_gather %gather3A_318[%parallel_loop3A_472] in [0] : vector<16xf32>, vector<16xi32> -> vector<16xf32>
          %parallel_loop3A_474 = vector.shape_cast %parallel_loop3A_456 : vector<16xi32> to vector<16x1xi32>
          %parallel_loop3A_475 = vector.shape_cast %parallel_loop3A_474 : vector<16x1xi32> to vector<16xi32>
          %parallel_loop3A_476 = tpu.dynamic_gather %gather3A_318[%parallel_loop3A_475] in [0] : vector<16xf32>, vector<16xi32> -> vector<16xf32>
          %parallel_loop3A_477 = vector.shape_cast %parallel_loop3A_458 : vector<16xi32> to vector<16x1xi32>
          %parallel_loop3A_478 = vector.shape_cast %parallel_loop3A_477 : vector<16x1xi32> to vector<16xi32>
          %parallel_loop3A_479 = tpu.dynamic_gather %gather3A_318[%parallel_loop3A_478] in [0] : vector<16xf32>, vector<16xi32> -> vector<16xf32>
          %parallel_loop3A_480 = vector.shape_cast %parallel_loop3A_460 : vector<16xi32> to vector<16x1xi32>
          %parallel_loop3A_481 = vector.shape_cast %parallel_loop3A_480 : vector<16x1xi32> to vector<16xi32>
          %parallel_loop3A_482 = tpu.dynamic_gather %gather3A_318[%parallel_loop3A_481] in [0] : vector<16xf32>, vector<16xi32> -> vector<16xf32>
          %parallel_loop3A_483 = vector.shape_cast %parallel_loop3A_462 : vector<16xi32> to vector<16x1xi32>
          %parallel_loop3A_484 = vector.shape_cast %parallel_loop3A_483 : vector<16x1xi32> to vector<16xi32>
          %parallel_loop3A_485 = tpu.dynamic_gather %gather3A_318[%parallel_loop3A_484] in [0] : vector<16xf32>, vector<16xi32> -> vector<16xf32>
          %parallel_loop3A_486 = vector.shape_cast %parallel_loop3A_464 : vector<16xi32> to vector<16x1xi32>
          %parallel_loop3A_487 = vector.shape_cast %parallel_loop3A_486 : vector<16x1xi32> to vector<16xi32>
          %parallel_loop3A_488 = tpu.dynamic_gather %gather3A_318[%parallel_loop3A_487] in [0] : vector<16xf32>, vector<16xi32> -> vector<16xf32>
          %parallel_loop3A_489 = arith.cmpf olt, %parallel_loop3A_467, %parallel_loop3A_406 : vector<16xf32>
          %parallel_loop3A_490 = arith.constant 4 : i32
          %parallel_loop3A_491 = arith.constant -4 : i32
          %parallel_loop3A_492 = vector.broadcast %parallel_loop3A_490 : i32 to vector<16xi32>
          %parallel_loop3A_493 = vector.broadcast %parallel_loop3A_491 : i32 to vector<16xi32>
          %parallel_loop3A_494 = arith.select %parallel_loop3A_489, %parallel_loop3A_492, %parallel_loop3A_493 : vector<16xi1>, vector<16xi32>
          %parallel_loop3A_495 = arith.addi %parallel_loop3A_450, %parallel_loop3A_494 : vector<16xi32>
          %parallel_loop3A_496 = arith.cmpf olt, %parallel_loop3A_470, %parallel_loop3A_412 : vector<16xf32>
          %parallel_loop3A_497 = arith.constant 4 : i32
          %parallel_loop3A_498 = arith.constant -4 : i32
          %parallel_loop3A_499 = vector.broadcast %parallel_loop3A_497 : i32 to vector<16xi32>
          %parallel_loop3A_500 = vector.broadcast %parallel_loop3A_498 : i32 to vector<16xi32>
          %parallel_loop3A_501 = arith.select %parallel_loop3A_496, %parallel_loop3A_499, %parallel_loop3A_500 : vector<16xi1>, vector<16xi32>
          %parallel_loop3A_502 = arith.addi %parallel_loop3A_452, %parallel_loop3A_501 : vector<16xi32>
          %parallel_loop3A_503 = arith.cmpf olt, %parallel_loop3A_473, %parallel_loop3A_418 : vector<16xf32>
          %parallel_loop3A_504 = arith.constant 4 : i32
          %parallel_loop3A_505 = arith.constant -4 : i32
          %parallel_loop3A_506 = vector.broadcast %parallel_loop3A_504 : i32 to vector<16xi32>
          %parallel_loop3A_507 = vector.broadcast %parallel_loop3A_505 : i32 to vector<16xi32>
          %parallel_loop3A_508 = arith.select %parallel_loop3A_503, %parallel_loop3A_506, %parallel_loop3A_507 : vector<16xi1>, vector<16xi32>
          %parallel_loop3A_509 = arith.addi %parallel_loop3A_454, %parallel_loop3A_508 : vector<16xi32>
          %parallel_loop3A_510 = arith.cmpf olt, %parallel_loop3A_476, %parallel_loop3A_424 : vector<16xf32>
          %parallel_loop3A_511 = arith.constant 4 : i32
          %parallel_loop3A_512 = arith.constant -4 : i32
          %parallel_loop3A_513 = vector.broadcast %parallel_loop3A_511 : i32 to vector<16xi32>
          %parallel_loop3A_514 = vector.broadcast %parallel_loop3A_512 : i32 to vector<16xi32>
          %parallel_loop3A_515 = arith.select %parallel_loop3A_510, %parallel_loop3A_513, %parallel_loop3A_514 : vector<16xi1>, vector<16xi32>
          %parallel_loop3A_516 = arith.addi %parallel_loop3A_456, %parallel_loop3A_515 : vector<16xi32>
          %parallel_loop3A_517 = arith.cmpf olt, %parallel_loop3A_479, %parallel_loop3A_430 : vector<16xf32>
          %parallel_loop3A_518 = arith.constant 4 : i32
          %parallel_loop3A_519 = arith.constant -4 : i32
          %parallel_loop3A_520 = vector.broadcast %parallel_loop3A_518 : i32 to vector<16xi32>
          %parallel_loop3A_521 = vector.broadcast %parallel_loop3A_519 : i32 to vector<16xi32>
          %parallel_loop3A_522 = arith.select %parallel_loop3A_517, %parallel_loop3A_520, %parallel_loop3A_521 : vector<16xi1>, vector<16xi32>
          %parallel_loop3A_523 = arith.addi %parallel_loop3A_458, %parallel_loop3A_522 : vector<16xi32>
          %parallel_loop3A_524 = arith.cmpf olt, %parallel_loop3A_482, %parallel_loop3A_436 : vector<16xf32>
          %parallel_loop3A_525 = arith.constant 4 : i32
          %parallel_loop3A_526 = arith.constant -4 : i32
          %parallel_loop3A_527 = vector.broadcast %parallel_loop3A_525 : i32 to vector<16xi32>
          %parallel_loop3A_528 = vector.broadcast %parallel_loop3A_526 : i32 to vector<16xi32>
          %parallel_loop3A_529 = arith.select %parallel_loop3A_524, %parallel_loop3A_527, %parallel_loop3A_528 : vector<16xi1>, vector<16xi32>
          %parallel_loop3A_530 = arith.addi %parallel_loop3A_460, %parallel_loop3A_529 : vector<16xi32>
          %parallel_loop3A_531 = arith.cmpf olt, %parallel_loop3A_485, %parallel_loop3A_442 : vector<16xf32>
          %parallel_loop3A_532 = arith.constant 4 : i32
          %parallel_loop3A_533 = arith.constant -4 : i32
          %parallel_loop3A_534 = vector.broadcast %parallel_loop3A_532 : i32 to vector<16xi32>
          %parallel_loop3A_535 = vector.broadcast %parallel_loop3A_533 : i32 to vector<16xi32>
          %parallel_loop3A_536 = arith.select %parallel_loop3A_531, %parallel_loop3A_534, %parallel_loop3A_535 : vector<16xi1>, vector<16xi32>
          %parallel_loop3A_537 = arith.addi %parallel_loop3A_462, %parallel_loop3A_536 : vector<16xi32>
          %parallel_loop3A_538 = arith.cmpf olt, %parallel_loop3A_488, %parallel_loop3A_448 : vector<16xf32>
          %parallel_loop3A_539 = arith.constant 4 : i32
          %parallel_loop3A_540 = arith.constant -4 : i32
          %parallel_loop3A_541 = vector.broadcast %parallel_loop3A_539 : i32 to vector<16xi32>
          %parallel_loop3A_542 = vector.broadcast %parallel_loop3A_540 : i32 to vector<16xi32>
          %parallel_loop3A_543 = arith.select %parallel_loop3A_538, %parallel_loop3A_541, %parallel_loop3A_542 : vector<16xi1>, vector<16xi32>
          %parallel_loop3A_544 = arith.addi %parallel_loop3A_464, %parallel_loop3A_543 : vector<16xi32>
          %parallel_loop3A_545 = vector.shape_cast %parallel_loop3A_495 : vector<16xi32> to vector<16x1xi32>
          %parallel_loop3A_546 = vector.shape_cast %parallel_loop3A_545 : vector<16x1xi32> to vector<16xi32>
          %parallel_loop3A_547 = tpu.dynamic_gather %gather3A_318[%parallel_loop3A_546] in [0] : vector<16xf32>, vector<16xi32> -> vector<16xf32>
          %parallel_loop3A_548 = vector.shape_cast %parallel_loop3A_502 : vector<16xi32> to vector<16x1xi32>
          %parallel_loop3A_549 = vector.shape_cast %parallel_loop3A_548 : vector<16x1xi32> to vector<16xi32>
          %parallel_loop3A_550 = tpu.dynamic_gather %gather3A_318[%parallel_loop3A_549] in [0] : vector<16xf32>, vector<16xi32> -> vector<16xf32>
          %parallel_loop3A_551 = vector.shape_cast %parallel_loop3A_509 : vector<16xi32> to vector<16x1xi32>
          %parallel_loop3A_552 = vector.shape_cast %parallel_loop3A_551 : vector<16x1xi32> to vector<16xi32>
          %parallel_loop3A_553 = tpu.dynamic_gather %gather3A_318[%parallel_loop3A_552] in [0] : vector<16xf32>, vector<16xi32> -> vector<16xf32>
          %parallel_loop3A_554 = vector.shape_cast %parallel_loop3A_516 : vector<16xi32> to vector<16x1xi32>
          %parallel_loop3A_555 = vector.shape_cast %parallel_loop3A_554 : vector<16x1xi32> to vector<16xi32>
          %parallel_loop3A_556 = tpu.dynamic_gather %gather3A_318[%parallel_loop3A_555] in [0] : vector<16xf32>, vector<16xi32> -> vector<16xf32>
          %parallel_loop3A_557 = vector.shape_cast %parallel_loop3A_523 : vector<16xi32> to vector<16x1xi32>
          %parallel_loop3A_558 = vector.shape_cast %parallel_loop3A_557 : vector<16x1xi32> to vector<16xi32>
          %parallel_loop3A_559 = tpu.dynamic_gather %gather3A_318[%parallel_loop3A_558] in [0] : vector<16xf32>, vector<16xi32> -> vector<16xf32>
          %parallel_loop3A_560 = vector.shape_cast %parallel_loop3A_530 : vector<16xi32> to vector<16x1xi32>
          %parallel_loop3A_561 = vector.shape_cast %parallel_loop3A_560 : vector<16x1xi32> to vector<16xi32>
          %parallel_loop3A_562 = tpu.dynamic_gather %gather3A_318[%parallel_loop3A_561] in [0] : vector<16xf32>, vector<16xi32> -> vector<16xf32>
          %parallel_loop3A_563 = vector.shape_cast %parallel_loop3A_537 : vector<16xi32> to vector<16x1xi32>
          %parallel_loop3A_564 = vector.shape_cast %parallel_loop3A_563 : vector<16x1xi32> to vector<16xi32>
          %parallel_loop3A_565 = tpu.dynamic_gather %gather3A_318[%parallel_loop3A_564] in [0] : vector<16xf32>, vector<16xi32> -> vector<16xf32>
          %parallel_loop3A_566 = vector.shape_cast %parallel_loop3A_544 : vector<16xi32> to vector<16x1xi32>
          %parallel_loop3A_567 = vector.shape_cast %parallel_loop3A_566 : vector<16x1xi32> to vector<16xi32>
          %parallel_loop3A_568 = tpu.dynamic_gather %gather3A_318[%parallel_loop3A_567] in [0] : vector<16xf32>, vector<16xi32> -> vector<16xf32>
          %parallel_loop3A_569 = arith.cmpf olt, %parallel_loop3A_547, %parallel_loop3A_406 : vector<16xf32>
          %parallel_loop3A_570 = arith.constant 2 : i32
          %parallel_loop3A_571 = arith.constant -2 : i32
          %parallel_loop3A_572 = vector.broadcast %parallel_loop3A_570 : i32 to vector<16xi32>
          %parallel_loop3A_573 = vector.broadcast %parallel_loop3A_571 : i32 to vector<16xi32>
          %parallel_loop3A_574 = arith.select %parallel_loop3A_569, %parallel_loop3A_572, %parallel_loop3A_573 : vector<16xi1>, vector<16xi32>
          %parallel_loop3A_575 = arith.addi %parallel_loop3A_495, %parallel_loop3A_574 : vector<16xi32>
          %parallel_loop3A_576 = arith.cmpf olt, %parallel_loop3A_550, %parallel_loop3A_412 : vector<16xf32>
          %parallel_loop3A_577 = arith.constant 2 : i32
          %parallel_loop3A_578 = arith.constant -2 : i32
          %parallel_loop3A_579 = vector.broadcast %parallel_loop3A_577 : i32 to vector<16xi32>
          %parallel_loop3A_580 = vector.broadcast %parallel_loop3A_578 : i32 to vector<16xi32>
          %parallel_loop3A_581 = arith.select %parallel_loop3A_576, %parallel_loop3A_579, %parallel_loop3A_580 : vector<16xi1>, vector<16xi32>
          %parallel_loop3A_582 = arith.addi %parallel_loop3A_502, %parallel_loop3A_581 : vector<16xi32>
          %parallel_loop3A_583 = arith.cmpf olt, %parallel_loop3A_553, %parallel_loop3A_418 : vector<16xf32>
          %parallel_loop3A_584 = arith.constant 2 : i32
          %parallel_loop3A_585 = arith.constant -2 : i32
          %parallel_loop3A_586 = vector.broadcast %parallel_loop3A_584 : i32 to vector<16xi32>
          %parallel_loop3A_587 = vector.broadcast %parallel_loop3A_585 : i32 to vector<16xi32>
          %parallel_loop3A_588 = arith.select %parallel_loop3A_583, %parallel_loop3A_586, %parallel_loop3A_587 : vector<16xi1>, vector<16xi32>
          %parallel_loop3A_589 = arith.addi %parallel_loop3A_509, %parallel_loop3A_588 : vector<16xi32>
          %parallel_loop3A_590 = arith.cmpf olt, %parallel_loop3A_556, %parallel_loop3A_424 : vector<16xf32>
          %parallel_loop3A_591 = arith.constant 2 : i32
          %parallel_loop3A_592 = arith.constant -2 : i32
          %parallel_loop3A_593 = vector.broadcast %parallel_loop3A_591 : i32 to vector<16xi32>
          %parallel_loop3A_594 = vector.broadcast %parallel_loop3A_592 : i32 to vector<16xi32>
          %parallel_loop3A_595 = arith.select %parallel_loop3A_590, %parallel_loop3A_593, %parallel_loop3A_594 : vector<16xi1>, vector<16xi32>
          %parallel_loop3A_596 = arith.addi %parallel_loop3A_516, %parallel_loop3A_595 : vector<16xi32>
          %parallel_loop3A_597 = arith.cmpf olt, %parallel_loop3A_559, %parallel_loop3A_430 : vector<16xf32>
          %parallel_loop3A_598 = arith.constant 2 : i32
          %parallel_loop3A_599 = arith.constant -2 : i32
          %parallel_loop3A_600 = vector.broadcast %parallel_loop3A_598 : i32 to vector<16xi32>
          %parallel_loop3A_601 = vector.broadcast %parallel_loop3A_599 : i32 to vector<16xi32>
          %parallel_loop3A_602 = arith.select %parallel_loop3A_597, %parallel_loop3A_600, %parallel_loop3A_601 : vector<16xi1>, vector<16xi32>
          %parallel_loop3A_603 = arith.addi %parallel_loop3A_523, %parallel_loop3A_602 : vector<16xi32>
          %parallel_loop3A_604 = arith.cmpf olt, %parallel_loop3A_562, %parallel_loop3A_436 : vector<16xf32>
          %parallel_loop3A_605 = arith.constant 2 : i32
          %parallel_loop3A_606 = arith.constant -2 : i32
          %parallel_loop3A_607 = vector.broadcast %parallel_loop3A_605 : i32 to vector<16xi32>
          %parallel_loop3A_608 = vector.broadcast %parallel_loop3A_606 : i32 to vector<16xi32>
          %parallel_loop3A_609 = arith.select %parallel_loop3A_604, %parallel_loop3A_607, %parallel_loop3A_608 : vector<16xi1>, vector<16xi32>
          %parallel_loop3A_610 = arith.addi %parallel_loop3A_530, %parallel_loop3A_609 : vector<16xi32>
          %parallel_loop3A_611 = arith.cmpf olt, %parallel_loop3A_565, %parallel_loop3A_442 : vector<16xf32>
          %parallel_loop3A_612 = arith.constant 2 : i32
          %parallel_loop3A_613 = arith.constant -2 : i32
          %parallel_loop3A_614 = vector.broadcast %parallel_loop3A_612 : i32 to vector<16xi32>
          %parallel_loop3A_615 = vector.broadcast %parallel_loop3A_613 : i32 to vector<16xi32>
          %parallel_loop3A_616 = arith.select %parallel_loop3A_611, %parallel_loop3A_614, %parallel_loop3A_615 : vector<16xi1>, vector<16xi32>
          %parallel_loop3A_617 = arith.addi %parallel_loop3A_537, %parallel_loop3A_616 : vector<16xi32>
          %parallel_loop3A_618 = arith.cmpf olt, %parallel_loop3A_568, %parallel_loop3A_448 : vector<16xf32>
          %parallel_loop3A_619 = arith.constant 2 : i32
          %parallel_loop3A_620 = arith.constant -2 : i32
          %parallel_loop3A_621 = vector.broadcast %parallel_loop3A_619 : i32 to vector<16xi32>
          %parallel_loop3A_622 = vector.broadcast %parallel_loop3A_620 : i32 to vector<16xi32>
          %parallel_loop3A_623 = arith.select %parallel_loop3A_618, %parallel_loop3A_621, %parallel_loop3A_622 : vector<16xi1>, vector<16xi32>
          %parallel_loop3A_624 = arith.addi %parallel_loop3A_544, %parallel_loop3A_623 : vector<16xi32>
          %parallel_loop3A_625 = vector.shape_cast %parallel_loop3A_575 : vector<16xi32> to vector<16x1xi32>
          %parallel_loop3A_626 = vector.shape_cast %parallel_loop3A_625 : vector<16x1xi32> to vector<16xi32>
          %parallel_loop3A_627 = tpu.dynamic_gather %gather3A_318[%parallel_loop3A_626] in [0] : vector<16xf32>, vector<16xi32> -> vector<16xf32>
          %parallel_loop3A_628 = vector.shape_cast %parallel_loop3A_582 : vector<16xi32> to vector<16x1xi32>
          %parallel_loop3A_629 = vector.shape_cast %parallel_loop3A_628 : vector<16x1xi32> to vector<16xi32>
          %parallel_loop3A_630 = tpu.dynamic_gather %gather3A_318[%parallel_loop3A_629] in [0] : vector<16xf32>, vector<16xi32> -> vector<16xf32>
          %parallel_loop3A_631 = vector.shape_cast %parallel_loop3A_589 : vector<16xi32> to vector<16x1xi32>
          %parallel_loop3A_632 = vector.shape_cast %parallel_loop3A_631 : vector<16x1xi32> to vector<16xi32>
          %parallel_loop3A_633 = tpu.dynamic_gather %gather3A_318[%parallel_loop3A_632] in [0] : vector<16xf32>, vector<16xi32> -> vector<16xf32>
          %parallel_loop3A_634 = vector.shape_cast %parallel_loop3A_596 : vector<16xi32> to vector<16x1xi32>
          %parallel_loop3A_635 = vector.shape_cast %parallel_loop3A_634 : vector<16x1xi32> to vector<16xi32>
          %parallel_loop3A_636 = tpu.dynamic_gather %gather3A_318[%parallel_loop3A_635] in [0] : vector<16xf32>, vector<16xi32> -> vector<16xf32>
          %parallel_loop3A_637 = vector.shape_cast %parallel_loop3A_603 : vector<16xi32> to vector<16x1xi32>
          %parallel_loop3A_638 = vector.shape_cast %parallel_loop3A_637 : vector<16x1xi32> to vector<16xi32>
          %parallel_loop3A_639 = tpu.dynamic_gather %gather3A_318[%parallel_loop3A_638] in [0] : vector<16xf32>, vector<16xi32> -> vector<16xf32>
          %parallel_loop3A_640 = vector.shape_cast %parallel_loop3A_610 : vector<16xi32> to vector<16x1xi32>
          %parallel_loop3A_641 = vector.shape_cast %parallel_loop3A_640 : vector<16x1xi32> to vector<16xi32>
          %parallel_loop3A_642 = tpu.dynamic_gather %gather3A_318[%parallel_loop3A_641] in [0] : vector<16xf32>, vector<16xi32> -> vector<16xf32>
          %parallel_loop3A_643 = vector.shape_cast %parallel_loop3A_617 : vector<16xi32> to vector<16x1xi32>
          %parallel_loop3A_644 = vector.shape_cast %parallel_loop3A_643 : vector<16x1xi32> to vector<16xi32>
          %parallel_loop3A_645 = tpu.dynamic_gather %gather3A_318[%parallel_loop3A_644] in [0] : vector<16xf32>, vector<16xi32> -> vector<16xf32>
          %parallel_loop3A_646 = vector.shape_cast %parallel_loop3A_624 : vector<16xi32> to vector<16x1xi32>
          %parallel_loop3A_647 = vector.shape_cast %parallel_loop3A_646 : vector<16x1xi32> to vector<16xi32>
          %parallel_loop3A_648 = tpu.dynamic_gather %gather3A_318[%parallel_loop3A_647] in [0] : vector<16xf32>, vector<16xi32> -> vector<16xf32>
          %parallel_loop3A_649 = arith.cmpf olt, %parallel_loop3A_627, %parallel_loop3A_406 : vector<16xf32>
          %parallel_loop3A_650 = arith.constant 1 : i32
          %parallel_loop3A_651 = arith.constant -1 : i32
          %parallel_loop3A_652 = vector.broadcast %parallel_loop3A_650 : i32 to vector<16xi32>
          %parallel_loop3A_653 = vector.broadcast %parallel_loop3A_651 : i32 to vector<16xi32>
          %parallel_loop3A_654 = arith.select %parallel_loop3A_649, %parallel_loop3A_652, %parallel_loop3A_653 : vector<16xi1>, vector<16xi32>
          %parallel_loop3A_655 = arith.addi %parallel_loop3A_575, %parallel_loop3A_654 : vector<16xi32>
          %parallel_loop3A_656 = arith.cmpf olt, %parallel_loop3A_630, %parallel_loop3A_412 : vector<16xf32>
          %parallel_loop3A_657 = arith.constant 1 : i32
          %parallel_loop3A_658 = arith.constant -1 : i32
          %parallel_loop3A_659 = vector.broadcast %parallel_loop3A_657 : i32 to vector<16xi32>
          %parallel_loop3A_660 = vector.broadcast %parallel_loop3A_658 : i32 to vector<16xi32>
          %parallel_loop3A_661 = arith.select %parallel_loop3A_656, %parallel_loop3A_659, %parallel_loop3A_660 : vector<16xi1>, vector<16xi32>
          %parallel_loop3A_662 = arith.addi %parallel_loop3A_582, %parallel_loop3A_661 : vector<16xi32>
          %parallel_loop3A_663 = arith.cmpf olt, %parallel_loop3A_633, %parallel_loop3A_418 : vector<16xf32>
          %parallel_loop3A_664 = arith.constant 1 : i32
          %parallel_loop3A_665 = arith.constant -1 : i32
          %parallel_loop3A_666 = vector.broadcast %parallel_loop3A_664 : i32 to vector<16xi32>
          %parallel_loop3A_667 = vector.broadcast %parallel_loop3A_665 : i32 to vector<16xi32>
          %parallel_loop3A_668 = arith.select %parallel_loop3A_663, %parallel_loop3A_666, %parallel_loop3A_667 : vector<16xi1>, vector<16xi32>
          %parallel_loop3A_669 = arith.addi %parallel_loop3A_589, %parallel_loop3A_668 : vector<16xi32>
          %parallel_loop3A_670 = arith.cmpf olt, %parallel_loop3A_636, %parallel_loop3A_424 : vector<16xf32>
          %parallel_loop3A_671 = arith.constant 1 : i32
          %parallel_loop3A_672 = arith.constant -1 : i32
          %parallel_loop3A_673 = vector.broadcast %parallel_loop3A_671 : i32 to vector<16xi32>
          %parallel_loop3A_674 = vector.broadcast %parallel_loop3A_672 : i32 to vector<16xi32>
          %parallel_loop3A_675 = arith.select %parallel_loop3A_670, %parallel_loop3A_673, %parallel_loop3A_674 : vector<16xi1>, vector<16xi32>
          %parallel_loop3A_676 = arith.addi %parallel_loop3A_596, %parallel_loop3A_675 : vector<16xi32>
          %parallel_loop3A_677 = arith.cmpf olt, %parallel_loop3A_639, %parallel_loop3A_430 : vector<16xf32>
          %parallel_loop3A_678 = arith.constant 1 : i32
          %parallel_loop3A_679 = arith.constant -1 : i32
          %parallel_loop3A_680 = vector.broadcast %parallel_loop3A_678 : i32 to vector<16xi32>
          %parallel_loop3A_681 = vector.broadcast %parallel_loop3A_679 : i32 to vector<16xi32>
          %parallel_loop3A_682 = arith.select %parallel_loop3A_677, %parallel_loop3A_680, %parallel_loop3A_681 : vector<16xi1>, vector<16xi32>
          %parallel_loop3A_683 = arith.addi %parallel_loop3A_603, %parallel_loop3A_682 : vector<16xi32>
          %parallel_loop3A_684 = arith.cmpf olt, %parallel_loop3A_642, %parallel_loop3A_436 : vector<16xf32>
          %parallel_loop3A_685 = arith.constant 1 : i32
          %parallel_loop3A_686 = arith.constant -1 : i32
          %parallel_loop3A_687 = vector.broadcast %parallel_loop3A_685 : i32 to vector<16xi32>
          %parallel_loop3A_688 = vector.broadcast %parallel_loop3A_686 : i32 to vector<16xi32>
          %parallel_loop3A_689 = arith.select %parallel_loop3A_684, %parallel_loop3A_687, %parallel_loop3A_688 : vector<16xi1>, vector<16xi32>
          %parallel_loop3A_690 = arith.addi %parallel_loop3A_610, %parallel_loop3A_689 : vector<16xi32>
          %parallel_loop3A_691 = arith.cmpf olt, %parallel_loop3A_645, %parallel_loop3A_442 : vector<16xf32>
          %parallel_loop3A_692 = arith.constant 1 : i32
          %parallel_loop3A_693 = arith.constant -1 : i32
          %parallel_loop3A_694 = vector.broadcast %parallel_loop3A_692 : i32 to vector<16xi32>
          %parallel_loop3A_695 = vector.broadcast %parallel_loop3A_693 : i32 to vector<16xi32>
          %parallel_loop3A_696 = arith.select %parallel_loop3A_691, %parallel_loop3A_694, %parallel_loop3A_695 : vector<16xi1>, vector<16xi32>
          %parallel_loop3A_697 = arith.addi %parallel_loop3A_617, %parallel_loop3A_696 : vector<16xi32>
          %parallel_loop3A_698 = arith.cmpf olt, %parallel_loop3A_648, %parallel_loop3A_448 : vector<16xf32>
          %parallel_loop3A_699 = arith.constant 1 : i32
          %parallel_loop3A_700 = arith.constant -1 : i32
          %parallel_loop3A_701 = vector.broadcast %parallel_loop3A_699 : i32 to vector<16xi32>
          %parallel_loop3A_702 = vector.broadcast %parallel_loop3A_700 : i32 to vector<16xi32>
          %parallel_loop3A_703 = arith.select %parallel_loop3A_698, %parallel_loop3A_701, %parallel_loop3A_702 : vector<16xi1>, vector<16xi32>
          %parallel_loop3A_704 = arith.addi %parallel_loop3A_624, %parallel_loop3A_703 : vector<16xi32>
          %parallel_loop3A_705 = vector.shape_cast %parallel_loop3A_655 : vector<16xi32> to vector<16x1xi32>
          %parallel_loop3A_706 = vector.shape_cast %parallel_loop3A_705 : vector<16x1xi32> to vector<16xi32>
          %parallel_loop3A_707 = tpu.dynamic_gather %gather3A_318[%parallel_loop3A_706] in [0] : vector<16xf32>, vector<16xi32> -> vector<16xf32>
          %parallel_loop3A_708 = vector.shape_cast %parallel_loop3A_662 : vector<16xi32> to vector<16x1xi32>
          %parallel_loop3A_709 = vector.shape_cast %parallel_loop3A_708 : vector<16x1xi32> to vector<16xi32>
          %parallel_loop3A_710 = tpu.dynamic_gather %gather3A_318[%parallel_loop3A_709] in [0] : vector<16xf32>, vector<16xi32> -> vector<16xf32>
          %parallel_loop3A_711 = vector.shape_cast %parallel_loop3A_669 : vector<16xi32> to vector<16x1xi32>
          %parallel_loop3A_712 = vector.shape_cast %parallel_loop3A_711 : vector<16x1xi32> to vector<16xi32>
          %parallel_loop3A_713 = tpu.dynamic_gather %gather3A_318[%parallel_loop3A_712] in [0] : vector<16xf32>, vector<16xi32> -> vector<16xf32>
          %parallel_loop3A_714 = vector.shape_cast %parallel_loop3A_676 : vector<16xi32> to vector<16x1xi32>
          %parallel_loop3A_715 = vector.shape_cast %parallel_loop3A_714 : vector<16x1xi32> to vector<16xi32>
          %parallel_loop3A_716 = tpu.dynamic_gather %gather3A_318[%parallel_loop3A_715] in [0] : vector<16xf32>, vector<16xi32> -> vector<16xf32>
          %parallel_loop3A_717 = vector.shape_cast %parallel_loop3A_683 : vector<16xi32> to vector<16x1xi32>
          %parallel_loop3A_718 = vector.shape_cast %parallel_loop3A_717 : vector<16x1xi32> to vector<16xi32>
          %parallel_loop3A_719 = tpu.dynamic_gather %gather3A_318[%parallel_loop3A_718] in [0] : vector<16xf32>, vector<16xi32> -> vector<16xf32>
          %parallel_loop3A_720 = vector.shape_cast %parallel_loop3A_690 : vector<16xi32> to vector<16x1xi32>
          %parallel_loop3A_721 = vector.shape_cast %parallel_loop3A_720 : vector<16x1xi32> to vector<16xi32>
          %parallel_loop3A_722 = tpu.dynamic_gather %gather3A_318[%parallel_loop3A_721] in [0] : vector<16xf32>, vector<16xi32> -> vector<16xf32>
          %parallel_loop3A_723 = vector.shape_cast %parallel_loop3A_697 : vector<16xi32> to vector<16x1xi32>
          %parallel_loop3A_724 = vector.shape_cast %parallel_loop3A_723 : vector<16x1xi32> to vector<16xi32>
          %parallel_loop3A_725 = tpu.dynamic_gather %gather3A_318[%parallel_loop3A_724] in [0] : vector<16xf32>, vector<16xi32> -> vector<16xf32>
          %parallel_loop3A_726 = vector.shape_cast %parallel_loop3A_704 : vector<16xi32> to vector<16x1xi32>
          %parallel_loop3A_727 = vector.shape_cast %parallel_loop3A_726 : vector<16x1xi32> to vector<16xi32>
          %parallel_loop3A_728 = tpu.dynamic_gather %gather3A_318[%parallel_loop3A_727] in [0] : vector<16xf32>, vector<16xi32> -> vector<16xf32>
          %parallel_loop3A_729 = arith.cmpf olt, %parallel_loop3A_707, %parallel_loop3A_406 : vector<16xf32>
          %parallel_loop3A_730 = arith.constant 1 : i32
          %parallel_loop3A_731 = arith.constant 0 : i32
          %parallel_loop3A_732 = vector.broadcast %parallel_loop3A_730 : i32 to vector<16xi32>
          %parallel_loop3A_733 = vector.broadcast %parallel_loop3A_731 : i32 to vector<16xi32>
          %parallel_loop3A_734 = arith.select %parallel_loop3A_729, %parallel_loop3A_732, %parallel_loop3A_733 : vector<16xi1>, vector<16xi32>
          %parallel_loop3A_735 = arith.addi %parallel_loop3A_655, %parallel_loop3A_734 : vector<16xi32>
          %parallel_loop3A_736 = arith.constant 8 : i32
          %parallel_loop3A_737 = vector.broadcast %parallel_loop3A_736 : i32 to vector<16xi32>
          %parallel_loop3A_738 = arith.shli %parallel_loop3A_735, %parallel_loop3A_737 : vector<16xi32>
          %parallel_loop3A_739 = arith.addi %parallel_loop3A_738, %add3A_311 : vector<16xi32>
          %parallel_loop3A_740 = arith.cmpf olt, %parallel_loop3A_710, %parallel_loop3A_412 : vector<16xf32>
          %parallel_loop3A_741 = arith.constant 1 : i32
          %parallel_loop3A_742 = arith.constant 0 : i32
          %parallel_loop3A_743 = vector.broadcast %parallel_loop3A_741 : i32 to vector<16xi32>
          %parallel_loop3A_744 = vector.broadcast %parallel_loop3A_742 : i32 to vector<16xi32>
          %parallel_loop3A_745 = arith.select %parallel_loop3A_740, %parallel_loop3A_743, %parallel_loop3A_744 : vector<16xi1>, vector<16xi32>
          %parallel_loop3A_746 = arith.addi %parallel_loop3A_662, %parallel_loop3A_745 : vector<16xi32>
          %parallel_loop3A_747 = arith.constant 8 : i32
          %parallel_loop3A_748 = vector.broadcast %parallel_loop3A_747 : i32 to vector<16xi32>
          %parallel_loop3A_749 = arith.shli %parallel_loop3A_746, %parallel_loop3A_748 : vector<16xi32>
          %parallel_loop3A_750 = arith.addi %parallel_loop3A_749, %add3A_311 : vector<16xi32>
          %parallel_loop3A_751 = arith.cmpf olt, %parallel_loop3A_713, %parallel_loop3A_418 : vector<16xf32>
          %parallel_loop3A_752 = arith.constant 1 : i32
          %parallel_loop3A_753 = arith.constant 0 : i32
          %parallel_loop3A_754 = vector.broadcast %parallel_loop3A_752 : i32 to vector<16xi32>
          %parallel_loop3A_755 = vector.broadcast %parallel_loop3A_753 : i32 to vector<16xi32>
          %parallel_loop3A_756 = arith.select %parallel_loop3A_751, %parallel_loop3A_754, %parallel_loop3A_755 : vector<16xi1>, vector<16xi32>
          %parallel_loop3A_757 = arith.addi %parallel_loop3A_669, %parallel_loop3A_756 : vector<16xi32>
          %parallel_loop3A_758 = arith.constant 8 : i32
          %parallel_loop3A_759 = vector.broadcast %parallel_loop3A_758 : i32 to vector<16xi32>
          %parallel_loop3A_760 = arith.shli %parallel_loop3A_757, %parallel_loop3A_759 : vector<16xi32>
          %parallel_loop3A_761 = arith.addi %parallel_loop3A_760, %add3A_311 : vector<16xi32>
          %parallel_loop3A_762 = arith.cmpf olt, %parallel_loop3A_716, %parallel_loop3A_424 : vector<16xf32>
          %parallel_loop3A_763 = arith.constant 1 : i32
          %parallel_loop3A_764 = arith.constant 0 : i32
          %parallel_loop3A_765 = vector.broadcast %parallel_loop3A_763 : i32 to vector<16xi32>
          %parallel_loop3A_766 = vector.broadcast %parallel_loop3A_764 : i32 to vector<16xi32>
          %parallel_loop3A_767 = arith.select %parallel_loop3A_762, %parallel_loop3A_765, %parallel_loop3A_766 : vector<16xi1>, vector<16xi32>
          %parallel_loop3A_768 = arith.addi %parallel_loop3A_676, %parallel_loop3A_767 : vector<16xi32>
          %parallel_loop3A_769 = arith.constant 8 : i32
          %parallel_loop3A_770 = vector.broadcast %parallel_loop3A_769 : i32 to vector<16xi32>
          %parallel_loop3A_771 = arith.shli %parallel_loop3A_768, %parallel_loop3A_770 : vector<16xi32>
          %parallel_loop3A_772 = arith.addi %parallel_loop3A_771, %add3A_311 : vector<16xi32>
          %parallel_loop3A_773 = arith.cmpf olt, %parallel_loop3A_719, %parallel_loop3A_430 : vector<16xf32>
          %parallel_loop3A_774 = arith.constant 1 : i32
          %parallel_loop3A_775 = arith.constant 0 : i32
          %parallel_loop3A_776 = vector.broadcast %parallel_loop3A_774 : i32 to vector<16xi32>
          %parallel_loop3A_777 = vector.broadcast %parallel_loop3A_775 : i32 to vector<16xi32>
          %parallel_loop3A_778 = arith.select %parallel_loop3A_773, %parallel_loop3A_776, %parallel_loop3A_777 : vector<16xi1>, vector<16xi32>
          %parallel_loop3A_779 = arith.addi %parallel_loop3A_683, %parallel_loop3A_778 : vector<16xi32>
          %parallel_loop3A_780 = arith.constant 8 : i32
          %parallel_loop3A_781 = vector.broadcast %parallel_loop3A_780 : i32 to vector<16xi32>
          %parallel_loop3A_782 = arith.shli %parallel_loop3A_779, %parallel_loop3A_781 : vector<16xi32>
          %parallel_loop3A_783 = arith.addi %parallel_loop3A_782, %add3A_311 : vector<16xi32>
          %parallel_loop3A_784 = arith.cmpf olt, %parallel_loop3A_722, %parallel_loop3A_436 : vector<16xf32>
          %parallel_loop3A_785 = arith.constant 1 : i32
          %parallel_loop3A_786 = arith.constant 0 : i32
          %parallel_loop3A_787 = vector.broadcast %parallel_loop3A_785 : i32 to vector<16xi32>
          %parallel_loop3A_788 = vector.broadcast %parallel_loop3A_786 : i32 to vector<16xi32>
          %parallel_loop3A_789 = arith.select %parallel_loop3A_784, %parallel_loop3A_787, %parallel_loop3A_788 : vector<16xi1>, vector<16xi32>
          %parallel_loop3A_790 = arith.addi %parallel_loop3A_690, %parallel_loop3A_789 : vector<16xi32>
          %parallel_loop3A_791 = arith.constant 8 : i32
          %parallel_loop3A_792 = vector.broadcast %parallel_loop3A_791 : i32 to vector<16xi32>
          %parallel_loop3A_793 = arith.shli %parallel_loop3A_790, %parallel_loop3A_792 : vector<16xi32>
          %parallel_loop3A_794 = arith.addi %parallel_loop3A_793, %add3A_311 : vector<16xi32>
          %parallel_loop3A_795 = arith.cmpf olt, %parallel_loop3A_725, %parallel_loop3A_442 : vector<16xf32>
          %parallel_loop3A_796 = arith.constant 1 : i32
          %parallel_loop3A_797 = arith.constant 0 : i32
          %parallel_loop3A_798 = vector.broadcast %parallel_loop3A_796 : i32 to vector<16xi32>
          %parallel_loop3A_799 = vector.broadcast %parallel_loop3A_797 : i32 to vector<16xi32>
          %parallel_loop3A_800 = arith.select %parallel_loop3A_795, %parallel_loop3A_798, %parallel_loop3A_799 : vector<16xi1>, vector<16xi32>
          %parallel_loop3A_801 = arith.addi %parallel_loop3A_697, %parallel_loop3A_800 : vector<16xi32>
          %parallel_loop3A_802 = arith.constant 8 : i32
          %parallel_loop3A_803 = vector.broadcast %parallel_loop3A_802 : i32 to vector<16xi32>
          %parallel_loop3A_804 = arith.shli %parallel_loop3A_801, %parallel_loop3A_803 : vector<16xi32>
          %parallel_loop3A_805 = arith.addi %parallel_loop3A_804, %add3A_311 : vector<16xi32>
          %parallel_loop3A_806 = arith.cmpf olt, %parallel_loop3A_728, %parallel_loop3A_448 : vector<16xf32>
          %parallel_loop3A_807 = arith.constant 1 : i32
          %parallel_loop3A_808 = arith.constant 0 : i32
          %parallel_loop3A_809 = vector.broadcast %parallel_loop3A_807 : i32 to vector<16xi32>
          %parallel_loop3A_810 = vector.broadcast %parallel_loop3A_808 : i32 to vector<16xi32>
          %parallel_loop3A_811 = arith.select %parallel_loop3A_806, %parallel_loop3A_809, %parallel_loop3A_810 : vector<16xi1>, vector<16xi32>
          %parallel_loop3A_812 = arith.addi %parallel_loop3A_704, %parallel_loop3A_811 : vector<16xi32>
          %parallel_loop3A_813 = arith.constant 8 : i32
          %parallel_loop3A_814 = vector.broadcast %parallel_loop3A_813 : i32 to vector<16xi32>
          %parallel_loop3A_815 = arith.shli %parallel_loop3A_812, %parallel_loop3A_814 : vector<16xi32>
          %parallel_loop3A_816 = arith.addi %parallel_loop3A_815, %add3A_311 : vector<16xi32>
          %parallel_loop3A_817 = tpu.vector_load_idx %arg10[%parallel_loop3A_739] : memref<4096xf32, #tpu.memory_space<vmem>>[vector<16xi32>], vector<16xf32>,
          %parallel_loop3A_818 = tpu.vector_load_idx %arg10[%parallel_loop3A_750] : memref<4096xf32, #tpu.memory_space<vmem>>[vector<16xi32>], vector<16xf32>,
          %parallel_loop3A_819 = tpu.vector_load_idx %arg10[%parallel_loop3A_761] : memref<4096xf32, #tpu.memory_space<vmem>>[vector<16xi32>], vector<16xf32>,
          %parallel_loop3A_820 = tpu.vector_load_idx %arg10[%parallel_loop3A_772] : memref<4096xf32, #tpu.memory_space<vmem>>[vector<16xi32>], vector<16xf32>,
          %parallel_loop3A_821 = tpu.vector_load_idx %arg10[%parallel_loop3A_783] : memref<4096xf32, #tpu.memory_space<vmem>>[vector<16xi32>], vector<16xf32>,
          %parallel_loop3A_822 = tpu.vector_load_idx %arg10[%parallel_loop3A_794] : memref<4096xf32, #tpu.memory_space<vmem>>[vector<16xi32>], vector<16xf32>,
          %parallel_loop3A_823 = tpu.vector_load_idx %arg10[%parallel_loop3A_805] : memref<4096xf32, #tpu.memory_space<vmem>>[vector<16xi32>], vector<16xf32>,
          %parallel_loop3A_824 = tpu.vector_load_idx %arg10[%parallel_loop3A_816] : memref<4096xf32, #tpu.memory_space<vmem>>[vector<16xi32>], vector<16xf32>,
          %parallel_loop3A_825 = arith.cmpf olt, %parallel_loop3A_817, %parallel_loop3A_406 : vector<16xf32>
          %parallel_loop3A_826 = arith.constant 64 : i32
          %parallel_loop3A_827 = arith.constant -64 : i32
          %parallel_loop3A_828 = vector.broadcast %parallel_loop3A_826 : i32 to vector<16xi32>
          %parallel_loop3A_829 = vector.broadcast %parallel_loop3A_827 : i32 to vector<16xi32>
          %parallel_loop3A_830 = arith.select %parallel_loop3A_825, %parallel_loop3A_828, %parallel_loop3A_829 : vector<16xi1>, vector<16xi32>
          %parallel_loop3A_831 = arith.addi %parallel_loop3A_739, %parallel_loop3A_830 : vector<16xi32>
          %parallel_loop3A_832 = arith.cmpf olt, %parallel_loop3A_818, %parallel_loop3A_412 : vector<16xf32>
          %parallel_loop3A_833 = arith.constant 64 : i32
          %parallel_loop3A_834 = arith.constant -64 : i32
          %parallel_loop3A_835 = vector.broadcast %parallel_loop3A_833 : i32 to vector<16xi32>
          %parallel_loop3A_836 = vector.broadcast %parallel_loop3A_834 : i32 to vector<16xi32>
          %parallel_loop3A_837 = arith.select %parallel_loop3A_832, %parallel_loop3A_835, %parallel_loop3A_836 : vector<16xi1>, vector<16xi32>
          %parallel_loop3A_838 = arith.addi %parallel_loop3A_750, %parallel_loop3A_837 : vector<16xi32>
          %parallel_loop3A_839 = arith.cmpf olt, %parallel_loop3A_819, %parallel_loop3A_418 : vector<16xf32>
          %parallel_loop3A_840 = arith.constant 64 : i32
          %parallel_loop3A_841 = arith.constant -64 : i32
          %parallel_loop3A_842 = vector.broadcast %parallel_loop3A_840 : i32 to vector<16xi32>
          %parallel_loop3A_843 = vector.broadcast %parallel_loop3A_841 : i32 to vector<16xi32>
          %parallel_loop3A_844 = arith.select %parallel_loop3A_839, %parallel_loop3A_842, %parallel_loop3A_843 : vector<16xi1>, vector<16xi32>
          %parallel_loop3A_845 = arith.addi %parallel_loop3A_761, %parallel_loop3A_844 : vector<16xi32>
          %parallel_loop3A_846 = arith.cmpf olt, %parallel_loop3A_820, %parallel_loop3A_424 : vector<16xf32>
          %parallel_loop3A_847 = arith.constant 64 : i32
          %parallel_loop3A_848 = arith.constant -64 : i32
          %parallel_loop3A_849 = vector.broadcast %parallel_loop3A_847 : i32 to vector<16xi32>
          %parallel_loop3A_850 = vector.broadcast %parallel_loop3A_848 : i32 to vector<16xi32>
          %parallel_loop3A_851 = arith.select %parallel_loop3A_846, %parallel_loop3A_849, %parallel_loop3A_850 : vector<16xi1>, vector<16xi32>
          %parallel_loop3A_852 = arith.addi %parallel_loop3A_772, %parallel_loop3A_851 : vector<16xi32>
          %parallel_loop3A_853 = arith.cmpf olt, %parallel_loop3A_821, %parallel_loop3A_430 : vector<16xf32>
          %parallel_loop3A_854 = arith.constant 64 : i32
          %parallel_loop3A_855 = arith.constant -64 : i32
          %parallel_loop3A_856 = vector.broadcast %parallel_loop3A_854 : i32 to vector<16xi32>
          %parallel_loop3A_857 = vector.broadcast %parallel_loop3A_855 : i32 to vector<16xi32>
          %parallel_loop3A_858 = arith.select %parallel_loop3A_853, %parallel_loop3A_856, %parallel_loop3A_857 : vector<16xi1>, vector<16xi32>
          %parallel_loop3A_859 = arith.addi %parallel_loop3A_783, %parallel_loop3A_858 : vector<16xi32>
          %parallel_loop3A_860 = arith.cmpf olt, %parallel_loop3A_822, %parallel_loop3A_436 : vector<16xf32>
          %parallel_loop3A_861 = arith.constant 64 : i32
          %parallel_loop3A_862 = arith.constant -64 : i32
          %parallel_loop3A_863 = vector.broadcast %parallel_loop3A_861 : i32 to vector<16xi32>
          %parallel_loop3A_864 = vector.broadcast %parallel_loop3A_862 : i32 to vector<16xi32>
          %parallel_loop3A_865 = arith.select %parallel_loop3A_860, %parallel_loop3A_863, %parallel_loop3A_864 : vector<16xi1>, vector<16xi32>
          %parallel_loop3A_866 = arith.addi %parallel_loop3A_794, %parallel_loop3A_865 : vector<16xi32>
          %parallel_loop3A_867 = arith.cmpf olt, %parallel_loop3A_823, %parallel_loop3A_442 : vector<16xf32>
          %parallel_loop3A_868 = arith.constant 64 : i32
          %parallel_loop3A_869 = arith.constant -64 : i32
          %parallel_loop3A_870 = vector.broadcast %parallel_loop3A_868 : i32 to vector<16xi32>
          %parallel_loop3A_871 = vector.broadcast %parallel_loop3A_869 : i32 to vector<16xi32>
          %parallel_loop3A_872 = arith.select %parallel_loop3A_867, %parallel_loop3A_870, %parallel_loop3A_871 : vector<16xi1>, vector<16xi32>
          %parallel_loop3A_873 = arith.addi %parallel_loop3A_805, %parallel_loop3A_872 : vector<16xi32>
          %parallel_loop3A_874 = arith.cmpf olt, %parallel_loop3A_824, %parallel_loop3A_448 : vector<16xf32>
          %parallel_loop3A_875 = arith.constant 64 : i32
          %parallel_loop3A_876 = arith.constant -64 : i32
          %parallel_loop3A_877 = vector.broadcast %parallel_loop3A_875 : i32 to vector<16xi32>
          %parallel_loop3A_878 = vector.broadcast %parallel_loop3A_876 : i32 to vector<16xi32>
          %parallel_loop3A_879 = arith.select %parallel_loop3A_874, %parallel_loop3A_877, %parallel_loop3A_878 : vector<16xi1>, vector<16xi32>
          %parallel_loop3A_880 = arith.addi %parallel_loop3A_816, %parallel_loop3A_879 : vector<16xi32>
          %parallel_loop3A_881 = tpu.vector_load_idx %arg10[%parallel_loop3A_831] : memref<4096xf32, #tpu.memory_space<vmem>>[vector<16xi32>], vector<16xf32>,
          %parallel_loop3A_882 = tpu.vector_load_idx %arg10[%parallel_loop3A_838] : memref<4096xf32, #tpu.memory_space<vmem>>[vector<16xi32>], vector<16xf32>,
          %parallel_loop3A_883 = tpu.vector_load_idx %arg10[%parallel_loop3A_845] : memref<4096xf32, #tpu.memory_space<vmem>>[vector<16xi32>], vector<16xf32>,
          %parallel_loop3A_884 = tpu.vector_load_idx %arg10[%parallel_loop3A_852] : memref<4096xf32, #tpu.memory_space<vmem>>[vector<16xi32>], vector<16xf32>,
          %parallel_loop3A_885 = tpu.vector_load_idx %arg10[%parallel_loop3A_859] : memref<4096xf32, #tpu.memory_space<vmem>>[vector<16xi32>], vector<16xf32>,
          %parallel_loop3A_886 = tpu.vector_load_idx %arg10[%parallel_loop3A_866] : memref<4096xf32, #tpu.memory_space<vmem>>[vector<16xi32>], vector<16xf32>,
          %parallel_loop3A_887 = tpu.vector_load_idx %arg10[%parallel_loop3A_873] : memref<4096xf32, #tpu.memory_space<vmem>>[vector<16xi32>], vector<16xf32>,
          %parallel_loop3A_888 = tpu.vector_load_idx %arg10[%parallel_loop3A_880] : memref<4096xf32, #tpu.memory_space<vmem>>[vector<16xi32>], vector<16xf32>,
          %parallel_loop3A_889 = arith.cmpf olt, %parallel_loop3A_881, %parallel_loop3A_406 : vector<16xf32>
          %parallel_loop3A_890 = arith.constant 32 : i32
          %parallel_loop3A_891 = arith.constant -32 : i32
          %parallel_loop3A_892 = vector.broadcast %parallel_loop3A_890 : i32 to vector<16xi32>
          %parallel_loop3A_893 = vector.broadcast %parallel_loop3A_891 : i32 to vector<16xi32>
          %parallel_loop3A_894 = arith.select %parallel_loop3A_889, %parallel_loop3A_892, %parallel_loop3A_893 : vector<16xi1>, vector<16xi32>
          %parallel_loop3A_895 = arith.addi %parallel_loop3A_831, %parallel_loop3A_894 : vector<16xi32>
          %parallel_loop3A_896 = arith.cmpf olt, %parallel_loop3A_882, %parallel_loop3A_412 : vector<16xf32>
          %parallel_loop3A_897 = arith.constant 32 : i32
          %parallel_loop3A_898 = arith.constant -32 : i32
          %parallel_loop3A_899 = vector.broadcast %parallel_loop3A_897 : i32 to vector<16xi32>
          %parallel_loop3A_900 = vector.broadcast %parallel_loop3A_898 : i32 to vector<16xi32>
          %parallel_loop3A_901 = arith.select %parallel_loop3A_896, %parallel_loop3A_899, %parallel_loop3A_900 : vector<16xi1>, vector<16xi32>
          %parallel_loop3A_902 = arith.addi %parallel_loop3A_838, %parallel_loop3A_901 : vector<16xi32>
          %parallel_loop3A_903 = arith.cmpf olt, %parallel_loop3A_883, %parallel_loop3A_418 : vector<16xf32>
          %parallel_loop3A_904 = arith.constant 32 : i32
          %parallel_loop3A_905 = arith.constant -32 : i32
          %parallel_loop3A_906 = vector.broadcast %parallel_loop3A_904 : i32 to vector<16xi32>
          %parallel_loop3A_907 = vector.broadcast %parallel_loop3A_905 : i32 to vector<16xi32>
          %parallel_loop3A_908 = arith.select %parallel_loop3A_903, %parallel_loop3A_906, %parallel_loop3A_907 : vector<16xi1>, vector<16xi32>
          %parallel_loop3A_909 = arith.addi %parallel_loop3A_845, %parallel_loop3A_908 : vector<16xi32>
          %parallel_loop3A_910 = arith.cmpf olt, %parallel_loop3A_884, %parallel_loop3A_424 : vector<16xf32>
          %parallel_loop3A_911 = arith.constant 32 : i32
          %parallel_loop3A_912 = arith.constant -32 : i32
          %parallel_loop3A_913 = vector.broadcast %parallel_loop3A_911 : i32 to vector<16xi32>
          %parallel_loop3A_914 = vector.broadcast %parallel_loop3A_912 : i32 to vector<16xi32>
          %parallel_loop3A_915 = arith.select %parallel_loop3A_910, %parallel_loop3A_913, %parallel_loop3A_914 : vector<16xi1>, vector<16xi32>
          %parallel_loop3A_916 = arith.addi %parallel_loop3A_852, %parallel_loop3A_915 : vector<16xi32>
          %parallel_loop3A_917 = arith.cmpf olt, %parallel_loop3A_885, %parallel_loop3A_430 : vector<16xf32>
          %parallel_loop3A_918 = arith.constant 32 : i32
          %parallel_loop3A_919 = arith.constant -32 : i32
          %parallel_loop3A_920 = vector.broadcast %parallel_loop3A_918 : i32 to vector<16xi32>
          %parallel_loop3A_921 = vector.broadcast %parallel_loop3A_919 : i32 to vector<16xi32>
          %parallel_loop3A_922 = arith.select %parallel_loop3A_917, %parallel_loop3A_920, %parallel_loop3A_921 : vector<16xi1>, vector<16xi32>
          %parallel_loop3A_923 = arith.addi %parallel_loop3A_859, %parallel_loop3A_922 : vector<16xi32>
          %parallel_loop3A_924 = arith.cmpf olt, %parallel_loop3A_886, %parallel_loop3A_436 : vector<16xf32>
          %parallel_loop3A_925 = arith.constant 32 : i32
          %parallel_loop3A_926 = arith.constant -32 : i32
          %parallel_loop3A_927 = vector.broadcast %parallel_loop3A_925 : i32 to vector<16xi32>
          %parallel_loop3A_928 = vector.broadcast %parallel_loop3A_926 : i32 to vector<16xi32>
          %parallel_loop3A_929 = arith.select %parallel_loop3A_924, %parallel_loop3A_927, %parallel_loop3A_928 : vector<16xi1>, vector<16xi32>
          %parallel_loop3A_930 = arith.addi %parallel_loop3A_866, %parallel_loop3A_929 : vector<16xi32>
          %parallel_loop3A_931 = arith.cmpf olt, %parallel_loop3A_887, %parallel_loop3A_442 : vector<16xf32>
          %parallel_loop3A_932 = arith.constant 32 : i32
          %parallel_loop3A_933 = arith.constant -32 : i32
          %parallel_loop3A_934 = vector.broadcast %parallel_loop3A_932 : i32 to vector<16xi32>
          %parallel_loop3A_935 = vector.broadcast %parallel_loop3A_933 : i32 to vector<16xi32>
          %parallel_loop3A_936 = arith.select %parallel_loop3A_931, %parallel_loop3A_934, %parallel_loop3A_935 : vector<16xi1>, vector<16xi32>
          %parallel_loop3A_937 = arith.addi %parallel_loop3A_873, %parallel_loop3A_936 : vector<16xi32>
          %parallel_loop3A_938 = arith.cmpf olt, %parallel_loop3A_888, %parallel_loop3A_448 : vector<16xf32>
          %parallel_loop3A_939 = arith.constant 32 : i32
          %parallel_loop3A_940 = arith.constant -32 : i32
          %parallel_loop3A_941 = vector.broadcast %parallel_loop3A_939 : i32 to vector<16xi32>
          %parallel_loop3A_942 = vector.broadcast %parallel_loop3A_940 : i32 to vector<16xi32>
          %parallel_loop3A_943 = arith.select %parallel_loop3A_938, %parallel_loop3A_941, %parallel_loop3A_942 : vector<16xi1>, vector<16xi32>
          %parallel_loop3A_944 = arith.addi %parallel_loop3A_880, %parallel_loop3A_943 : vector<16xi32>
          %parallel_loop3A_945 = tpu.vector_load_idx %arg10[%parallel_loop3A_895] : memref<4096xf32, #tpu.memory_space<vmem>>[vector<16xi32>], vector<16xf32>,
          %parallel_loop3A_946 = tpu.vector_load_idx %arg10[%parallel_loop3A_902] : memref<4096xf32, #tpu.memory_space<vmem>>[vector<16xi32>], vector<16xf32>,
          %parallel_loop3A_947 = tpu.vector_load_idx %arg10[%parallel_loop3A_909] : memref<4096xf32, #tpu.memory_space<vmem>>[vector<16xi32>], vector<16xf32>,
          %parallel_loop3A_948 = tpu.vector_load_idx %arg10[%parallel_loop3A_916] : memref<4096xf32, #tpu.memory_space<vmem>>[vector<16xi32>], vector<16xf32>,
          %parallel_loop3A_949 = tpu.vector_load_idx %arg10[%parallel_loop3A_923] : memref<4096xf32, #tpu.memory_space<vmem>>[vector<16xi32>], vector<16xf32>,
          %parallel_loop3A_950 = tpu.vector_load_idx %arg10[%parallel_loop3A_930] : memref<4096xf32, #tpu.memory_space<vmem>>[vector<16xi32>], vector<16xf32>,
          %parallel_loop3A_951 = tpu.vector_load_idx %arg10[%parallel_loop3A_937] : memref<4096xf32, #tpu.memory_space<vmem>>[vector<16xi32>], vector<16xf32>,
          %parallel_loop3A_952 = tpu.vector_load_idx %arg10[%parallel_loop3A_944] : memref<4096xf32, #tpu.memory_space<vmem>>[vector<16xi32>], vector<16xf32>,
          %parallel_loop3A_953 = arith.cmpf olt, %parallel_loop3A_945, %parallel_loop3A_406 : vector<16xf32>
          %parallel_loop3A_954 = arith.constant 16 : i32
          %parallel_loop3A_955 = arith.constant -16 : i32
          %parallel_loop3A_956 = vector.broadcast %parallel_loop3A_954 : i32 to vector<16xi32>
          %parallel_loop3A_957 = vector.broadcast %parallel_loop3A_955 : i32 to vector<16xi32>
          %parallel_loop3A_958 = arith.select %parallel_loop3A_953, %parallel_loop3A_956, %parallel_loop3A_957 : vector<16xi1>, vector<16xi32>
          %parallel_loop3A_959 = arith.addi %parallel_loop3A_895, %parallel_loop3A_958 : vector<16xi32>
          %parallel_loop3A_960 = arith.cmpf olt, %parallel_loop3A_946, %parallel_loop3A_412 : vector<16xf32>
          %parallel_loop3A_961 = arith.constant 16 : i32
          %parallel_loop3A_962 = arith.constant -16 : i32
          %parallel_loop3A_963 = vector.broadcast %parallel_loop3A_961 : i32 to vector<16xi32>
          %parallel_loop3A_964 = vector.broadcast %parallel_loop3A_962 : i32 to vector<16xi32>
          %parallel_loop3A_965 = arith.select %parallel_loop3A_960, %parallel_loop3A_963, %parallel_loop3A_964 : vector<16xi1>, vector<16xi32>
          %parallel_loop3A_966 = arith.addi %parallel_loop3A_902, %parallel_loop3A_965 : vector<16xi32>
          %parallel_loop3A_967 = arith.cmpf olt, %parallel_loop3A_947, %parallel_loop3A_418 : vector<16xf32>
          %parallel_loop3A_968 = arith.constant 16 : i32
          %parallel_loop3A_969 = arith.constant -16 : i32
          %parallel_loop3A_970 = vector.broadcast %parallel_loop3A_968 : i32 to vector<16xi32>
          %parallel_loop3A_971 = vector.broadcast %parallel_loop3A_969 : i32 to vector<16xi32>
          %parallel_loop3A_972 = arith.select %parallel_loop3A_967, %parallel_loop3A_970, %parallel_loop3A_971 : vector<16xi1>, vector<16xi32>
          %parallel_loop3A_973 = arith.addi %parallel_loop3A_909, %parallel_loop3A_972 : vector<16xi32>
          %parallel_loop3A_974 = arith.cmpf olt, %parallel_loop3A_948, %parallel_loop3A_424 : vector<16xf32>
          %parallel_loop3A_975 = arith.constant 16 : i32
          %parallel_loop3A_976 = arith.constant -16 : i32
          %parallel_loop3A_977 = vector.broadcast %parallel_loop3A_975 : i32 to vector<16xi32>
          %parallel_loop3A_978 = vector.broadcast %parallel_loop3A_976 : i32 to vector<16xi32>
          %parallel_loop3A_979 = arith.select %parallel_loop3A_974, %parallel_loop3A_977, %parallel_loop3A_978 : vector<16xi1>, vector<16xi32>
          %parallel_loop3A_980 = arith.addi %parallel_loop3A_916, %parallel_loop3A_979 : vector<16xi32>
          %parallel_loop3A_981 = arith.cmpf olt, %parallel_loop3A_949, %parallel_loop3A_430 : vector<16xf32>
          %parallel_loop3A_982 = arith.constant 16 : i32
          %parallel_loop3A_983 = arith.constant -16 : i32
          %parallel_loop3A_984 = vector.broadcast %parallel_loop3A_982 : i32 to vector<16xi32>
          %parallel_loop3A_985 = vector.broadcast %parallel_loop3A_983 : i32 to vector<16xi32>
          %parallel_loop3A_986 = arith.select %parallel_loop3A_981, %parallel_loop3A_984, %parallel_loop3A_985 : vector<16xi1>, vector<16xi32>
          %parallel_loop3A_987 = arith.addi %parallel_loop3A_923, %parallel_loop3A_986 : vector<16xi32>
          %parallel_loop3A_988 = arith.cmpf olt, %parallel_loop3A_950, %parallel_loop3A_436 : vector<16xf32>
          %parallel_loop3A_989 = arith.constant 16 : i32
          %parallel_loop3A_990 = arith.constant -16 : i32
          %parallel_loop3A_991 = vector.broadcast %parallel_loop3A_989 : i32 to vector<16xi32>
          %parallel_loop3A_992 = vector.broadcast %parallel_loop3A_990 : i32 to vector<16xi32>
          %parallel_loop3A_993 = arith.select %parallel_loop3A_988, %parallel_loop3A_991, %parallel_loop3A_992 : vector<16xi1>, vector<16xi32>
          %parallel_loop3A_994 = arith.addi %parallel_loop3A_930, %parallel_loop3A_993 : vector<16xi32>
          %parallel_loop3A_995 = arith.cmpf olt, %parallel_loop3A_951, %parallel_loop3A_442 : vector<16xf32>
          %parallel_loop3A_996 = arith.constant 16 : i32
          %parallel_loop3A_997 = arith.constant -16 : i32
          %parallel_loop3A_998 = vector.broadcast %parallel_loop3A_996 : i32 to vector<16xi32>
          %parallel_loop3A_999 = vector.broadcast %parallel_loop3A_997 : i32 to vector<16xi32>
          %parallel_loop3A_1000 = arith.select %parallel_loop3A_995, %parallel_loop3A_998, %parallel_loop3A_999 : vector<16xi1>, vector<16xi32>
          %parallel_loop3A_1001 = arith.addi %parallel_loop3A_937, %parallel_loop3A_1000 : vector<16xi32>
          %parallel_loop3A_1002 = arith.cmpf olt, %parallel_loop3A_952, %parallel_loop3A_448 : vector<16xf32>
          %parallel_loop3A_1003 = arith.constant 16 : i32
          %parallel_loop3A_1004 = arith.constant -16 : i32
          %parallel_loop3A_1005 = vector.broadcast %parallel_loop3A_1003 : i32 to vector<16xi32>
          %parallel_loop3A_1006 = vector.broadcast %parallel_loop3A_1004 : i32 to vector<16xi32>
          %parallel_loop3A_1007 = arith.select %parallel_loop3A_1002, %parallel_loop3A_1005, %parallel_loop3A_1006 : vector<16xi1>, vector<16xi32>
          %parallel_loop3A_1008 = arith.addi %parallel_loop3A_944, %parallel_loop3A_1007 : vector<16xi32>
          %parallel_loop3A_1009 = tpu.vector_load_idx %arg10[%parallel_loop3A_959] : memref<4096xf32, #tpu.memory_space<vmem>>[vector<16xi32>], vector<16xf32>,
          %parallel_loop3A_1010 = tpu.vector_load_idx %arg10[%parallel_loop3A_966] : memref<4096xf32, #tpu.memory_space<vmem>>[vector<16xi32>], vector<16xf32>,
          %parallel_loop3A_1011 = tpu.vector_load_idx %arg10[%parallel_loop3A_973] : memref<4096xf32, #tpu.memory_space<vmem>>[vector<16xi32>], vector<16xf32>,
          %parallel_loop3A_1012 = tpu.vector_load_idx %arg10[%parallel_loop3A_980] : memref<4096xf32, #tpu.memory_space<vmem>>[vector<16xi32>], vector<16xf32>,
          %parallel_loop3A_1013 = tpu.vector_load_idx %arg10[%parallel_loop3A_987] : memref<4096xf32, #tpu.memory_space<vmem>>[vector<16xi32>], vector<16xf32>,
          %parallel_loop3A_1014 = tpu.vector_load_idx %arg10[%parallel_loop3A_994] : memref<4096xf32, #tpu.memory_space<vmem>>[vector<16xi32>], vector<16xf32>,
          %parallel_loop3A_1015 = tpu.vector_load_idx %arg10[%parallel_loop3A_1001] : memref<4096xf32, #tpu.memory_space<vmem>>[vector<16xi32>], vector<16xf32>,
          %parallel_loop3A_1016 = tpu.vector_load_idx %arg10[%parallel_loop3A_1008] : memref<4096xf32, #tpu.memory_space<vmem>>[vector<16xi32>], vector<16xf32>,
          %parallel_loop3A_1017 = arith.cmpf olt, %parallel_loop3A_1009, %parallel_loop3A_406 : vector<16xf32>
          %parallel_loop3A_1018 = arith.constant 16 : i32
          %parallel_loop3A_1019 = arith.constant 0 : i32
          %parallel_loop3A_1020 = vector.broadcast %parallel_loop3A_1018 : i32 to vector<16xi32>
          %parallel_loop3A_1021 = vector.broadcast %parallel_loop3A_1019 : i32 to vector<16xi32>
          %parallel_loop3A_1022 = arith.select %parallel_loop3A_1017, %parallel_loop3A_1020, %parallel_loop3A_1021 : vector<16xi1>, vector<16xi32>
          %parallel_loop3A_1023 = arith.addi %parallel_loop3A_959, %parallel_loop3A_1022 : vector<16xi32>
          %parallel_loop3A_1024 = arith.cmpf olt, %parallel_loop3A_1010, %parallel_loop3A_412 : vector<16xf32>
          %parallel_loop3A_1025 = arith.constant 16 : i32
          %parallel_loop3A_1026 = arith.constant 0 : i32
          %parallel_loop3A_1027 = vector.broadcast %parallel_loop3A_1025 : i32 to vector<16xi32>
          %parallel_loop3A_1028 = vector.broadcast %parallel_loop3A_1026 : i32 to vector<16xi32>
          %parallel_loop3A_1029 = arith.select %parallel_loop3A_1024, %parallel_loop3A_1027, %parallel_loop3A_1028 : vector<16xi1>, vector<16xi32>
          %parallel_loop3A_1030 = arith.addi %parallel_loop3A_966, %parallel_loop3A_1029 : vector<16xi32>
          %parallel_loop3A_1031 = arith.cmpf olt, %parallel_loop3A_1011, %parallel_loop3A_418 : vector<16xf32>
          %parallel_loop3A_1032 = arith.constant 16 : i32
          %parallel_loop3A_1033 = arith.constant 0 : i32
          %parallel_loop3A_1034 = vector.broadcast %parallel_loop3A_1032 : i32 to vector<16xi32>
          %parallel_loop3A_1035 = vector.broadcast %parallel_loop3A_1033 : i32 to vector<16xi32>
          %parallel_loop3A_1036 = arith.select %parallel_loop3A_1031, %parallel_loop3A_1034, %parallel_loop3A_1035 : vector<16xi1>, vector<16xi32>
          %parallel_loop3A_1037 = arith.addi %parallel_loop3A_973, %parallel_loop3A_1036 : vector<16xi32>
          %parallel_loop3A_1038 = arith.cmpf olt, %parallel_loop3A_1012, %parallel_loop3A_424 : vector<16xf32>
          %parallel_loop3A_1039 = arith.constant 16 : i32
          %parallel_loop3A_1040 = arith.constant 0 : i32
          %parallel_loop3A_1041 = vector.broadcast %parallel_loop3A_1039 : i32 to vector<16xi32>
          %parallel_loop3A_1042 = vector.broadcast %parallel_loop3A_1040 : i32 to vector<16xi32>
          %parallel_loop3A_1043 = arith.select %parallel_loop3A_1038, %parallel_loop3A_1041, %parallel_loop3A_1042 : vector<16xi1>, vector<16xi32>
          %parallel_loop3A_1044 = arith.addi %parallel_loop3A_980, %parallel_loop3A_1043 : vector<16xi32>
          %parallel_loop3A_1045 = arith.cmpf olt, %parallel_loop3A_1013, %parallel_loop3A_430 : vector<16xf32>
          %parallel_loop3A_1046 = arith.constant 16 : i32
          %parallel_loop3A_1047 = arith.constant 0 : i32
          %parallel_loop3A_1048 = vector.broadcast %parallel_loop3A_1046 : i32 to vector<16xi32>
          %parallel_loop3A_1049 = vector.broadcast %parallel_loop3A_1047 : i32 to vector<16xi32>
          %parallel_loop3A_1050 = arith.select %parallel_loop3A_1045, %parallel_loop3A_1048, %parallel_loop3A_1049 : vector<16xi1>, vector<16xi32>
          %parallel_loop3A_1051 = arith.addi %parallel_loop3A_987, %parallel_loop3A_1050 : vector<16xi32>
          %parallel_loop3A_1052 = arith.cmpf olt, %parallel_loop3A_1014, %parallel_loop3A_436 : vector<16xf32>
          %parallel_loop3A_1053 = arith.constant 16 : i32
          %parallel_loop3A_1054 = arith.constant 0 : i32
          %parallel_loop3A_1055 = vector.broadcast %parallel_loop3A_1053 : i32 to vector<16xi32>
          %parallel_loop3A_1056 = vector.broadcast %parallel_loop3A_1054 : i32 to vector<16xi32>
          %parallel_loop3A_1057 = arith.select %parallel_loop3A_1052, %parallel_loop3A_1055, %parallel_loop3A_1056 : vector<16xi1>, vector<16xi32>
          %parallel_loop3A_1058 = arith.addi %parallel_loop3A_994, %parallel_loop3A_1057 : vector<16xi32>
          %parallel_loop3A_1059 = arith.cmpf olt, %parallel_loop3A_1015, %parallel_loop3A_442 : vector<16xf32>
          %parallel_loop3A_1060 = arith.constant 16 : i32
          %parallel_loop3A_1061 = arith.constant 0 : i32
          %parallel_loop3A_1062 = vector.broadcast %parallel_loop3A_1060 : i32 to vector<16xi32>
          %parallel_loop3A_1063 = vector.broadcast %parallel_loop3A_1061 : i32 to vector<16xi32>
          %parallel_loop3A_1064 = arith.select %parallel_loop3A_1059, %parallel_loop3A_1062, %parallel_loop3A_1063 : vector<16xi1>, vector<16xi32>
          %parallel_loop3A_1065 = arith.addi %parallel_loop3A_1001, %parallel_loop3A_1064 : vector<16xi32>
          %parallel_loop3A_1066 = arith.cmpf olt, %parallel_loop3A_1016, %parallel_loop3A_448 : vector<16xf32>
          %parallel_loop3A_1067 = arith.constant 16 : i32
          %parallel_loop3A_1068 = arith.constant 0 : i32
          %parallel_loop3A_1069 = vector.broadcast %parallel_loop3A_1067 : i32 to vector<16xi32>
          %parallel_loop3A_1070 = vector.broadcast %parallel_loop3A_1068 : i32 to vector<16xi32>
          %parallel_loop3A_1071 = arith.select %parallel_loop3A_1066, %parallel_loop3A_1069, %parallel_loop3A_1070 : vector<16xi1>, vector<16xi32>
          %parallel_loop3A_1072 = arith.addi %parallel_loop3A_1008, %parallel_loop3A_1071 : vector<16xi32>
          %parallel_loop3A_1073 = tpu.vector_load_idx %arg11[%parallel_loop3A_1023] : memref<4096xf32, #tpu.memory_space<vmem>>[vector<16xi32>], vector<16xf32>,
          %parallel_loop3A_1074 = tpu.vector_load_idx %arg11[%parallel_loop3A_1030] : memref<4096xf32, #tpu.memory_space<vmem>>[vector<16xi32>], vector<16xf32>,
          %parallel_loop3A_1075 = tpu.vector_load_idx %arg11[%parallel_loop3A_1037] : memref<4096xf32, #tpu.memory_space<vmem>>[vector<16xi32>], vector<16xf32>,
          %parallel_loop3A_1076 = tpu.vector_load_idx %arg11[%parallel_loop3A_1044] : memref<4096xf32, #tpu.memory_space<vmem>>[vector<16xi32>], vector<16xf32>,
          %parallel_loop3A_1077 = tpu.vector_load_idx %arg11[%parallel_loop3A_1051] : memref<4096xf32, #tpu.memory_space<vmem>>[vector<16xi32>], vector<16xf32>,
          %parallel_loop3A_1078 = tpu.vector_load_idx %arg11[%parallel_loop3A_1058] : memref<4096xf32, #tpu.memory_space<vmem>>[vector<16xi32>], vector<16xf32>,
          %parallel_loop3A_1079 = tpu.vector_load_idx %arg11[%parallel_loop3A_1065] : memref<4096xf32, #tpu.memory_space<vmem>>[vector<16xi32>], vector<16xf32>,
          %parallel_loop3A_1080 = tpu.vector_load_idx %arg11[%parallel_loop3A_1072] : memref<4096xf32, #tpu.memory_space<vmem>>[vector<16xi32>], vector<16xf32>,
          %parallel_loop3A_1081 = arith.constant 0 : i32
          %parallel_loop3A_1082 = arith.addi %parallel_loop3A_400, %parallel_loop3A_1081 : i32
          %parallel_loop3A_1083 = arith.index_cast %parallel_loop3A_395 : i32 to index
          %parallel_loop3A_1084 = arith.index_cast %parallel_loop3A_1082 : i32 to index
          %parallel_loop3A_1085 = tpu.vector_load %arg17[%parallel_loop3A_1083, %parallel_loop3A_1084] {strides = array<i32>} : memref<16x768xf32, #tpu.memory_space<vmem>>, vector<16xf32>,
          tpu.vector_store %arg17[%parallel_loop3A_1083, %parallel_loop3A_1084], %parallel_loop3A_1073 {strides = array<i32>} : memref<16x768xf32, #tpu.memory_space<vmem>>, vector<16xf32>,
          %parallel_loop3A_1086 = arith.constant 16 : i32
          %parallel_loop3A_1087 = arith.addi %parallel_loop3A_400, %parallel_loop3A_1086 : i32
          %parallel_loop3A_1088 = arith.index_cast %parallel_loop3A_395 : i32 to index
          %parallel_loop3A_1089 = arith.index_cast %parallel_loop3A_1087 : i32 to index
          %parallel_loop3A_1090 = tpu.vector_load %arg17[%parallel_loop3A_1088, %parallel_loop3A_1089] {strides = array<i32>} : memref<16x768xf32, #tpu.memory_space<vmem>>, vector<16xf32>,
          tpu.vector_store %arg17[%parallel_loop3A_1088, %parallel_loop3A_1089], %parallel_loop3A_1074 {strides = array<i32>} : memref<16x768xf32, #tpu.memory_space<vmem>>, vector<16xf32>,
          %parallel_loop3A_1091 = arith.constant 32 : i32
          %parallel_loop3A_1092 = arith.addi %parallel_loop3A_400, %parallel_loop3A_1091 : i32
          %parallel_loop3A_1093 = arith.index_cast %parallel_loop3A_395 : i32 to index
          %parallel_loop3A_1094 = arith.index_cast %parallel_loop3A_1092 : i32 to index
          %parallel_loop3A_1095 = tpu.vector_load %arg17[%parallel_loop3A_1093, %parallel_loop3A_1094] {strides = array<i32>} : memref<16x768xf32, #tpu.memory_space<vmem>>, vector<16xf32>,
          tpu.vector_store %arg17[%parallel_loop3A_1093, %parallel_loop3A_1094], %parallel_loop3A_1075 {strides = array<i32>} : memref<16x768xf32, #tpu.memory_space<vmem>>, vector<16xf32>,
          %parallel_loop3A_1096 = arith.constant 48 : i32
          %parallel_loop3A_1097 = arith.addi %parallel_loop3A_400, %parallel_loop3A_1096 : i32
          %parallel_loop3A_1098 = arith.index_cast %parallel_loop3A_395 : i32 to index
          %parallel_loop3A_1099 = arith.index_cast %parallel_loop3A_1097 : i32 to index
          %parallel_loop3A_1100 = tpu.vector_load %arg17[%parallel_loop3A_1098, %parallel_loop3A_1099] {strides = array<i32>} : memref<16x768xf32, #tpu.memory_space<vmem>>, vector<16xf32>,
          tpu.vector_store %arg17[%parallel_loop3A_1098, %parallel_loop3A_1099], %parallel_loop3A_1076 {strides = array<i32>} : memref<16x768xf32, #tpu.memory_space<vmem>>, vector<16xf32>,
          %parallel_loop3A_1101 = arith.constant 64 : i32
          %parallel_loop3A_1102 = arith.addi %parallel_loop3A_400, %parallel_loop3A_1101 : i32
          %parallel_loop3A_1103 = arith.index_cast %parallel_loop3A_395 : i32 to index
          %parallel_loop3A_1104 = arith.index_cast %parallel_loop3A_1102 : i32 to index
          %parallel_loop3A_1105 = tpu.vector_load %arg17[%parallel_loop3A_1103, %parallel_loop3A_1104] {strides = array<i32>} : memref<16x768xf32, #tpu.memory_space<vmem>>, vector<16xf32>,
          tpu.vector_store %arg17[%parallel_loop3A_1103, %parallel_loop3A_1104], %parallel_loop3A_1077 {strides = array<i32>} : memref<16x768xf32, #tpu.memory_space<vmem>>, vector<16xf32>,
          %parallel_loop3A_1106 = arith.constant 80 : i32
          %parallel_loop3A_1107 = arith.addi %parallel_loop3A_400, %parallel_loop3A_1106 : i32
          %parallel_loop3A_1108 = arith.index_cast %parallel_loop3A_395 : i32 to index
          %parallel_loop3A_1109 = arith.index_cast %parallel_loop3A_1107 : i32 to index
          %parallel_loop3A_1110 = tpu.vector_load %arg17[%parallel_loop3A_1108, %parallel_loop3A_1109] {strides = array<i32>} : memref<16x768xf32, #tpu.memory_space<vmem>>, vector<16xf32>,
          tpu.vector_store %arg17[%parallel_loop3A_1108, %parallel_loop3A_1109], %parallel_loop3A_1078 {strides = array<i32>} : memref<16x768xf32, #tpu.memory_space<vmem>>, vector<16xf32>,
          %parallel_loop3A_1111 = arith.constant 96 : i32
          %parallel_loop3A_1112 = arith.addi %parallel_loop3A_400, %parallel_loop3A_1111 : i32
          %parallel_loop3A_1113 = arith.index_cast %parallel_loop3A_395 : i32 to index
          %parallel_loop3A_1114 = arith.index_cast %parallel_loop3A_1112 : i32 to index
          %parallel_loop3A_1115 = tpu.vector_load %arg17[%parallel_loop3A_1113, %parallel_loop3A_1114] {strides = array<i32>} : memref<16x768xf32, #tpu.memory_space<vmem>>, vector<16xf32>,
          tpu.vector_store %arg17[%parallel_loop3A_1113, %parallel_loop3A_1114], %parallel_loop3A_1079 {strides = array<i32>} : memref<16x768xf32, #tpu.memory_space<vmem>>, vector<16xf32>,
          %parallel_loop3A_1116 = arith.constant 112 : i32
          %parallel_loop3A_1117 = arith.addi %parallel_loop3A_400, %parallel_loop3A_1116 : i32
          %parallel_loop3A_1118 = arith.index_cast %parallel_loop3A_395 : i32 to index
          %parallel_loop3A_1119 = arith.index_cast %parallel_loop3A_1117 : i32 to index
          %parallel_loop3A_1120 = tpu.vector_load %arg17[%parallel_loop3A_1118, %parallel_loop3A_1119] {strides = array<i32>} : memref<16x768xf32, #tpu.memory_space<vmem>>, vector<16xf32>,
          tpu.vector_store %arg17[%parallel_loop3A_1118, %parallel_loop3A_1119], %parallel_loop3A_1080 {strides = array<i32>} : memref<16x768xf32, #tpu.memory_space<vmem>>, vector<16xf32>,
        } {sc.loop_unroll_factor = 1 : i64, sc.parallel_access}
      } {sc.loop_unroll_factor = 1 : i64, sc.parallel_access}
      %dma_start3A_384 = arith.constant 0 : i32
      %dma_start3A_385 = tpu.memref_slice %arg6[%add3A_371, %dma_start3A_384] : memref<9216x768xf32, #tpu.memory_space<hbm>> -> memref<16x768xf32, #tpu.memory_space<hbm>>
      %dma_start3A_386 = arith.constant 0 : i32
      %dma_start3A_387 = tpu.memref_slice %arg6[%add3A_371, %dma_start3A_386] : memref<9216x768xf32, #tpu.memory_space<hbm>> -> memref<16x768xf32, #tpu.memory_space<hbm>>
      tpu.enqueue_dma source(%arg17 : memref<16x768xf32, #tpu.memory_space<vmem>>) target(%dma_start3A_387 : memref<16x768xf32, #tpu.memory_space<hbm>>) target_semaphore(%arg21 : memref<!tpu.dma_semaphore, #tpu.memory_space<semaphore_mem>>)
      %add3A_388 = arith.constant 1 : i32
      %add3A_389 = arith.addi %scan3A_345, %add3A_388 : i32
      %lt3A_390 = arith.constant 9 : i32
      %lt3A_391 = arith.cmpi slt, %add3A_389, %lt3A_390 : i32
      %convert_element_type3A_392 = arith.extui %lt3A_391 : i1 to i32
      %cond3A_393 = arith.constant 0 : i32
      %cond3A_394 = arith.cmpi ne, %convert_element_type3A_392, %cond3A_393 : i32
      scf.if %cond3A_394 {
        %add3A_395 = arith.constant 32 : i32
        %add3A_396 = arith.addi %add3A_371, %add3A_395 : i32
        %dma_start3A_397 = arith.constant 0 : i32
        %dma_start3A_398 = tpu.memref_slice %arg2[%add3A_396, %dma_start3A_397] : memref<9216x768xf32, #tpu.memory_space<hbm>> -> memref<16x768xf32, #tpu.memory_space<hbm>>
        %dma_start3A_399 = arith.constant 0 : i32
        %dma_start3A_400 = tpu.memref_slice %arg2[%add3A_396, %dma_start3A_399] : memref<9216x768xf32, #tpu.memory_space<hbm>> -> memref<16x768xf32, #tpu.memory_space<hbm>>
        tpu.enqueue_dma source(%dma_start3A_400 : memref<16x768xf32, #tpu.memory_space<hbm>>) target(%arg15 : memref<16x768xf32, #tpu.memory_space<vmem>>) target_semaphore(%arg19 : memref<!tpu.dma_semaphore, #tpu.memory_space<semaphore_mem>>)
      } else {
      }
    }
    %scan3A_332 = arith.constant 9 : i32
    %add3A_333 = arith.constant 288 : i32
    %add3A_334 = arith.addi %mul3A_2, %add3A_333 : i32
    %sub3A = arith.constant 32 : i32
    %sub3A_335 = arith.subi %add3A_334, %sub3A : i32
    %dma_wait3A = arith.constant 0 : i32
    %dma_wait3A_336 = tpu.memref_slice %arg6[%sub3A_335, %dma_wait3A] : memref<9216x768xf32, #tpu.memory_space<hbm>> -> memref<16x768xf32, #tpu.memory_space<hbm>>
    %dma_wait3A_337 = arith.constant 0 : i32
    %dma_wait3A_338 = tpu.memref_slice %arg6[%sub3A_335, %dma_wait3A_337] : memref<9216x768xf32, #tpu.memory_space<hbm>> -> memref<16x768xf32, #tpu.memory_space<hbm>>
    tpu.wait_dma2 semaphore(%arg20 : memref<!tpu.dma_semaphore, #tpu.memory_space<semaphore_mem>>) src(%arg16 : memref<16x768xf32, #tpu.memory_space<vmem>>) dst(%dma_wait3A_338 : memref<16x768xf32, #tpu.memory_space<hbm>>)
    %sub3A_339 = arith.constant 16 : i32
    %sub3A_340 = arith.subi %add3A_334, %sub3A_339 : i32
    %dma_wait3A_341 = arith.constant 0 : i32
    %dma_wait3A_342 = tpu.memref_slice %arg6[%sub3A_340, %dma_wait3A_341] : memref<9216x768xf32, #tpu.memory_space<hbm>> -> memref<16x768xf32, #tpu.memory_space<hbm>>
    %dma_wait3A_343 = arith.constant 0 : i32
    %dma_wait3A_344 = tpu.memref_slice %arg6[%sub3A_340, %dma_wait3A_343] : memref<9216x768xf32, #tpu.memory_space<hbm>> -> memref<16x768xf32, #tpu.memory_space<hbm>>
    tpu.wait_dma2 semaphore(%arg21 : memref<!tpu.dma_semaphore, #tpu.memory_space<semaphore_mem>>) src(%arg17 : memref<16x768xf32, #tpu.memory_space<vmem>>) dst(%dma_wait3A_344 : memref<16x768xf32, #tpu.memory_space<hbm>>)
    return
  }
}

</mosaic_0001>

<sc_bundles>
// kernel: kernel.3.cloned.1.call-start
scs
__scs_entry_jumppad:
0x0: {  	(pc) =	sbr.rel $0x88, $3  }
0x1: {  	(tag) =	ssettag $0x0;
	lr =	simm.s32 $0x1  }
0x2: {  	[smem:$0x3F9E] =	sst lr;
	_ =	strace $0xD0000000  }
0x3: {  	_ = 	snop  }
0x4: {  	_ = 	snop  }
0x5: {  	_ = 	snop  }
0x6: {  	_ = 	snop  }
0x7: {  	_ = 	snop  }
__scs_overlays_trampoline_lowered:
0x8: {  	[smem:$0x3FAD] =	sst s0  }
0x9: {  	[smem:$0x3FAE] =	sst s1  }
0xa: {  	[smem:$0x3FAF] =	sst s2  }
0xb: {  	[smem:$0x3FB0] =	sst s3  }
0xc: {  	[smem:$0x3FB1] =	sst s4  }
0xd: {  	[smem:$0x3FB2] =	sst s5  }
0xe: {  	[smem:$0x3FB3] =	sst s6  }
0xf: {  	[smem:$0x3FB4] =	sst s7  }
0x10: {  	[smem:$0x3FB5] =	sst s8  }
0x11: {  	[smem:$0x3FB6] =	sst s9;
	s0 =	simm.s32 @!p0 $0x0  }
0x12: {  	s1 =	sld [smem:$0x3F9C];
	s0 =	simm.s32 @p0 $0x1  }
0x13: {  	[smem:$0x3FB7] =	sst s0;
	s0 =	simm.s32 @!p1 $0x0  }
0x14: {  	s2 =	sld [smem:$0x3F9B];
	s0 =	simm.s32 @p1 $0x1  }
0x15: {  	[smem:$0x3FB8] =	sst s0;
	s0 =	simm.s32 @!p2 $0x0  }
0x16: {  	s3 =	sld [smem:$0x3FDB];
	s0 =	simm.s32 @p2 $0x1  }
0x17: {  	s4 =	simm.s32 $0x1BF5;
	[smem:$0x3FBA] =	sst s0  }
0x18: {  	s0 =	sld [smem:$0x3F9D];
	_ =	swait.ge [sflag:s4], $0x0  }
0x19: {  	s7 =	sld [smem:$0x3F9E]  }
0x1a: {  	s8 =	sadd.s32 $0xFFFFE003, lr  }
0x1b: {  	s9 =	sadd.s32 $0xFFFFFEF7, lr;
	s5 =	simm.s32 $0xFFFFFFFF;
	p2 =	slt.u32 s8, $0xFFFFF086  }
0x1c: {  	p1 =	slt.u32 s9, $0xF7A;
	s5 =	simm.s32 @!p2 $0x0  }
0x1d: {  	s5 =	simm.s32 @p1 $0x1;
	p0 =	seq.s32 s7, s2  }
0x1e: {  	s7 =	smul.u32 @!p0 $0xF7A, s2;
	p2 =	seq.s32 @!p0 s5, $0x0  }
0x1f: {  	s9 =	smul.u32 $0xF7A, s1;
	s8 =	simm.s32 @!p0 $0x1BF5;
	p2 =	por !p2, p0  }
0x20: {  	[sflag:s8] =	ssyncset.s32 @!p0 $0xFFFFF086;
	s6 =	sadd.s32 @!p0 s3, s7;
	s7 =	simm.s32 @!p0 $0x108  }
0x21: {  	s3 =	sadd.s32 s3, s9;
	s6 =	sadd.s32 @!p0 $0x88, s6;
	s7 =	simm.s32 @p2 $0x1082  }
0x22: {  	[simem:s7], [sflag:s8] =	dma.local @!p0 [hbm:s6], $0xF7A  }
0x23: {  	s9 =	sor.u32 $0xD0000000, s2;
	s6 =	simm.s32 $0x108;
	_ =	swait.ge @!p0 [sflag:s8], $0x0  }
0x24: {  	s3 =	sadd.s32 $0x88, s3;
	s6 =	simm.s32 @!p1 $0x1082;
	[sflag:s4] =	ssyncset.s32 $0xFFFFF086  }
0x25: {  	[simem:s6], [sflag:s4] =	dma.local [hbm:s3], $0xF7A  }
0x26: {  	[smem:$0x3F9E] =	sst s1;
	(tag) =	ssettag s2;
	_ =	strace s9  }
0x27: {  	s1 =	sld [smem:$0x3FAE]  }
0x28: {  	s2 =	sld [smem:$0x3FAF]  }
0x29: {  	s4 =	sld [smem:$0x3FB1]  }
0x2a: {  	p0 =	seq.s32 s5, $0x0;
	s5 =	sld [smem:$0x3FB2]  }
0x2b: {  	s6 =	sld [smem:$0x3FB3]  }
0x2c: {  	s7 =	sld [smem:$0x3FB4]  }
0x2d: {  	s3 =	simm.s32 $0x108;
	s8 =	sld [smem:$0x3FB5]  }
0x2e: {  	s3 =	simm.s32 @!p0 $0x1082;
	s9 =	sld [smem:$0x3FB6]  }
0x2f: {  	lr =	sadd.s32 s0, s3;
	s0 =	sld [smem:$0x3FAD]  }
0x30: {  	s3 =	sld [smem:$0x3FB0]  }
0x31: {  	[smem:$0x3FB9] =	sst s10  }
0x32: {  	s10 =	sld [smem:$0x3FB7];
	_ =	sdelay $0x3  }
0x33: {  	p0 =	seq.s32 s10, $0x1;
	s10 =	sld [smem:$0x3FB9];
	_ =	sdelay $0x3  }
0x34: {  	[smem:$0x3FB9] =	sst s10  }
0x35: {  	s10 =	sld [smem:$0x3FB8];
	_ =	sdelay $0x3  }
0x36: {  	p1 =	seq.s32 s10, $0x1;
	s10 =	sld [smem:$0x3FB9];
	_ =	sdelay $0x3  }
0x37: {  	[smem:$0x3FB9] =	sst s10  }
0x38: {  	s10 =	sld [smem:$0x3FBA]  }
0x39: {  	_ = 	snop;
	(pc) =	sbr.ind lr, $3  }
0x3a: {  	_ = 	snop  }
0x3b: {  	_ = 	snop  }
0x3c: {  	p2 =	seq.s32 s10, $0x1;
	s10 =	sld [smem:$0x3FB9]  }
0x3d: {  	_ =	shalt  }
0x3e: {  	_ =	shalt  }
0x3f: {  	_ =	shalt  }
0x40: {  	_ =	shalt  }
0x41: {  	_ =	shalt  }
0x42: {  	_ =	shalt  }
0x43: {  	_ =	shalt  }
0x44: {  	_ =	shalt  }
0x45: {  	_ =	shalt  }
0x46: {  	_ =	shalt  }
0x47: {  	_ =	shalt  }
0x48: {  	_ =	shalt  }
0x49: {  	_ =	shalt  }
0x4a: {  	_ =	shalt  }
0x4b: {  	_ =	shalt  }
0x4c: {  	_ =	shalt  }
0x4d: {  	_ =	shalt  }
0x4e: {  	_ =	shalt  }
0x4f: {  	_ =	shalt  }
0x50: {  	_ =	shalt  }
0x51: {  	_ =	shalt  }
0x52: {  	_ =	shalt  }
0x53: {  	_ =	shalt  }
0x54: {  	_ =	shalt  }
0x55: {  	_ =	shalt  }
0x56: {  	_ =	shalt  }
0x57: {  	_ =	shalt  }
0x58: {  	_ =	shalt  }
0x59: {  	_ =	shalt  }
0x5a: {  	_ =	shalt  }
0x5b: {  	_ =	shalt  }
0x5c: {  	_ =	shalt  }
0x5d: {  	_ =	shalt  }
0x5e: {  	_ =	shalt  }
0x5f: {  	_ =	shalt  }
0x60: {  	_ =	shalt  }
0x61: {  	_ =	shalt  }
0x62: {  	_ =	shalt  }
0x63: {  	_ =	shalt  }
0x64: {  	_ =	shalt  }
0x65: {  	_ =	shalt  }
0x66: {  	_ =	shalt  }
0x67: {  	_ =	shalt  }
0x68: {  	_ =	shalt  }
0x69: {  	_ =	shalt  }
0x6a: {  	_ =	shalt  }
0x6b: {  	_ =	shalt  }
0x6c: {  	_ =	shalt  }
0x6d: {  	_ =	shalt  }
0x6e: {  	_ =	shalt  }
0x6f: {  	_ =	shalt  }
0x70: {  	_ =	shalt  }
0x71: {  	_ =	shalt  }
0x72: {  	_ =	shalt  }
0x73: {  	_ =	shalt  }
0x74: {  	_ =	shalt  }
0x75: {  	_ =	shalt  }
0x76: {  	_ =	shalt  }
0x77: {  	_ =	shalt  }
0x78: {  	_ =	shalt  }
0x79: {  	_ =	shalt  }
0x7a: {  	_ =	shalt  }
0x7b: {  	_ =	shalt  }
0x7c: {  	_ =	shalt  }
0x7d: {  	_ =	shalt  }
0x7e: {  	_ =	shalt  }
0x7f: {  	_ =	shalt  }
0x80: {  	_ =	shalt  }
0x81: {  	_ =	shalt  }
0x82: {  	_ =	shalt  }
0x83: {  	_ =	shalt  }
0x84: {  	_ =	shalt  }
0x85: {  	_ =	shalt  }
0x86: {  	_ =	shalt  }
0x87: {  	_ =	shalt  }
.Lfunc_end0:
.L_simem_size_0:
called_computation_lowered:
.L_overlay_start_0:
0x88: {  	s2 =	sld [smem:$0x3FD9]  }
0x89: {  	s3 =	sld [smem:$0x3FFE];
	_ =	sdelay $0x1  }
0x8a: {  	s1 =	srdreg.scid  }
0x8b: {  	s0 =	sand.u32 $0x1, s1  }
0x8c: {  	s17 =	sshll.u32 s0, $0xA;
	s2 =	sadd.s32 s3, s2  }
0x8d: {  	s2 =	sadd.s32 s2, s17  }
0x8e: {  	[smem:$0x3FC5] =	sst s2  }
0x8f: {  	_ = 	snop  }
0x90: {  	s2 =	sld [smem:$0x3FC9]  }
0x91: {  	s18 =	sld [smem:$0x3FC8]  }
0x92: {  	s4 =	sld [smem:$0x3FD0];
	(tm) =	ssettm $0x1  }
0x93: {  	s5 =	sld [smem:$0x3FFB];
	_ =	sdelay $0x3  }
0x94: {  	_ =	strace s5  }
0x95: {  	s5 =	sld [smem:$0x3FFC];
	_ =	sdelay $0x3  }
0x96: {  	_ =	strace s5  }
0x97: {  	s5 =	sld [smem:$0x3FFD];
	_ =	sdelay $0x3  }
0x98: {  	_ =	strace s5  }
0x99: {  	_ =	strace $0x8FFFFFFF  }
0x9a: {  	s19 =	sld [smem:$0x3FDB];
	_ =	sdelay $0x1  }
0x9b: {  	s6 =	simm.s32 $_scs_section_size  }
0x9c: {  	s7 =	simm.s32 $_size__tile_overlayer_lowered;
	s8 =	simm.s32 $_tile_overlayer_lowered  }
0x9d: {  	s22 =	simm.s32 $0x1BFF;
	s21 =	sshll.u32 s8, $0x1;
	s5 =	sadd.s32 s6, s19  }
0x9e: {  	s9 =	simm.s32 $0x0;
	s20 =	sshll.u32 s7, $0x1;
	s7 =	sadd.s32 s21, s5  }
0x9f: {  	[timem:s9], [sflag:s22] =	dma.local [hbm:s7], s20  }
0xa0: {  	_ =	swait.ge [sflag:s22], s20  }
0xa1: {  	s6 =	ssub.s32 $0x0, s20;
	[sflag:s22] =	ssyncset.done $0x0  }
0xa2: {  	[sflag:s22] =	ssyncadd.s32 s6;
	_ =	sdelay $0x1  }
0xa3: {  	s23 =	simm.s32 $0x1B8B  }
0xa4: {  	_ =	swait.ge [sflag:s23], $0x1  }
0xa5: {  	[sflag:s23] =	ssyncset.done $0x0  }
0xa6: {  	s25 =	simm.s32 $0x1B8E;
	s24 =	sld [smem:$0x3FFE];
	[sflag:s23] =	ssyncadd.s32 $0xFFFFFFFF  }
0xa7: {  	s26 =	simm.s32 $execute0_lowered;
	[smem:$0x3FD2] =	sst s25  }
0xa8: {  	s7 =	sshll.u32 s26, $0x1;
	_ =	strace $0x80000046;
	[dreg:$0x1] =	wrdreg $0xFFFFFFFF  }
0xa9: {  	s28 =	simm.s32 $_size_execute0_lowered;
	s5 =	sadd.s32 s5, s7;
	[dreg:$0x0] =	wrdreg $0x0  }
0xaa: {  	s7 =	sshll.u32 s28, $0x1;
	[dreg:$0x2] =	wrdreg s5  }
0xab: {  	[dreg:$0x3] =	wrdreg s7  }
0xac: {  	[dreg:$0x4] =	wrdreg $0xC0  }
0xad: {  	_ =	task [dreg:s9], $0x5FFFF  }
0xae: {  	[dreg:$0x1] =	wrdreg $0xFFFFFFFF  }
0xaf: {  	[dreg:$0x0] =	wrdreg $0x60  }
0xb0: {  	[dreg:$0x2] =	wrdreg s2  }
0xb1: {  	[dreg:$0x3] =	wrdreg s18  }
0xb2: {  	[dreg:$0x4] =	wrdreg s24  }
0xb3: {  	[dreg:$0x5] =	wrdreg s4  }
0xb4: {  	[dreg:$0x6] =	wrdreg $0x9  }
0xb5: {  	_ =	task.clear_ibuf [dreg:s9], $0x7FFFF;
	_ =	strace $0x90000046  }
0xb6: {  	s29 =	simm.s32 $0x9;
	_ =	strace $0x80000048  }
0xb7: {  	_ =	swait.ge [sflag:s29], $0x1  }
0xb8: {  	[sflag:s29] =	ssyncadd.s32 $0xFFFFFFFF  }
0xb9: {  	_ =	strace $0x90000048  }
0xba: {  	_ =	sfence  }
0xbb: {  	s30 =	sld [smem:$0x0];
	_ =	sdelay $0x2  }
0xbc: {  	s31 =	sshll.u32 s1, $0xD;
	s1 =	sshrl.u32 s1, $0x2  }
0xbd: {  	s3 =	sand.u32 $0x4000, s31;
	s1 =	sadd.s32 s1, s30  }
0xbe: {  	s0 =	sor.u32 s3, s0;
	s1 =	sshll.u32 s1, $0x11  }
0xbf: {  	s0 =	sor.u32 s1, s0  }
0xc0: {  	s0 =	sadd.s32 $0x8F2B, s0  }
0xc1: {  	[sflag:s0] =	ssyncadd.remote.s32 $0x1  }
0xc2: {  	_ =	sfence.sel $0xFFFF  }
0xc3: {  	[dreg:$0x0] =	wrdreg $0xFFFFFFFF;
	(pc) =	sbr.abs _section_cstart, $3  }
0xc4: {  	[dreg:$0x1] =	wrdreg $0xFFFFFFFF  }
0xc5: {  	_ =	task.clear_ibuf [dreg:s9], $0x2FFFF;
	_ =	strace $0x9FFFFFFF  }
0xc6: {  	(tm) =	ssettm $0x7FFFFFFF  }
0xc7: {  	_ =	shalt  }
tec
execute0_lowered:
.L_overlay_start_1:
0x0: {  	(tag) =	ssettag $0x1  }
0x1: {  	v24 =	vlaneseq.u32  }
0x2: {  	s1 =	rddreg [dreg:$0x0];
	v0 =	vadd.s32 $0x1, v24  }
0x3: {  	s0 =	srdreg.scid;
	s4 =	rddreg [dreg:$0x2];
	v11 =	vimm.s32 $0xF4F3F2F1;
	v12 =	vimm.s32 $0xF8F7F6F5;
	v52 =	vadd.s32 $0x11, v24;
	[tilespmem:$0x1FF30] =	vst v0  }
0x4: {  	s2 =	stileid.u32;
	s5 =	rddreg [dreg:$0x3];
	vm0 =	vcmask $0xF00;
	v13 =	vimm.s32 $0xFCFBFAF9;
	v53 =	vadd.s32 $0x21, v24;
	[tilespmem:$0x1FF40] =	vst v52  }
0x5: {  	s6 =	simm.s32 $0x0;
	vm12 =	vcmask $0x1F10;
	vm13 =	vcmask $0x2F20;
	s12 =	simm.s32 $0x5;
	s15 =	simm.s32 $0x100;
	v54 =	vadd.s32 $0x31, v24;
	[tilespmem:$0x1FF50] =	vst v53  }
0x6: {  	vm14 =	vcmask $0x3330;
	vm15 =	vcmask $0x3734;
	s16 =	simm.s32 $0x200;
	s0 =	sand.u32 $0x1, s0;
	s2 =	sshll.u32 s2, $0x1;
	v55 =	vadd.s32 $0x41, v24;
	[tilespmem:$0x1FF60] =	vst v54  }
0x7: {  	s17 =	simm.s32 $0x2400;
	s18 =	simm.s32 $0x5400;
	v18 =	vimm.s32 $0x3;
	v19 =	vimm.s32 $0xFFFFFFFE;
	v56 =	vadd.s32 $0x51, v24;
	s2 =	sor.u32 s0, s2;
	[tilespmem:$0x1FF70] =	vst v55  }
0x8: {  	s19 =	simm.s32 $0x1;
	v20 =	vimm.s32 $0xFFFFFFFF;
	s20 =	simm.s32 $0x300;
	v21 =	vimm.s32 $0x0;
	v57 =	vadd.s32 $0x61, v24;
	[tilespmem:$0x1FF80] =	vst v56;
	s3 =	smul.u32 $0x120, s2  }
0x9: {  	s21 =	simm.s32 $0x1300;
	v23 =	vimm.s32 $0xFFFFFFC0;
	s22 =	simm.s32 $0x8400;
	s23 =	simm.s32 $0x2;
	v58 =	vadd.s32 $0x71, v24;
	v11 =	vunpack.c.0.s8.s32 v11;
	[tilespmem:$0x1FF90] =	vst v57  }
0xa: {  	s24 =	simm.s32 $0x4;
	v25 =	vimm.s32 $0xFFFFFFE0;
	s25 =	simm.s32 $0xB400;
	v59 =	vadd.s32 $0x81, v24;
	v12 =	vunpack.c.0.s8.s32 v12;
	[tilespmem:$0x1FFA0] =	vst v58;
	s2 =	sshrl.u32 s3, $0x3  }
0xb: {  	s26 =	simm.s32 $0x3;
	s28 =	simm.s32 $0x0;
	v60 =	vadd.s32 $0x91, v24;
	v13 =	vunpack.c.0.s8.s32 v13;
	[tilespmem:$0x1FFB0] =	vst v59;
	v14 =	vnsel vm0, $0xFF, v11;
	s7 =	smul.u32 $0x300, s2  }
.Ltmp0:
0xc: {  	v26 =	vimm.s32 $0xFFFFFFF0;
	v61 =	vadd.s32 $0xA1, v24;
	[smem:$0x7FF] =	sst s6;
	s8 =	sadd.s32 $0x400, s4;
	[tilespmem:$0x1FFC0] =	vst v60;
	v14 =	vsel vm12, v12, v14;
	(pc) =	sbr.rel .LBB2_1-.Ltmp0, $4  }
0xd: {  	s4 =	sadd.s32 $0x600, s4;
	v62 =	vadd.s32 $0xB1, v24;
	v16 =	vmul.u32 $0x10, v24;
	[tilespmem:$0x1FFD0] =	vst v61;
	s0 =	ssub.s32 $0x2, s0;
	v13 =	vsel vm13, v13, v14;
	s2 =	smul.u32 $0x1800, s2  }
0xe: {  	v63 =	vadd.s32 $0xC1, v24;
	v22 =	vor.u32 $0x70, v24;
	_ =	strace $0x80000047;
	[dreg:$0x5] =	wrdreg s8;
	s31 =	sshrl.u32 s0, $0x1;
	v15 =	vsel vm14, $0xFD, v13  }
0xf: {  	[dreg:$0x6] =	wrdreg s4;
	[tilespmem:$0x1FFE0] =	vst v62;
	v16 =	vor.u32 $0xF, v16;
	s0 =	ssub.s32 s0, s31;
	v14 =	vadd.s32 $0xE1, v24;
	v15 =	vsel vm15, $0xFE, v15;
	s2 =	sshrl.u32 s2, $0x3  }
0x10: {  	[tilespmem:$0x1FFF0] =	vst v63;
	s11 =	smax.u32 s0, $0x1;
	v13 =	vadd.s32 $0xD1, v24;
	v24 =	vor.u32 $0x30, v24;
	s9 =	sadd.s32 s1, s7;
	v15 =	vand.u32 $0xFF, v15;
	s10 =	sadd.s32 $0x600, s2  }
.LBB2_18:
0x11: {  	s28 =	sadd.s32 $0x1, s28  }
0x12: {  	_ =	swait.ge [sflag:s26], $0x3000;
	p0 =	sne.s32 s28, s11  }
.Ltmp1:
0x13: {  	[sflag:s26] =	ssyncset.done $0x0;
	(pc) =	sbr.rel @!p0 .LBB2_19-.Ltmp1, $4  }
0x14: {  	[sflag:s26] =	ssyncadd.s32 $0xFFFFD000  }
0x15: {  	_ =	swait.ge [sflag:s24], $0x3000  }
0x16: {  	[sflag:s24] =	ssyncset.done $0x0  }
0x17: {  	[sflag:s24] =	ssyncadd.s32 $0xFFFFD000  }
.LBB2_1:
0x18: {  	s0 =	rddreg [dreg:$0x1]  }
0x19: {  	[tilespmem:s6], [sflag:$0x5] =	stream.linear.gather [hbm4b:s0+s6], $0x100, $0x38;
	[tilespmem:$0xE400] =	vst v63  }
0x1a: {  	_ =	swait.ge [sflag:s12], $0x100  }
0x1b: {  	[sflag:s12] =	ssyncset.done $0x0  }
0x1c: {  	s2 =	simm.s32 $0x2300;
	s4 =	rddreg [dreg:$0x5];
	[sflag:s12] =	ssyncadd.s32 $0xFFFFFF00  }
0x1d: {  	[tilespmem:s2], [sflag:$0x5] =	stream.linear.gather [hbm4b:s4+s6], $0x80, $0x38;
	[tilespmem:$0xE400] =	vst v63  }
0x1e: {  	_ =	swait.ge [sflag:s12], $0x80  }
0x1f: {  	[sflag:s12] =	ssyncset.done $0x0  }
0x20: {  	s8 =	simm.s32 $0x2380;
	s7 =	rddreg [dreg:$0x6];
	[sflag:s12] =	ssyncadd.s32 $0xFFFFFF80  }
0x21: {  	[tilespmem:s8], [sflag:$0x5] =	stream.linear.gather [hbm4b:s7+s6], $0x80, $0x38;
	[tilespmem:$0xE400] =	vst v63  }
0x22: {  	_ =	swait.ge [sflag:s12], $0x80  }
0x23: {  	v0 =	vld [tilespmem:$0x1FF30];
	_ =	sdelay $0x4  }
0x24: {  	[sflag:s12] =	ssyncset.done $0x0  }
0x25: {  	[sflag:s12] =	ssyncadd.s32 $0xFFFFFF80  }
0x26: {  	v27 =	vld [tilespmem:$0x0]  }
0x27: {  	v28 =	vld.idx.msk [tilespmem:v0+s6+$0x0], $0xffff  }
0x28: {  	v29 =	vld [tilespmem:$0x2300]  }
0x29: {  	v48 =	vld [tilespmem:$0x1FF40];
	_ =	sdelay $0x2  }
0x2a: {  	v28 =	vadd.f32 v28, v27  }
0x2b: {  	v27 =	vmul.f32 v27, v29  }
0x2c: {  	v28 =	vmul.f32 $5.000000000e-01, v28  }
0x2d: {  	[tilespmem:$0x200] =	vst v27  }
0x2e: {  	v27 =	vld [tilespmem:$0x10];
	[tilespmem:$0x100] =	vst v28  }
0x2f: {  	v28 =	vld.idx.msk [tilespmem:v48+s6+$0x0], $0xffff;
	_ =	sdelay $0x1  }
0x30: {  	v49 =	vld [tilespmem:$0x1FF50];
	_ =	sdelay $0x2  }
0x31: {  	v28 =	vadd.f32 v28, v27  }
0x32: {  	v27 =	vmul.f32 v27, v29  }
0x33: {  	v28 =	vmul.f32 $5.000000000e-01, v28  }
0x34: {  	[tilespmem:$0x210] =	vst v27  }
0x35: {  	v27 =	vld [tilespmem:$0x20];
	[tilespmem:$0x110] =	vst v28  }
0x36: {  	v28 =	vld.idx.msk [tilespmem:v49+s6+$0x0], $0xffff;
	_ =	sdelay $0x1  }
0x37: {  	v50 =	vld [tilespmem:$0x1FF60];
	_ =	sdelay $0x2  }
0x38: {  	v28 =	vadd.f32 v28, v27  }
0x39: {  	v27 =	vmul.f32 v27, v29  }
0x3a: {  	v28 =	vmul.f32 $5.000000000e-01, v28  }
0x3b: {  	[tilespmem:$0x220] =	vst v27  }
0x3c: {  	v27 =	vld [tilespmem:$0x30];
	[tilespmem:$0x120] =	vst v28  }
0x3d: {  	v28 =	vld.idx.msk [tilespmem:v50+s6+$0x0], $0xffff;
	_ =	sdelay $0x1  }
0x3e: {  	v51 =	vld [tilespmem:$0x1FF70];
	_ =	sdelay $0x2  }
0x3f: {  	v28 =	vadd.f32 v28, v27  }
0x40: {  	v27 =	vmul.f32 v27, v29  }
0x41: {  	v28 =	vmul.f32 $5.000000000e-01, v28  }
0x42: {  	[tilespmem:$0x230] =	vst v27  }
0x43: {  	v27 =	vld [tilespmem:$0x40];
	[tilespmem:$0x130] =	vst v28  }
0x44: {  	v28 =	vld.idx.msk [tilespmem:v51+s6+$0x0], $0xffff;
	_ =	sdelay $0x1  }
0x45: {  	v52 =	vld [tilespmem:$0x1FF80];
	_ =	sdelay $0x2  }
0x46: {  	v28 =	vadd.f32 v28, v27  }
0x47: {  	v27 =	vmul.f32 v27, v29  }
0x48: {  	v28 =	vmul.f32 $5.000000000e-01, v28  }
0x49: {  	[tilespmem:$0x240] =	vst v27  }
0x4a: {  	v27 =	vld [tilespmem:$0x50];
	[tilespmem:$0x140] =	vst v28  }
0x4b: {  	v28 =	vld.idx.msk [tilespmem:v52+s6+$0x0], $0xffff;
	_ =	sdelay $0x1  }
0x4c: {  	v53 =	vld [tilespmem:$0x1FF90];
	_ =	sdelay $0x2  }
0x4d: {  	v28 =	vadd.f32 v28, v27  }
0x4e: {  	v27 =	vmul.f32 v27, v29  }
0x4f: {  	v28 =	vmul.f32 $5.000000000e-01, v28  }
0x50: {  	[tilespmem:$0x250] =	vst v27  }
0x51: {  	v27 =	vld [tilespmem:$0x60];
	[tilespmem:$0x150] =	vst v28  }
0x52: {  	v28 =	vld.idx.msk [tilespmem:v53+s6+$0x0], $0xffff;
	_ =	sdelay $0x1  }
0x53: {  	v54 =	vld [tilespmem:$0x1FFA0];
	_ =	sdelay $0x2  }
0x54: {  	v28 =	vadd.f32 v28, v27  }
0x55: {  	v27 =	vmul.f32 v27, v29  }
0x56: {  	v28 =	vmul.f32 $5.000000000e-01, v28  }
0x57: {  	[tilespmem:$0x260] =	vst v27  }
0x58: {  	v27 =	vld [tilespmem:$0x70];
	[tilespmem:$0x160] =	vst v28  }
0x59: {  	v28 =	vld.idx.msk [tilespmem:v54+s6+$0x0], $0xffff;
	_ =	sdelay $0x1  }
0x5a: {  	v55 =	vld [tilespmem:$0x1FFB0];
	_ =	sdelay $0x2  }
0x5b: {  	v28 =	vadd.f32 v28, v27  }
0x5c: {  	v27 =	vmul.f32 v27, v29  }
0x5d: {  	v28 =	vmul.f32 $5.000000000e-01, v28  }
0x5e: {  	[tilespmem:$0x270] =	vst v27  }
0x5f: {  	v27 =	vld [tilespmem:$0x80];
	[tilespmem:$0x170] =	vst v28  }
0x60: {  	v28 =	vld.idx.msk [tilespmem:v55+s6+$0x0], $0xffff;
	_ =	sdelay $0x1  }
0x61: {  	v56 =	vld [tilespmem:$0x1FFC0];
	_ =	sdelay $0x2  }
0x62: {  	v28 =	vadd.f32 v28, v27  }
0x63: {  	v27 =	vmul.f32 v27, v29  }
0x64: {  	v28 =	vmul.f32 $5.000000000e-01, v28  }
0x65: {  	[tilespmem:$0x280] =	vst v27  }
0x66: {  	v27 =	vld [tilespmem:$0x90];
	[tilespmem:$0x180] =	vst v28  }
0x67: {  	v28 =	vld.idx.msk [tilespmem:v56+s6+$0x0], $0xffff;
	_ =	sdelay $0x1  }
0x68: {  	v57 =	vld [tilespmem:$0x1FFD0];
	_ =	sdelay $0x2  }
0x69: {  	v28 =	vadd.f32 v28, v27  }
0x6a: {  	v27 =	vmul.f32 v27, v29  }
0x6b: {  	v28 =	vmul.f32 $5.000000000e-01, v28  }
0x6c: {  	[tilespmem:$0x290] =	vst v27  }
0x6d: {  	v27 =	vld [tilespmem:$0xA0];
	[tilespmem:$0x190] =	vst v28  }
0x6e: {  	v28 =	vld.idx.msk [tilespmem:v57+s6+$0x0], $0xffff;
	_ =	sdelay $0x1  }
0x6f: {  	v58 =	vld [tilespmem:$0x1FFE0];
	_ =	sdelay $0x2  }
0x70: {  	v28 =	vadd.f32 v28, v27  }
0x71: {  	v27 =	vmul.f32 v27, v29  }
0x72: {  	v28 =	vmul.f32 $5.000000000e-01, v28  }
0x73: {  	[tilespmem:$0x2A0] =	vst v27  }
0x74: {  	v27 =	vld [tilespmem:$0xB0];
	[tilespmem:$0x1A0] =	vst v28  }
0x75: {  	v28 =	vld.idx.msk [tilespmem:v58+s6+$0x0], $0xffff;
	_ =	sdelay $0x1  }
0x76: {  	v59 =	vld [tilespmem:$0x1FFF0];
	_ =	sdelay $0x2  }
0x77: {  	v28 =	vadd.f32 v28, v27  }
0x78: {  	v27 =	vmul.f32 v27, v29  }
0x79: {  	v28 =	vmul.f32 $5.000000000e-01, v28  }
0x7a: {  	[tilespmem:$0x2B0] =	vst v27  }
0x7b: {  	v27 =	vld [tilespmem:$0xC0];
	[tilespmem:$0x1B0] =	vst v28  }
0x7c: {  	v28 =	vld.idx.msk [tilespmem:v59+s6+$0x0], $0xffff;
	_ =	sdelay $0x4  }
0x7d: {  	v28 =	vadd.f32 v28, v27  }
0x7e: {  	v27 =	vmul.f32 v27, v29  }
0x7f: {  	v28 =	vmul.f32 $5.000000000e-01, v28  }
0x80: {  	[tilespmem:$0x2C0] =	vst v27  }
0x81: {  	v27 =	vld [tilespmem:$0xD0];
	[tilespmem:$0x1C0] =	vst v28  }
0x82: {  	v28 =	vld.idx.msk [tilespmem:v13+s6+$0x0], $0xffff;
	_ =	sdelay $0x4  }
0x83: {  	v28 =	vadd.f32 v28, v27  }
0x84: {  	v27 =	vmul.f32 v27, v29  }
0x85: {  	v28 =	vmul.f32 $5.000000000e-01, v28  }
0x86: {  	[tilespmem:$0x2D0] =	vst v27  }
0x87: {  	v27 =	vld [tilespmem:$0xE0];
	[tilespmem:$0x1D0] =	vst v28  }
0x88: {  	v28 =	vld.idx.msk [tilespmem:v14+s6+$0x0], $0xffff;
	_ =	sdelay $0x4  }
0x89: {  	v28 =	vadd.f32 v28, v27  }
0x8a: {  	v27 =	vmul.f32 v27, v29  }
0x8b: {  	v28 =	vmul.f32 $5.000000000e-01, v28  }
0x8c: {  	[tilespmem:$0x2E0] =	vst v27  }
0x8d: {  	v27 =	vld [tilespmem:$0xF0];
	[tilespmem:$0x1E0] =	vst v28  }
0x8e: {  	v28 =	vld.idx.msk [tilespmem:v15+s6+$0x0], $0xffff  }
0x8f: {  	s13 =	simm.s32 $0x2;
	v30 =	vmov s6;
	s14 =	simm.s32 $0x1  }
0x90: {  	s29 =	simm.s32 $0x3;
	v31 =	vmov s13;
	v30 =	vand.u32 $0xFFFFFFFC, v30;
	v32 =	vmov s14  }
0x91: {  	s31 =	simm.s32 $0x5;
	v35 =	vmov s29;
	v36 =	vbroadcast v30, $0x0;
	v30 =	vand.u32 $0xFFFFFFFD, v32  }
0x92: {  	v31 =	vand.u32 $0xFFFFFFFE, v31;
	v37 =	vbroadcast v30, $0x0;
	v30 =	vmov s31  }
0x93: {  	v33 =	vbroadcast v31, $0x0;
	v30 =	vand.u32 $0xFFFFFFFD, v30;
	s4 =	simm.s32 $0x6;
	v28 =	vadd.f32 v28, v27  }
0x94: {  	v32 =	vbroadcast v30, $0x0;
	v30 =	vmov s4;
	v29 =	vmul.f32 v27, v29  }
0x95: {  	s30 =	simm.s32 $0x4;
	v30 =	vand.u32 $0xFFFFFFFE, v30;
	v28 =	vmul.f32 $5.000000000e-01, v28  }
0x96: {  	s2 =	simm.s32 $0x7;
	v42 =	vbroadcast v30, $0x0;
	s7 =	simm.s32 $0x8;
	[tilespmem:$0x2F0] =	vst v29;
	v27 =	vmov s30  }
0x97: {  	v30 =	vmov s7;
	v29 =	vmov s2;
	[tilespmem:$0x1F0] =	vst v28;
	v28 =	vand.u32 $0xFFFFFFFC, v27;
	v27 =	vld [tilespmem:$0x2380]  }
0x98: {  	v30 =	vand.u32 $0xFFFFFFFC, v30;
	v39 =	vld.idx.msk [tilespmem:v35+s15+$0x0], $0xffff  }
0x99: {  	v30 =	vbroadcast v30, $0x0;
	v31 =	vld.idx.msk [tilespmem:v33+s15+$0x0], $0xffff  }
0x9a: {  	v28 =	vbroadcast v28, $0x0;
	v40 =	vld.idx.msk [tilespmem:v36+s15+$0x0], $0xffff  }
0x9b: {  	v41 =	vld.idx.msk [tilespmem:v37+s15+$0x0], $0xffff  }
0x9c: {  	v34 =	vld.idx.msk [tilespmem:v29+s15+$0x0], $0xffff  }
0x9d: {  	v45 =	vld.idx.msk [tilespmem:v32+s15+$0x0], $0xffff  }
0x9e: {  	s13 =	simm.s32 $0x9;
	s8 =	simm.s32 $0x320;
	v48 =	vld.idx.msk [tilespmem:v42+s15+$0x0], $0xffff  }
0x9f: {  	s14 =	simm.s32 $0xB;
	s29 =	simm.s32 $0xA;
	v43 =	vmov s13;
	[tilespmem:s8+$0xFFFFFFE0] =	vst v40;
	v40 =	vld.idx.msk [tilespmem:v30+s15+$0x0], $0xffff  }
0xa0: {  	v60 =	vmov s29;
	v43 =	vand.u32 $0xFFFFFFFD, v43;
	[tilespmem:s8+$0x0] =	vst v31;
	v31 =	vmov s14;
	v38 =	vld.idx.msk [tilespmem:v28+s15+$0x0], $0xffff  }
0xa1: {  	v61 =	vand.u32 $0xFFFFFFFE, v60;
	[tilespmem:s8+$0xFFFFFFF0] =	vst v41;
	v47 =	vld.idx.msk [tilespmem:v33+s16+$0x0], $0xffff;
	v33 =	vbroadcast v43, $0x0  }
0xa2: {  	v44 =	vbroadcast v61, $0x0;
	v46 =	vld.idx.msk [tilespmem:v37+s16+$0x0], $0xffff  }
0xa3: {  	[tilespmem:s8+$0x10] =	vst v39;
	v39 =	vld.idx.msk [tilespmem:v36+s16+$0x0], $0xffff  }
0xa4: {  	s2 =	simm.s32 $0x360;
	s30 =	simm.s32 $0xC;
	v41 =	vld.idx.msk [tilespmem:v35+s16+$0x0], $0xffff  }
0xa5: {  	s4 =	simm.s32 $0xD;
	v62 =	vmov s30;
	[tilespmem:s2+$0x0] =	vst v48;
	v36 =	vld.idx.msk [tilespmem:v31+s15+$0x0], $0xffff  }
0xa6: {  	s0 =	simm.s32 $0x1320;
	s31 =	simm.s32 $0xF;
	v63 =	vmov s4;
	[tilespmem:s2+$0xFFFFFFF0] =	vst v45;
	v35 =	vand.u32 $0xFFFFFFFC, v62;
	v45 =	vld.idx.msk [tilespmem:v42+s16+$0x0], $0xffff  }
0xa7: {  	s4 =	simm.s32 $0x10;
	s7 =	simm.s32 $0xE;
	v37 =	vmov s31;
	v42 =	vmovc v44;
	v35 =	vbroadcast v35, $0x0;
	[tilespmem:s0+$0x0] =	vst v47;
	v47 =	vand.u32 $0xFFFFFFFD, v63;
	v43 =	vld.idx.msk [tilespmem:v33+s15+$0x0], $0xffff  }
.LBB2_2:
0xa8: {  	p0 =	slt.u32 s4, $0xFC;
	v47 =	vbroadcast v47, $0x0;
	v48 =	vmov s7;
	v49 =	vld.idx.msk [tilespmem:v44+s15+$0x0], $0xffff;
	[tilespmem:s2+$0xFFFFFFE0] =	vst v38;
	v38 =	vmov v39  }
0xa9: {  	v50 =	vmov v41;
	v39 =	vand.u32 $0xFFFFFFFE, v48;
	v48 =	vld.idx.msk [tilespmem:v32+s16+$0x0], $0xffff;
	[tilespmem:s2+$0x10] =	vst v34;
	v32 =	vmov v33  }
0xaa: {  	v34 =	vmovc v36;
	v44 =	vbroadcast v39, $0x0;
	v39 =	vld.idx.msk [tilespmem:v28+s16+$0x0], $0xffff;
	[tilespmem:s0+$0xFFFFFFF0] =	vst v46;
	v33 =	vmovc v47;
	v28 =	vmov v30;
	v30 =	vmov v35  }
.Ltmp2:
0xab: {  	v41 =	vld.idx.msk [tilespmem:v29+s16+$0x0], $0xffff;
	[tilespmem:s0+$0xFFFFFFE0] =	vst v38;
	v38 =	vmov v40;
	v29 =	vmov v31;
	v31 =	vmov v37;
	(pc) =	sbr.rel @p0 .LBB2_2-.Ltmp2, $4  }
0xac: {  	v46 =	vmov v43;
	v36 =	vld.idx.msk [tilespmem:v37+s15+$0x0], $0xffff;
	[tilespmem:s0+$0x10] =	vst v50;
	s0 =	sadd.s32 $0x40, s0  }
0xad: {  	s7 =	sadd.s32 $0x1, s4;
	s2 =	sadd.s32 $0x40, s2;
	v37 =	vmov s4;
	v40 =	vld.idx.msk [tilespmem:v35+s15+$0x0], $0xffff;
	[tilespmem:s0+$0x0] =	vst v45  }
0xae: {  	s8 =	sadd.s32 $0x3, s4;
	v35 =	vand.u32 $0xFFFFFFFC, v37;
	v37 =	vmov s7;
	v43 =	vld.idx.msk [tilespmem:v47+s15+$0x0], $0xffff;
	[tilespmem:s2+$0x0] =	vst v49  }
0xaf: {  	s7 =	sadd.s32 $0x2, s4;
	s4 =	sadd.s32 $0x4, s4;
	v35 =	vbroadcast v35, $0x0;
	v47 =	vand.u32 $0xFFFFFFFD, v37;
	v37 =	vmov s8;
	[tilespmem:s2+$0xFFFFFFF0] =	vst v46;
	v45 =	vld.idx.msk [tilespmem:v42+s16+$0x0], $0xffff;
	v46 =	vmovc v48;
	v42 =	vmovc v44  }
0xb0: {  	[tilespmem:s2+$0xFFFFFFE0] =	vst v38  }
0xb1: {  	[tilespmem:s2+$0x10] =	vst v34  }
0xb2: {  	[tilespmem:s0+$0xFFFFFFF0] =	vst v46  }
0xb3: {  	[tilespmem:s0+$0xFFFFFFE0] =	vst v39  }
0xb4: {  	v44 =	vld.idx.msk [tilespmem:v44+s15+$0x0], $0xffff;
	v57 =	vbroadcast v47, $0x0;
	[tilespmem:s0+$0x10] =	vst v41;
	s31 =	sadd.s32 $0x40, s2  }
0xb5: {  	v55 =	vmov s7;
	v32 =	vld.idx.msk [tilespmem:v32+s16+$0x0], $0xffff;
	[tilespmem:s31+$0x10] =	vst v36  }
0xb6: {  	v56 =	vand.u32 $0xFFFFFFFE, v55;
	v28 =	vld.idx.msk [tilespmem:v28+s16+$0x0], $0xffff;
	[tilespmem:s31+$0xFFFFFFE0] =	vst v40  }
0xb7: {  	s30 =	sadd.s32 $0x40, s0;
	v29 =	vld.idx.msk [tilespmem:v29+s16+$0x0], $0xffff;
	v34 =	vbroadcast v56, $0x0;
	[tilespmem:s31+$0xFFFFFFF0] =	vst v43  }
0xb8: {  	v61 =	vld.idx.msk [tilespmem:v35+s15+$0x0], $0xffff;
	[tilespmem:s30+$0x0] =	vst v45  }
0xb9: {  	v31 =	vld.idx.msk [tilespmem:v31+s16+$0x0], $0xffff;
	[tilespmem:s31+$0x0] =	vst v44  }
0xba: {  	[tilespmem:s30+$0xFFFFFFF0] =	vst v32;
	v60 =	vld.idx.msk [tilespmem:v57+s15+$0x0], $0xffff  }
0xbb: {  	[tilespmem:s30+$0xFFFFFFE0] =	vst v28;
	v28 =	vld.idx.msk [tilespmem:v37+s15+$0x0], $0xffff  }
0xbc: {  	s2 =	sadd.s32 $0x40, s31;
	[tilespmem:s30+$0x10] =	vst v29;
	v29 =	vld.idx.msk [tilespmem:v33+s16+$0x0], $0xffff  }
0xbd: {  	s0 =	sadd.s32 $0x40, s30;
	[tilespmem:s2+$0xFFFFFFE0] =	vst v61;
	v59 =	vld.idx.msk [tilespmem:v34+s15+$0x0], $0xffff  }
0xbe: {  	v30 =	vld.idx.msk [tilespmem:v30+s16+$0x0], $0xffff;
	[tilespmem:s0+$0x10] =	vst v31  }
0xbf: {  	v58 =	vld.idx.msk [tilespmem:v42+s16+$0x0], $0xffff;
	[tilespmem:s2+$0xFFFFFFF0] =	vst v60  }
0xc0: {  	[tilespmem:s2+$0x10] =	vst v28;
	v28 =	vld.idx.msk [tilespmem:v35+s16+$0x0], $0xffff  }
0xc1: {  	[tilespmem:s0+$0xFFFFFFF0] =	vst v29;
	v63 =	vld.idx.msk [tilespmem:v57+s16+$0x0], $0xffff  }
0xc2: {  	v29 =	vld.idx.msk [tilespmem:v37+s16+$0x0], $0xffff;
	[tilespmem:s2+$0x0] =	vst v59  }
0xc3: {  	[tilespmem:s0+$0xFFFFFFE0] =	vst v30;
	v62 =	vld.idx.msk [tilespmem:v34+s16+$0x0], $0xffff  }
0xc4: {  	[tilespmem:s0+$0x0] =	vst v58;
	s0 =	sadd.s32 $0x40, s0  }
0xc5: {  	[tilespmem:s0+$0xFFFFFFE0] =	vst v28  }
0xc6: {  	[tilespmem:s0+$0xFFFFFFF0] =	vst v63  }
0xc7: {  	[tilespmem:s0+$0x10] =	vst v29  }
0xc8: {  	[tilespmem:s0+$0x0] =	vst v62  }
0xc9: {  	v28 =	vld.idx.msk [tilespmem:v16+s15+$0x0], $0xffff;
	_ =	sdelay $0x3  }
0xca: {  	s29 =	simm.s32 $0x0;
	v0 =	vimm.s32 $0x7;
	s0 =	smov.u32 s10  }
0xcb: {  	[tilespmem:s17], [sflag:$0x1] =	stream.linear.gather [hbm4b:s9+s29], $0x3000, $0x38;
	v29 =	vperm.xlane v28, v0;
	[tilespmem:$0xE400] =	vst v63  }
.LBB2_4:
0xcc: {  	s0 =	sadd.s32 s1, s0  }
0xcd: {  	[tilespmem:s18], [sflag:$0x2] =	stream.linear.gather [hbm4b:s0+s6], $0x3000, $0x38;
	[tilespmem:$0xE400] =	vst v63  }
0xce: {  	_ =	swait.ge [sflag:s19], $0x3000  }
0xcf: {  	p0 =	seq.s32 s29, $0x0;
	[sflag:s19] =	ssyncset.done $0x0  }
0xd0: {  	s0 =	simm.s32 @!p0 $0x3;
	[sflag:s19] =	ssyncadd.s32 $0xFFFFD000  }
0xd1: {  	_ =	swait.ge @!p0 [sflag:s0], $0x3000  }
0xd2: {  	s2 =	sshll.u32 s29, $0x5;
	s30 =	simm.s32 $0x0;
	[sflag:s0] =	ssyncset.done @!p0 $0x0  }
0xd3: {  	s4 =	sadd.s32 s3, s2;
	[sflag:s0] =	ssyncadd.s32 @!p0 $0xFFFFD000;
	s0 =	simm.s32 $0x0  }
.LBB2_5:
0xd4: {  	s2 =	sshrl.u32 s0, $0x3  }
0xd5: {  	s7 =	sand.u32 $0x7, s30;
	s2 =	smul.u32 $0x6000, s2  }
0xd6: {  	s7 =	sshll.u32 s7, $0x9  }
0xd7: {  	s2 =	sor.u32 s7, s2  }
0xd8: {  	s2 =	sshra.s32 s2, $0x2  }
0xd9: {  	s31 =	sadd.s32 $0x2440, s2  }
0xda: {  	v30 =	vld [tilespmem:s31+$0xFFFFFFC0]  }
0xdb: {  	v31 =	vld [tilespmem:s31+$0xFFFFFFD0]  }
0xdc: {  	v32 =	vld [tilespmem:s31+$0xFFFFFFE0]  }
0xdd: {  	v33 =	vld [tilespmem:s31+$0xFFFFFFF0]  }
0xde: {  	v34 =	vld [tilespmem:s31+$0x0]  }
0xdf: {  	v35 =	vld [tilespmem:s31+$0x10]  }
0xe0: {  	v36 =	vld [tilespmem:s31+$0x20]  }
0xe1: {  	v37 =	vld [tilespmem:s31+$0x30];
	_ =	sdelay $0x1  }
0xe2: {  	v44 =	vmul.f32 v30, v27;
	v43 =	vmul.f32 v31, v27  }
0xe3: {  	v42 =	vmul.f32 v32, v27;
	v41 =	vmul.f32 v33, v27  }
0xe4: {  	v40 =	vmul.f32 v34, v27;
	v39 =	vmul.f32 v35, v27  }
0xe5: {  	v38 =	vmul.f32 v36, v27;
	v45 =	vmul.f32 v37, v27;
	vm0 =	vlt.f32 v29, v44  }
0xe6: {  	vm1 =	vlt.f32 v29, v43;
	vm2 =	vlt.f32 v29, v42;
	vm3 =	vlt.f32 v29, v41  }
0xe7: {  	vm4 =	vlt.f32 v29, v40;
	vm5 =	vlt.f32 v29, v39;
	vm6 =	vlt.f32 v29, v38  }
0xe8: {  	vm7 =	vlt.f32 v29, v45;
	v30 =	vsel vm0, $0xB, v18;
	v31 =	vsel vm1, $0xB, v18  }
0xe9: {  	v7 =	vsel vm2, $0xB, v18;
	v8 =	vsel vm3, $0xB, v18;
	v9 =	vsel vm4, $0xB, v18  }
0xea: {  	v10 =	vsel vm5, $0xB, v18;
	v11 =	vperm.xlane v28, v30;
	v56 =	vperm.xlane v28, v31  }
0xeb: {  	v46 =	vsel vm6, $0xB, v18;
	v47 =	vperm.xlane v28, v7;
	v48 =	vperm.xlane v28, v8  }
0xec: {  	v49 =	vsel vm7, $0xB, v18;
	v50 =	vperm.xlane v28, v9;
	v51 =	vperm.xlane v28, v10  }
0xed: {  	v52 =	vperm.xlane v28, v46;
	v53 =	vperm.xlane v28, v49  }
0xee: {  	vm0 =	vlt.f32 v11, v44;
	vm1 =	vlt.f32 v56, v43;
	vm2 =	vlt.f32 v47, v42  }
0xef: {  	vm3 =	vlt.f32 v48, v41;
	vm4 =	vlt.f32 v50, v40;
	vm5 =	vlt.f32 v51, v39  }
0xf0: {  	vm6 =	vlt.f32 v52, v38;
	v36 =	vsel vm0, $0x2, v19;
	vm0 =	vlt.f32 v53, v45  }
0xf1: {  	v37 =	vsel vm1, $0x2, v19;
	v47 =	vsel vm2, $0x2, v19;
	v48 =	vsel vm3, $0x2, v19  }
0xf2: {  	v50 =	vsel vm4, $0x2, v19;
	v51 =	vsel vm5, $0x2, v19;
	v52 =	vsel vm6, $0x2, v19  }
0xf3: {  	v30 =	vadd.s32 v30, v36;
	v31 =	vadd.s32 v31, v37;
	v57 =	vsel vm0, $0x2, v19  }
0xf4: {  	v32 =	vadd.s32 v7, v47;
	v33 =	vadd.s32 v8, v48;
	v34 =	vadd.s32 v9, v50  }
0xf5: {  	v35 =	vadd.s32 v10, v51;
	v58 =	vperm.xlane v28, v30;
	v59 =	vperm.xlane v28, v31  }
0xf6: {  	v46 =	vadd.s32 v46, v52;
	v60 =	vperm.xlane v28, v32;
	v61 =	vperm.xlane v28, v33  }
0xf7: {  	v36 =	vadd.s32 v49, v57;
	v62 =	vperm.xlane v28, v34;
	v51 =	vperm.xlane v28, v35  }
0xf8: {  	v52 =	vperm.xlane v28, v46;
	v63 =	vperm.xlane v28, v36  }
0xf9: {  	vm0 =	vlt.f32 v58, v44;
	vm1 =	vlt.f32 v59, v43;
	vm2 =	vlt.f32 v60, v42  }
0xfa: {  	vm3 =	vlt.f32 v61, v41;
	vm4 =	vlt.f32 v62, v40;
	vm5 =	vlt.f32 v51, v39  }
0xfb: {  	v37 =	vsel vm0, $0x1, v20;
	vm0 =	vlt.f32 v52, v38;
	vm6 =	vlt.f32 v63, v45  }
0xfc: {  	v47 =	vsel vm1, $0x1, v20;
	v48 =	vsel vm2, $0x1, v20;
	v0 =	vsel vm3, $0x1, v20  }
0xfd: {  	v1 =	vsel vm4, $0x1, v20;
	v51 =	vsel vm5, $0x1, v20;
	v52 =	vsel vm0, $0x1, v20  }
0xfe: {  	v30 =	vadd.s32 v30, v37;
	v31 =	vadd.s32 v31, v47;
	v32 =	vadd.s32 v32, v48  }
0xff: {  	v33 =	vadd.s32 v33, v0;
	v34 =	vadd.s32 v34, v1;
	v2 =	vsel vm6, $0x1, v20  }
0x100: {  	v35 =	vadd.s32 v35, v51;
	v3 =	vperm.xlane v28, v30;
	v4 =	vperm.xlane v28, v31  }
0x101: {  	v46 =	vadd.s32 v46, v52;
	v5 =	vperm.xlane v28, v32;
	v6 =	vperm.xlane v28, v33  }
0x102: {  	v36 =	vadd.s32 v36, v2;
	v7 =	vperm.xlane v28, v34;
	v51 =	vperm.xlane v28, v35  }
0x103: {  	v52 =	vperm.xlane v28, v46;
	v8 =	vperm.xlane v28, v36  }
0x104: {  	vm0 =	vlt.f32 v3, v44;
	vm1 =	vlt.f32 v4, v43;
	vm2 =	vlt.f32 v5, v42  }
0x105: {  	s7 =	sadd.s32 $0x400, s31;
	vm3 =	vlt.f32 v6, v41;
	vm4 =	vlt.f32 v7, v40;
	vm5 =	vlt.f32 v51, v39  }
0x106: {  	v55 =	vld [tilespmem:s7+$0xFFFFFFF0];
	vm6 =	vlt.f32 v52, v38;
	v9 =	vsel vm0, $0x1, v21;
	v10 =	vsel vm1, $0x1, v21  }
0x107: {  	v4 =	vld [tilespmem:s7+$0x0];
	vm0 =	vlt.f32 v8, v45;
	v49 =	vsel vm2, $0x1, v21;
	v50 =	vsel vm3, $0x1, v21  }
0x108: {  	v7 =	vld [tilespmem:s7+$0x30];
	v63 =	vsel vm4, $0x1, v21;
	v1 =	vsel vm5, $0x1, v21;
	v30 =	vor.u32 v9, v30  }
0x109: {  	v54 =	vld [tilespmem:s7+$0xFFFFFFE0];
	v2 =	vsel vm6, $0x1, v21;
	v31 =	vor.u32 v10, v31;
	v30 =	vshll.u32 v30, $0x8  }
0x10a: {  	v3 =	vsel vm0, $0x1, v21;
	v56 =	vor.u32 v22, v30;
	v30 =	vshll.u32 v31, $0x8  }
0x10b: {  	v0 =	vld [tilespmem:s7+$0xFFFFFFD0];
	v31 =	vor.u32 v49, v32;
	v32 =	vmul.f32 v55, v27;
	v57 =	vor.u32 v22, v30  }
0x10c: {  	v30 =	vshll.u32 v31, $0x8;
	v31 =	vor.u32 v50, v33;
	v33 =	vmul.f32 v4, v27  }
0x10d: {  	v37 =	vmul.f32 v7, v27;
	v58 =	vor.u32 v22, v30;
	v30 =	vshll.u32 v31, $0x8  }
0x10e: {  	v11 =	vld [tilespmem:s7+$0xFFFFFFC0];
	v31 =	vor.u32 v63, v34;
	v34 =	vmul.f32 v54, v27;
	vm4 =	vlt.f32 v29, v32  }
0x10f: {  	v59 =	vor.u32 v22, v30;
	v30 =	vshll.u32 v31, $0x8;
	v31 =	vor.u32 v1, v35  }
0x110: {  	v6 =	vld [tilespmem:s7+$0x20];
	v35 =	vmul.f32 v0, v27;
	vm5 =	vlt.f32 v29, v33;
	vm0 =	vlt.f32 v29, v37  }
0x111: {  	v5 =	vld [tilespmem:s7+$0x10];
	v60 =	vor.u32 v22, v30;
	v30 =	vshll.u32 v31, $0x8;
	v31 =	vor.u32 v2, v46  }
0x112: {  	vm3 =	vlt.f32 v29, v34;
	v48 =	vsel vm5, $0xB, v18;
	v53 =	vor.u32 v22, v30  }
0x113: {  	v30 =	vshll.u32 v31, $0x8;
	v31 =	vor.u32 v3, v36;
	v61 =	vld.idx.msk [tilespmem:v56+s20+$0x0], $0xffff;
	v36 =	vmul.f32 v11, v27  }
0x114: {  	vm2 =	vlt.f32 v29, v35;
	v62 =	vor.u32 v22, v30;
	v30 =	vshll.u32 v31, $0x8;
	v52 =	vld.idx.msk [tilespmem:v57+s20+$0x0], $0xffff  }
0x115: {  	v2 =	vsel vm3, $0xB, v18;
	v31 =	vmul.f32 v6, v27;
	v54 =	vor.u32 v22, v30;
	v8 =	vld.idx.msk [tilespmem:v58+s20+$0x0], $0xffff  }
0x116: {  	v3 =	vsel vm4, $0xB, v18;
	v30 =	vmul.f32 v5, v27;
	vm1 =	vlt.f32 v29, v36;
	v9 =	vld.idx.msk [tilespmem:v59+s20+$0x0], $0xffff  }
0x117: {  	v1 =	vsel vm2, $0xB, v18;
	vm7 =	vlt.f32 v29, v31;
	v17 =	vsel vm1, $0xB, v18;
	v10 =	vld.idx.msk [tilespmem:v60+s20+$0x0], $0xffff  }
0x118: {  	vm6 =	vlt.f32 v29, v30;
	v46 =	vsel vm7, $0xB, v18;
	v4 =	vperm.xlane v28, v17;
	v11 =	vld.idx.msk [tilespmem:v53+s20+$0x0], $0xffff  }
0x119: {  	v47 =	vsel vm6, $0xB, v18;
	vm1 =	vlt.f32 v61, v44;
	vm2 =	vlt.f32 v52, v43  }
0x11a: {  	v5 =	vsel vm1, $0x40, v23;
	v0 =	vld.idx.msk [tilespmem:v54+s20+$0x0], $0xffff;
	vm3 =	vlt.f32 v8, v42;
	v6 =	vsel vm2, $0x40, v23  }
0x11b: {  	v49 =	vadd.s32 v56, v5;
	vm4 =	vlt.f32 v9, v41;
	v7 =	vsel vm3, $0x40, v23  }
0x11c: {  	v5 =	vand.u32 $0xFFFFFF80, v49;
	v50 =	vadd.s32 v57, v6;
	vm5 =	vlt.f32 v10, v40  }
0x11d: {  	v63 =	vld.idx.msk [tilespmem:v62+s20+$0x0], $0xffff;
	v8 =	vsel vm4, $0x40, v23;
	v56 =	vor.u32 v24, v5;
	vm6 =	vlt.f32 v11, v39  }
0x11e: {  	v9 =	vsel vm5, $0x40, v23;
	v51 =	vadd.s32 v59, v8;
	v55 =	vsel vm6, $0x40, v23  }
0x11f: {  	v52 =	vadd.s32 v60, v9;
	v9 =	vand.u32 $0xFFFFFF80, v51;
	vm1 =	vlt.f32 v0, v45  }
0x120: {  	v0 =	vadd.s32 v58, v7;
	v7 =	vand.u32 $0xFFFFFF80, v50;
	v10 =	vsel vm1, $0x40, v23  }
0x121: {  	v53 =	vadd.s32 v53, v55;
	v55 =	vor.u32 v24, v9;
	v54 =	vadd.s32 v54, v10  }
0x122: {  	vm7 =	vlt.f32 v63, v38;
	v58 =	vor.u32 v24, v7;
	v6 =	vand.u32 $0xFFFFFF80, v54  }
0x123: {  	v63 =	vperm.xlane v28, v1;
	v10 =	vand.u32 $0xFFFFFF80, v52;
	v57 =	vor.u32 v24, v6  }
0x124: {  	v11 =	vsel vm7, $0x40, v23;
	v8 =	vand.u32 $0xFFFFFF80, v0;
	v60 =	vor.u32 v24, v10  }
0x125: {  	v61 =	vadd.s32 v62, v11;
	v11 =	vand.u32 $0xFFFFFF80, v53;
	v59 =	vor.u32 v24, v8;
	v56 =	vld.idx.msk [tilespmem:v56+s20+$0x0], $0xffff  }
0x126: {  	vm5 =	vlt.f32 v4, v36;
	v9 =	vsel vm0, $0xB, v18;
	v62 =	vor.u32 v24, v11;
	v55 =	vld.idx.msk [tilespmem:v55+s20+$0x0], $0xffff  }
0x127: {  	v7 =	vperm.xlane v28, v3;
	v12 =	vperm.xlane v28, v9;
	vm0 =	vlt.f32 v63, v35;
	v58 =	vld.idx.msk [tilespmem:v58+s20+$0x0], $0xffff  }
0x128: {  	v5 =	vand.u32 $0xFFFFFF80, v61;
	v8 =	vperm.xlane v28, v48;
	v11 =	vperm.xlane v28, v46;
	v57 =	vld.idx.msk [tilespmem:v57+s20+$0x0], $0xffff  }
0x129: {  	v5 =	vor.u32 v24, v5;
	v10 =	vperm.xlane v28, v47;
	v6 =	vperm.xlane v28, v2;
	v4 =	vld.idx.msk [tilespmem:v60+s20+$0x0], $0xffff  }
0x12a: {  	vm2 =	vlt.f32 v7, v32;
	vm3 =	vlt.f32 v8, v33;
	v59 =	vld.idx.msk [tilespmem:v59+s20+$0x0], $0xffff;
	vm6 =	vlt.f32 v56, v44  }
0x12b: {  	vm4 =	vlt.f32 v10, v30;
	vm1 =	vlt.f32 v6, v34;
	v60 =	vld.idx.msk [tilespmem:v62+s20+$0x0], $0xffff;
	v62 =	vsel vm6, $0x20, v25  }
0x12c: {  	v7 =	vadd.s32 v49, v62;
	v62 =	vsel vm1, $0x2, v19;
	vm7 =	vlt.f32 v58, v43  }
0x12d: {  	v2 =	vadd.s32 v2, v62;
	v49 =	vsel vm7, $0x20, v25;
	vm6 =	vlt.f32 v57, v45  }
0x12e: {  	v5 =	vld.idx.msk [tilespmem:v5+s20+$0x0], $0xffff;
	v10 =	vadd.s32 v50, v49;
	vm7 =	vlt.f32 v4, v40;
	v63 =	vsel vm6, $0x20, v25  }
0x12f: {  	v58 =	vsel vm7, $0x20, v25;
	vm6 =	vlt.f32 v59, v42;
	v8 =	vadd.s32 v54, v63  }
0x130: {  	vm7 =	vlt.f32 v11, v31;
	v56 =	vsel vm6, $0x20, v25;
	vm6 =	vlt.f32 v55, v41  }
0x131: {  	v6 =	vadd.s32 v52, v58;
	v0 =	vadd.s32 v0, v56;
	v57 =	vsel vm6, $0x20, v25  }
0x132: {  	v58 =	vsel vm7, $0x2, v19;
	vm6 =	vlt.f32 v60, v39;
	v4 =	vadd.s32 v51, v57  }
0x133: {  	v63 =	vsel vm2, $0x2, v19;
	v59 =	vsel vm6, $0x20, v25;
	vm6 =	vlt.f32 v5, v38;
	v5 =	vld.idx.msk [tilespmem:v7+s20+$0x0], $0xffff  }
0x134: {  	v46 =	vadd.s32 v46, v58;
	v11 =	vadd.s32 v53, v59;
	v60 =	vsel vm6, $0x20, v25;
	v50 =	vld.idx.msk [tilespmem:v8+s20+$0x0], $0xffff  }
0x135: {  	v51 =	vsel vm5, $0x2, v19;
	vm5 =	vlt.f32 v12, v37;
	v49 =	vld.idx.msk [tilespmem:v10+s20+$0x0], $0xffff;
	v12 =	vadd.s32 v61, v60  }
0x136: {  	v54 =	vperm.xlane v28, v2;
	v56 =	vsel vm3, $0x2, v19;
	v3 =	vadd.s32 v3, v63;
	v55 =	vld.idx.msk [tilespmem:v0+s20+$0x0], $0xffff  }
0x137: {  	v57 =	vsel vm4, $0x2, v19;
	v48 =	vadd.s32 v48, v56;
	v56 =	vperm.xlane v28, v3;
	v60 =	vld.idx.msk [tilespmem:v4+s20+$0x0], $0xffff  }
0x138: {  	vm2 =	vlt.f32 v54, v34;
	v61 =	vsel vm0, $0x2, v19;
	v52 =	vld.idx.msk [tilespmem:v6+s20+$0x0], $0xffff;
	vm0 =	vlt.f32 v5, v44  }
0x139: {  	v1 =	vadd.s32 v1, v61;
	v5 =	vld.idx.msk [tilespmem:v11+s20+$0x0], $0xffff;
	v61 =	vsel vm0, $0x10, v26;
	vm0 =	vlt.f32 v50, v45  }
0x13a: {  	vm1 =	vlt.f32 v49, v43;
	v7 =	vadd.s32 v7, v61;
	v50 =	vld.idx.msk [tilespmem:v12+s20+$0x0], $0xffff;
	v62 =	vsel vm0, $0x10, v26  }
0x13b: {  	v63 =	vsel vm1, $0x10, v26;
	vm0 =	vlt.f32 v55, v42;
	v8 =	vadd.s32 v8, v62  }
0x13c: {  	v10 =	vadd.s32 v10, v63;
	v55 =	vsel vm0, $0x10, v26;
	vm0 =	vlt.f32 v60, v41  }
0x13d: {  	v0 =	vadd.s32 v0, v55;
	v60 =	vsel vm0, $0x10, v26;
	vm0 =	vlt.f32 v52, v40  }
0x13e: {  	v4 =	vadd.s32 v4, v60;
	v61 =	vsel vm0, $0x10, v26;
	vm0 =	vlt.f32 v5, v39  }
0x13f: {  	v49 =	vld.idx.msk [tilespmem:v7+s20+$0x0], $0xffff;
	v5 =	vadd.s32 v6, v61;
	v62 =	vsel vm0, $0x10, v26;
	vm0 =	vlt.f32 v50, v38  }
0x140: {  	v17 =	vadd.s32 v17, v51;
	v6 =	vadd.s32 v11, v62;
	v63 =	vsel vm0, $0x10, v26;
	v50 =	vld.idx.msk [tilespmem:v8+s20+$0x0], $0xffff  }
0x141: {  	v51 =	vsel vm5, $0x2, v19;
	v47 =	vadd.s32 v47, v57;
	v11 =	vadd.s32 v12, v63;
	v12 =	vld.idx.msk [tilespmem:v10+s20+$0x0], $0xffff  }
0x142: {  	v9 =	vadd.s32 v9, v51;
	v51 =	vperm.xlane v28, v48;
	v58 =	vperm.xlane v28, v47;
	v55 =	vld.idx.msk [tilespmem:v0+s20+$0x0], $0xffff  }
0x143: {  	v59 =	vperm.xlane v28, v46;
	vm3 =	vlt.f32 v56, v32;
	v53 =	vperm.xlane v28, v1;
	v57 =	vld.idx.msk [tilespmem:v4+s20+$0x0], $0xffff  }
0x144: {  	vm4 =	vlt.f32 v51, v33;
	vm5 =	vlt.f32 v58, v30;
	vm0 =	vlt.f32 v49, v44;
	v60 =	vld.idx.msk [tilespmem:v5+s20+$0x0], $0xffff  }
0x145: {  	v52 =	vperm.xlane v28, v17;
	v61 =	vsel vm0, $0x10, v21;
	v49 =	vld.idx.msk [tilespmem:v6+s20+$0x0], $0xffff;
	vm0 =	vlt.f32 v50, v45  }
0x146: {  	v7 =	vor.u32 v7, v61;
	v50 =	vld.idx.msk [tilespmem:v11+s20+$0x0], $0xffff;
	vm1 =	vlt.f32 v12, v43;
	v12 =	vsel vm0, $0x10, v21  }
0x147: {  	v43 =	vsel vm1, $0x10, v21;
	vm0 =	vlt.f32 v55, v42;
	v8 =	vor.u32 v8, v12  }
0x148: {  	v12 =	vsel vm0, $0x10, v21;
	vm0 =	vlt.f32 v57, v41;
	v10 =	vor.u32 v10, v43  }
0x149: {  	v41 =	vsel vm0, $0x10, v21;
	vm0 =	vlt.f32 v60, v40;
	v0 =	vor.u32 v0, v12  }
0x14a: {  	v12 =	vsel vm0, $0x10, v21;
	vm0 =	vlt.f32 v49, v39;
	v4 =	vor.u32 v4, v41  }
0x14b: {  	v7 =	vld.idx.msk [tilespmem:v7+s21+$0x0], $0xffff;
	v39 =	vsel vm0, $0x10, v21;
	vm0 =	vlt.f32 v50, v38;
	v5 =	vor.u32 v5, v12  }
0x14c: {  	v44 =	vperm.xlane v28, v9;
	v12 =	vsel vm0, $0x10, v21;
	v6 =	vor.u32 v6, v39;
	v8 =	vld.idx.msk [tilespmem:v8+s21+$0x0], $0xffff  }
0x14d: {  	v62 =	vsel vm3, $0x1, v20;
	v63 =	vsel vm4, $0x1, v20;
	v10 =	vld.idx.msk [tilespmem:v10+s21+$0x0], $0xffff;
	v11 =	vor.u32 v11, v12  }
0x14e: {  	vm6 =	vlt.f32 v44, v37;
	v61 =	vsel vm2, $0x1, v20;
	vm1 =	vlt.f32 v52, v36;
	v0 =	vld.idx.msk [tilespmem:v0+s21+$0x0], $0xffff  }
0x14f: {  	v52 =	vsel vm5, $0x1, v20;
	v55 =	vsel vm6, $0x1, v20;
	v43 =	vadd.s32 v2, v61;
	v4 =	vld.idx.msk [tilespmem:v4+s21+$0x0], $0xffff  }
0x150: {  	v42 =	vadd.s32 v3, v62;
	v58 =	vperm.xlane v28, v43;
	v41 =	vadd.s32 v9, v55;
	v5 =	vld.idx.msk [tilespmem:v5+s21+$0x0], $0xffff  }
0x151: {  	s2 =	sadd.s32 $0x8440, s2;
	v38 =	vadd.s32 v48, v63;
	v63 =	vperm.xlane v28, v41;
	vm0 =	vlt.f32 v53, v35;
	v6 =	vld.idx.msk [tilespmem:v6+s21+$0x0], $0xffff  }
0x152: {  	v39 =	vadd.s32 v47, v52;
	v12 =	vsel vm1, $0x1, v20;
	vm1 =	vlt.f32 v59, v31;
	v54 =	vld.idx.msk [tilespmem:v11+s21+$0x0], $0xffff;
	[tilespmem:s2+$0x30] =	vst v8  }
0x153: {  	v60 =	vsel vm0, $0x1, v20;
	v59 =	vperm.xlane v28, v42;
	v61 =	vperm.xlane v28, v39;
	[tilespmem:s2+$0xFFFFFFC0] =	vst v7  }
0x154: {  	v53 =	vsel vm1, $0x1, v20;
	v45 =	vadd.s32 v17, v12;
	v44 =	vadd.s32 v1, v60;
	[tilespmem:s2+$0xFFFFFFD0] =	vst v10  }
0x155: {  	v60 =	vperm.xlane v28, v38;
	v56 =	vperm.xlane v28, v45;
	v40 =	vadd.s32 v46, v53;
	[tilespmem:s2+$0xFFFFFFE0] =	vst v0  }
0x156: {  	vm2 =	vlt.f32 v58, v34;
	v57 =	vperm.xlane v28, v44;
	v62 =	vperm.xlane v28, v40;
	[tilespmem:s2+$0xFFFFFFF0] =	vst v4  }
0x157: {  	vm3 =	vlt.f32 v59, v32;
	vm0 =	vlt.f32 v61, v30;
	vm5 =	vlt.f32 v60, v33;
	[tilespmem:s2+$0x0] =	vst v5  }
0x158: {  	vm4 =	vlt.f32 v56, v36;
	vm6 =	vlt.f32 v57, v35;
	vm1 =	vlt.f32 v62, v31;
	[tilespmem:s2+$0x10] =	vst v6  }
0x159: {  	s13 =	simm.s32 $0x80;
	s14 =	sadd.s32 $0x400, s7;
	v47 =	vsel vm4, $0x1, v21;
	v46 =	vsel vm6, $0x1, v21;
	vm4 =	vlt.f32 v63, v37;
	[tilespmem:s2+$0x20] =	vst v54  }
.LBB2_6:
0x15a: {  	v0 =	vld [tilespmem:s14+$0xFFFFFFC0];
	v1 =	vsel vm2, $0x1, v21;
	v2 =	vsel vm3, $0x1, v21;
	v3 =	vsel vm5, $0x1, v21  }
0x15b: {  	v5 =	vor.u32 v47, v45;
	v6 =	vsel vm0, $0x1, v21;
	v7 =	vsel vm1, $0x1, v21;
	v4 =	vld [tilespmem:s14+$0xFFFFFFD0]  }
0x15c: {  	v9 =	vor.u32 v46, v44;
	v10 =	vsel vm4, $0x1, v21;
	v5 =	vshll.u32 v5, $0x8;
	v8 =	vld [tilespmem:s14+$0xFFFFFFE0]  }
0x15d: {  	v9 =	vshll.u32 v9, $0x8;
	v1 =	vor.u32 v1, v43;
	v5 =	vor.u32 v22, v5;
	v11 =	vld [tilespmem:s14+$0xFFFFFFF0]  }
0x15e: {  	v2 =	vor.u32 v2, v42;
	v9 =	vor.u32 v22, v9;
	v1 =	vshll.u32 v1, $0x8;
	v12 =	vld [tilespmem:s14+$0x0]  }
0x15f: {  	v3 =	vor.u32 v3, v38;
	v2 =	vshll.u32 v2, $0x8;
	v1 =	vor.u32 v22, v1;
	v17 =	vld [tilespmem:s14+$0x10]  }
0x160: {  	v6 =	vor.u32 v6, v39;
	v3 =	vshll.u32 v3, $0x8;
	v2 =	vor.u32 v22, v2;
	v38 =	vld [tilespmem:s14+$0x20]  }
0x161: {  	v7 =	vor.u32 v7, v40;
	v6 =	vshll.u32 v6, $0x8;
	v3 =	vor.u32 v22, v3;
	v45 =	vld [tilespmem:s14+$0x30]  }
0x162: {  	v10 =	vor.u32 v10, v41;
	v7 =	vshll.u32 v7, $0x8;
	v6 =	vor.u32 v22, v6;
	v53 =	vld.idx.msk [tilespmem:v5+s20+$0x0], $0xffff  }
0x163: {  	v43 =	vmul.f32 v0, v27;
	v0 =	vor.u32 v22, v7;
	v7 =	vshll.u32 v10, $0x8;
	v10 =	vld.idx.msk [tilespmem:v9+s20+$0x0], $0xffff  }
0x164: {  	v44 =	vmul.f32 v4, v27;
	v4 =	vor.u32 v22, v7;
	v42 =	vmul.f32 v8, v27;
	v7 =	vld.idx.msk [tilespmem:v1+s20+$0x0], $0xffff  }
0x165: {  	v41 =	vmul.f32 v11, v27;
	v40 =	vmul.f32 v12, v27;
	v8 =	vld.idx.msk [tilespmem:v2+s20+$0x0], $0xffff  }
0x166: {  	v39 =	vmul.f32 v17, v27;
	v38 =	vmul.f32 v38, v27;
	v11 =	vld.idx.msk [tilespmem:v3+s20+$0x0], $0xffff  }
0x167: {  	vm1 =	vlt.f32 v29, v43;
	vm2 =	vlt.f32 v29, v44;
	v45 =	vmul.f32 v45, v27;
	v12 =	vld.idx.msk [tilespmem:v6+s20+$0x0], $0xffff  }
0x168: {  	vm3 =	vlt.f32 v29, v42;
	vm4 =	vlt.f32 v29, v41;
	vm5 =	vlt.f32 v29, v40;
	v17 =	vld.idx.msk [tilespmem:v0+s20+$0x0], $0xffff  }
0x169: {  	vm6 =	vlt.f32 v29, v39;
	vm7 =	vlt.f32 v29, v38;
	vm0 =	vlt.f32 v29, v45;
	v54 =	vld.idx.msk [tilespmem:v4+s20+$0x0], $0xffff  }
0x16a: {  	v51 =	vsel vm1, $0xB, v18;
	v52 =	vsel vm2, $0xB, v18;
	v49 =	vsel vm3, $0xB, v18  }
0x16b: {  	v50 =	vsel vm4, $0xB, v18;
	v48 =	vsel vm5, $0xB, v18;
	v47 =	vsel vm6, $0xB, v18  }
0x16c: {  	v55 =	vperm.xlane v28, v51;
	vm1 =	vlt.f32 v53, v36;
	v46 =	vsel vm7, $0xB, v18  }
0x16d: {  	vm2 =	vlt.f32 v10, v35;
	vm3 =	vlt.f32 v7, v34;
	vm4 =	vlt.f32 v8, v32  }
0x16e: {  	vm5 =	vlt.f32 v11, v33;
	vm6 =	vlt.f32 v12, v30;
	vm7 =	vlt.f32 v17, v31  }
0x16f: {  	v7 =	vsel vm1, $0x40, v23;
	v8 =	vsel vm2, $0x40, v23;
	vm1 =	vlt.f32 v54, v37  }
0x170: {  	v10 =	vsel vm3, $0x40, v23;
	v11 =	vsel vm4, $0x40, v23;
	v12 =	vsel vm5, $0x40, v23  }
0x171: {  	v5 =	vadd.s32 v5, v7;
	v7 =	vsel vm6, $0x40, v23;
	v17 =	vsel vm1, $0x40, v23  }
0x172: {  	v53 =	vsel vm7, $0x40, v23;
	v4 =	vadd.s32 v4, v17;
	v17 =	vand.u32 $0xFFFFFF80, v5  }
0x173: {  	v8 =	vadd.s32 v9, v8;
	v9 =	vor.u32 v24, v17;
	v17 =	vand.u32 $0xFFFFFF80, v4  }
0x174: {  	v1 =	vadd.s32 v1, v10;
	v10 =	vand.u32 $0xFFFFFF80, v8;
	v17 =	vor.u32 v24, v17  }
0x175: {  	v2 =	vadd.s32 v2, v11;
	v11 =	vand.u32 $0xFFFFFF80, v1;
	v10 =	vor.u32 v24, v10  }
0x176: {  	v3 =	vadd.s32 v3, v12;
	v11 =	vor.u32 v24, v11;
	v12 =	vand.u32 $0xFFFFFF80, v2  }
0x177: {  	v6 =	vadd.s32 v6, v7;
	v7 =	vor.u32 v24, v12;
	v12 =	vand.u32 $0xFFFFFF80, v3  }
0x178: {  	v0 =	vadd.s32 v0, v53;
	v12 =	vor.u32 v24, v12;
	v53 =	vand.u32 $0xFFFFFF80, v6;
	v9 =	vld.idx.msk [tilespmem:v9+s20+$0x0], $0xffff  }
0x179: {  	v54 =	vperm.xlane v28, v52;
	v53 =	vor.u32 v24, v53;
	v56 =	vand.u32 $0xFFFFFF80, v0;
	v17 =	vld.idx.msk [tilespmem:v17+s20+$0x0], $0xffff  }
0x17a: {  	v57 =	vperm.xlane v28, v49;
	v58 =	vperm.xlane v28, v50;
	v56 =	vor.u32 v24, v56;
	v10 =	vld.idx.msk [tilespmem:v10+s20+$0x0], $0xffff  }
0x17b: {  	v60 =	vperm.xlane v28, v48;
	v61 =	vperm.xlane v28, v47;
	v59 =	vsel vm0, $0xB, v18;
	v11 =	vld.idx.msk [tilespmem:v11+s20+$0x0], $0xffff  }
0x17c: {  	v62 =	vperm.xlane v28, v46;
	v63 =	vperm.xlane v28, v59;
	v7 =	vld.idx.msk [tilespmem:v7+s20+$0x0], $0xffff  }
0x17d: {  	vm5 =	vlt.f32 v55, v43;
	vm1 =	vlt.f32 v57, v42;
	vm0 =	vlt.f32 v54, v44;
	v12 =	vld.idx.msk [tilespmem:v12+s20+$0x0], $0xffff  }
0x17e: {  	vm3 =	vlt.f32 v58, v41;
	vm2 =	vlt.f32 v60, v40;
	vm6 =	vlt.f32 v9, v36;
	v53 =	vld.idx.msk [tilespmem:v53+s20+$0x0], $0xffff  }
0x17f: {  	vm4 =	vlt.f32 v61, v39;
	v54 =	vsel vm6, $0x20, v25;
	vm6 =	vlt.f32 v17, v37;
	v9 =	vld.idx.msk [tilespmem:v56+s20+$0x0], $0xffff  }
0x180: {  	v5 =	vadd.s32 v5, v54;
	vm7 =	vlt.f32 v10, v35;
	v10 =	vsel vm6, $0x20, v25  }
0x181: {  	v17 =	vsel vm7, $0x20, v25;
	vm6 =	vlt.f32 v11, v34;
	v4 =	vadd.s32 v4, v10  }
0x182: {  	v8 =	vadd.s32 v8, v17;
	v10 =	vsel vm6, $0x20, v25;
	vm6 =	vlt.f32 v7, v32  }
0x183: {  	v1 =	vadd.s32 v1, v10;
	v7 =	vsel vm6, $0x20, v25;
	vm6 =	vlt.f32 v12, v33  }
0x184: {  	v2 =	vadd.s32 v2, v7;
	v7 =	vsel vm6, $0x20, v25;
	vm6 =	vlt.f32 v53, v30  }
0x185: {  	v3 =	vadd.s32 v3, v7;
	v7 =	vsel vm6, $0x20, v25;
	vm6 =	vlt.f32 v9, v31;
	v9 =	vld.idx.msk [tilespmem:v5+s20+$0x0], $0xffff  }
0x186: {  	vm7 =	vlt.f32 v62, v38;
	v6 =	vadd.s32 v6, v7;
	v7 =	vsel vm6, $0x20, v25;
	v10 =	vld.idx.msk [tilespmem:v4+s20+$0x0], $0xffff  }
0x187: {  	v11 =	vsel vm5, $0x2, v19;
	vm5 =	vlt.f32 v63, v45;
	v0 =	vadd.s32 v0, v7;
	v7 =	vld.idx.msk [tilespmem:v8+s20+$0x0], $0xffff  }
0x188: {  	v54 =	vsel vm3, $0x2, v19;
	v17 =	vsel vm1, $0x2, v19;
	v12 =	vsel vm0, $0x2, v19;
	v55 =	vld.idx.msk [tilespmem:v1+s20+$0x0], $0xffff  }
0x189: {  	v57 =	vsel vm4, $0x2, v19;
	v56 =	vsel vm2, $0x2, v19;
	v58 =	vsel vm7, $0x2, v19;
	v60 =	vld.idx.msk [tilespmem:v2+s20+$0x0], $0xffff  }
0x18a: {  	v51 =	vadd.s32 v51, v11;
	v11 =	vsel vm5, $0x2, v19;
	v52 =	vadd.s32 v52, v12;
	v12 =	vld.idx.msk [tilespmem:v3+s20+$0x0], $0xffff  }
0x18b: {  	v53 =	vadd.s32 v49, v17;
	v49 =	vadd.s32 v50, v54;
	vm0 =	vlt.f32 v9, v36;
	v17 =	vld.idx.msk [tilespmem:v6+s20+$0x0], $0xffff  }
0x18c: {  	v48 =	vadd.s32 v48, v56;
	v50 =	vsel vm0, $0x10, v26;
	vm0 =	vlt.f32 v10, v37;
	v9 =	vld.idx.msk [tilespmem:v0+s20+$0x0], $0xffff  }
0x18d: {  	v5 =	vadd.s32 v5, v50;
	vm1 =	vlt.f32 v7, v35;
	v7 =	vsel vm0, $0x10, v26  }
0x18e: {  	v10 =	vsel vm1, $0x10, v26;
	vm0 =	vlt.f32 v55, v34;
	v4 =	vadd.s32 v4, v7  }
0x18f: {  	v7 =	vadd.s32 v8, v10;
	v8 =	vsel vm0, $0x10, v26;
	vm0 =	vlt.f32 v60, v32  }
0x190: {  	v1 =	vadd.s32 v1, v8;
	v8 =	vsel vm0, $0x10, v26;
	vm0 =	vlt.f32 v12, v33  }
0x191: {  	v2 =	vadd.s32 v2, v8;
	v8 =	vsel vm0, $0x10, v26;
	vm0 =	vlt.f32 v17, v30  }
0x192: {  	v3 =	vadd.s32 v3, v8;
	v8 =	vsel vm0, $0x10, v26;
	vm0 =	vlt.f32 v9, v31;
	v9 =	vld.idx.msk [tilespmem:v5+s20+$0x0], $0xffff  }
0x193: {  	v10 =	vadd.s32 v47, v57;
	v6 =	vadd.s32 v6, v8;
	v8 =	vsel vm0, $0x10, v26;
	v12 =	vld.idx.msk [tilespmem:v4+s20+$0x0], $0xffff  }
0x194: {  	v47 =	vperm.xlane v28, v52;
	v17 =	vperm.xlane v28, v51;
	v0 =	vadd.s32 v0, v8;
	v8 =	vld.idx.msk [tilespmem:v7+s20+$0x0], $0xffff  }
0x195: {  	v46 =	vadd.s32 v46, v58;
	v54 =	vperm.xlane v28, v49;
	v50 =	vperm.xlane v28, v53;
	v55 =	vld.idx.msk [tilespmem:v1+s20+$0x0], $0xffff  }
0x196: {  	v56 =	vperm.xlane v28, v48;
	v11 =	vadd.s32 v59, v11;
	v57 =	vperm.xlane v28, v10;
	v58 =	vld.idx.msk [tilespmem:v2+s20+$0x0], $0xffff  }
0x197: {  	v59 =	vperm.xlane v28, v46;
	v60 =	vperm.xlane v28, v11;
	v61 =	vld.idx.msk [tilespmem:v3+s20+$0x0], $0xffff  }
0x198: {  	vm2 =	vlt.f32 v17, v43;
	vm0 =	vlt.f32 v47, v44;
	vm3 =	vlt.f32 v9, v36;
	v17 =	vld.idx.msk [tilespmem:v6+s20+$0x0], $0xffff  }
0x199: {  	vm1 =	vlt.f32 v50, v42;
	v36 =	vmovc v43;
	v47 =	vsel vm3, $0x10, v21;
	vm3 =	vlt.f32 v12, v37;
	v9 =	vld.idx.msk [tilespmem:v0+s20+$0x0], $0xffff  }
0x19a: {  	v37 =	vmovc v45;
	vm4 =	vlt.f32 v8, v35;
	v8 =	vsel vm3, $0x10, v21;
	v5 =	vor.u32 v5, v47;
	v35 =	vmovc v44  }
0x19b: {  	v12 =	vsel vm4, $0x10, v21;
	vm3 =	vlt.f32 v55, v34;
	v4 =	vor.u32 v4, v8;
	v34 =	vmovc v42  }
0x19c: {  	v8 =	vsel vm3, $0x10, v21;
	vm3 =	vlt.f32 v58, v32;
	v7 =	vor.u32 v7, v12;
	v32 =	vmovc v41  }
0x19d: {  	v12 =	vsel vm3, $0x10, v21;
	vm3 =	vlt.f32 v61, v33;
	v1 =	vor.u32 v1, v8;
	v33 =	vmovc v40  }
0x19e: {  	v8 =	vsel vm3, $0x10, v21;
	vm3 =	vlt.f32 v17, v30;
	v2 =	vor.u32 v2, v12;
	v30 =	vmovc v39  }
0x19f: {  	v12 =	vsel vm3, $0x10, v21;
	vm3 =	vlt.f32 v9, v31;
	v3 =	vor.u32 v3, v8;
	v31 =	vmovc v38;
	v5 =	vld.idx.msk [tilespmem:v5+s21+$0x0], $0xffff  }
0x1a0: {  	s13 =	sadd.s32 $0x80, s13;
	vm4 =	vlt.f32 v54, v32;
	v8 =	vsel vm3, $0x10, v21;
	v6 =	vor.u32 v6, v12;
	v4 =	vld.idx.msk [tilespmem:v4+s21+$0x0], $0xffff  }
0x1a1: {  	p1 =	slt.u32 s13, $0x280;
	vm5 =	vlt.f32 v57, v30;
	vm3 =	vlt.f32 v56, v33;
	v0 =	vor.u32 v0, v8;
	v7 =	vld.idx.msk [tilespmem:v7+s21+$0x0], $0xffff  }
0x1a2: {  	vm6 =	vlt.f32 v60, v37;
	v8 =	vsel vm2, $0x1, v20;
	vm2 =	vlt.f32 v59, v31;
	v1 =	vld.idx.msk [tilespmem:v1+s21+$0x0], $0xffff  }
0x1a3: {  	v17 =	vsel vm4, $0x1, v20;
	v9 =	vsel vm0, $0x1, v20;
	v12 =	vsel vm1, $0x1, v20;
	v2 =	vld.idx.msk [tilespmem:v2+s21+$0x0], $0xffff  }
0x1a4: {  	v39 =	vsel vm5, $0x1, v20;
	v38 =	vsel vm3, $0x1, v20;
	v40 =	vsel vm2, $0x1, v20;
	v3 =	vld.idx.msk [tilespmem:v3+s21+$0x0], $0xffff  }
0x1a5: {  	s2 =	sadd.s32 $0x400, s2;
	v44 =	vadd.s32 v52, v9;
	v43 =	vadd.s32 v53, v12;
	v45 =	vadd.s32 v51, v8;
	v6 =	vld.idx.msk [tilespmem:v6+s21+$0x0], $0xffff  }
0x1a6: {  	v42 =	vadd.s32 v49, v17;
	v38 =	vadd.s32 v48, v38;
	v8 =	vsel vm6, $0x1, v20;
	v0 =	vld.idx.msk [tilespmem:v0+s21+$0x0], $0xffff;
	[tilespmem:s2+$0x30] =	vst v4  }
0x1a7: {  	v39 =	vadd.s32 v10, v39;
	v9 =	vperm.xlane v28, v44;
	v4 =	vperm.xlane v28, v45;
	[tilespmem:s2+$0xFFFFFFC0] =	vst v5  }
0x1a8: {  	v10 =	vperm.xlane v28, v42;
	v40 =	vadd.s32 v46, v40;
	v5 =	vperm.xlane v28, v43;
	[tilespmem:s2+$0xFFFFFFD0] =	vst v7  }
.Ltmp3:
0x1a9: {  	v41 =	vadd.s32 v11, v8;
	v8 =	vperm.xlane v28, v39;
	v7 =	vperm.xlane v28, v38;
	[tilespmem:s2+$0xFFFFFFE0] =	vst v1;
	(pc) =	sbr.rel @p1 .LBB2_6-.Ltmp3, $4  }
0x1aa: {  	v11 =	vperm.xlane v28, v41;
	vm4 =	vlt.f32 v4, v36;
	v1 =	vperm.xlane v28, v40;
	[tilespmem:s2+$0xFFFFFFF0] =	vst v2  }
0x1ab: {  	vm6 =	vlt.f32 v9, v35;
	vm3 =	vlt.f32 v10, v32;
	vm2 =	vlt.f32 v5, v34;
	[tilespmem:s2+$0x0] =	vst v3  }
0x1ac: {  	vm0 =	vlt.f32 v8, v30;
	vm5 =	vlt.f32 v7, v33;
	vm1 =	vlt.f32 v1, v31;
	[tilespmem:s2+$0x10] =	vst v6  }
0x1ad: {  	s14 =	sadd.s32 $0x400, s14;
	v46 =	vsel vm6, $0x1, v21;
	v47 =	vsel vm4, $0x1, v21;
	vm4 =	vlt.f32 v11, v37;
	[tilespmem:s2+$0x20] =	vst v0  }
0x1ae: {  	v0 =	vsel vm2, $0x1, v21;
	v1 =	vsel vm3, $0x1, v21;
	v2 =	vsel vm5, $0x1, v21  }
0x1af: {  	v3 =	vor.u32 v47, v45;
	v4 =	vsel vm0, $0x1, v21;
	v5 =	vsel vm1, $0x1, v21  }
0x1b0: {  	v6 =	vor.u32 v46, v44;
	v7 =	vsel vm4, $0x1, v21;
	v3 =	vshll.u32 v3, $0x8  }
0x1b1: {  	v6 =	vshll.u32 v6, $0x8;
	v0 =	vor.u32 v0, v43;
	v3 =	vor.u32 v22, v3  }
0x1b2: {  	v1 =	vor.u32 v1, v42;
	v6 =	vor.u32 v22, v6;
	v0 =	vshll.u32 v0, $0x8  }
0x1b3: {  	v2 =	vor.u32 v2, v38;
	v1 =	vshll.u32 v1, $0x8;
	v0 =	vor.u32 v22, v0  }
0x1b4: {  	v4 =	vor.u32 v4, v39;
	v2 =	vshll.u32 v2, $0x8;
	v1 =	vor.u32 v22, v1  }
0x1b5: {  	v5 =	vor.u32 v5, v40;
	v4 =	vshll.u32 v4, $0x8;
	v2 =	vor.u32 v22, v2  }
0x1b6: {  	v7 =	vor.u32 v7, v41;
	v5 =	vshll.u32 v5, $0x8;
	v4 =	vor.u32 v22, v4;
	v8 =	vld.idx.msk [tilespmem:v3+s20+$0x0], $0xffff  }
0x1b7: {  	v7 =	vshll.u32 v7, $0x8;
	v5 =	vor.u32 v22, v5;
	v9 =	vld.idx.msk [tilespmem:v6+s20+$0x0], $0xffff  }
0x1b8: {  	v7 =	vor.u32 v22, v7;
	v10 =	vld.idx.msk [tilespmem:v0+s20+$0x0], $0xffff  }
0x1b9: {  	v11 =	vld.idx.msk [tilespmem:v1+s20+$0x0], $0xffff  }
0x1ba: {  	v12 =	vld.idx.msk [tilespmem:v2+s20+$0x0], $0xffff  }
0x1bb: {  	v17 =	vld.idx.msk [tilespmem:v4+s20+$0x0], $0xffff  }
0x1bc: {  	v48 =	vld.idx.msk [tilespmem:v5+s20+$0x0], $0xffff  }
0x1bd: {  	v49 =	vld.idx.msk [tilespmem:v7+s20+$0x0], $0xffff;
	_ =	sdelay $0x1  }
0x1be: {  	vm9 =	vlt.f32 v8, v36  }
0x1bf: {  	vm10 =	vlt.f32 v9, v35;
	vm11 =	vlt.f32 v10, v34;
	vm12 =	vlt.f32 v11, v32  }
0x1c0: {  	vm13 =	vlt.f32 v12, v33;
	vm14 =	vlt.f32 v17, v30;
	vm6 =	vlt.f32 v48, v31  }
0x1c1: {  	v8 =	vsel vm9, $0x40, v23;
	v9 =	vsel vm10, $0x40, v23;
	vm15 =	vlt.f32 v49, v37  }
0x1c2: {  	v10 =	vsel vm11, $0x40, v23;
	v11 =	vsel vm12, $0x40, v23;
	v12 =	vsel vm13, $0x40, v23  }
0x1c3: {  	v3 =	vadd.s32 v3, v8;
	v50 =	vsel vm14, $0x40, v23;
	v17 =	vsel vm15, $0x40, v23  }
0x1c4: {  	v6 =	vadd.s32 v6, v9;
	v7 =	vadd.s32 v7, v17;
	v17 =	vand.u32 $0xFFFFFF80, v3  }
0x1c5: {  	v0 =	vadd.s32 v0, v10;
	v52 =	vand.u32 $0xFFFFFF80, v6;
	v51 =	vor.u32 v24, v17  }
0x1c6: {  	v1 =	vadd.s32 v1, v11;
	v17 =	vand.u32 $0xFFFFFF80, v7;
	v10 =	vor.u32 v24, v52  }
0x1c7: {  	v2 =	vadd.s32 v2, v12;
	v53 =	vand.u32 $0xFFFFFF80, v0;
	v17 =	vor.u32 v24, v17  }
0x1c8: {  	v4 =	vadd.s32 v4, v50;
	v12 =	vand.u32 $0xFFFFFF80, v1;
	v11 =	vor.u32 v24, v53  }
0x1c9: {  	v38 =	vsel vm6, $0x40, v23;
	v55 =	vand.u32 $0xFFFFFF80, v4;
	v54 =	vor.u32 v24, v12  }
0x1ca: {  	v5 =	vadd.s32 v5, v38;
	v12 =	vand.u32 $0xFFFFFF80, v2;
	v38 =	vor.u32 v24, v55;
	v9 =	vld.idx.msk [tilespmem:v51+s20+$0x0], $0xffff  }
0x1cb: {  	v56 =	vand.u32 $0xFFFFFF80, v5;
	v12 =	vor.u32 v24, v12;
	v10 =	vld.idx.msk [tilespmem:v10+s20+$0x0], $0xffff  }
0x1cc: {  	v39 =	vor.u32 v24, v56;
	v17 =	vld.idx.msk [tilespmem:v17+s20+$0x0], $0xffff  }
0x1cd: {  	v11 =	vld.idx.msk [tilespmem:v11+s20+$0x0], $0xffff  }
0x1ce: {  	v8 =	vld.idx.msk [tilespmem:v54+s20+$0x0], $0xffff  }
0x1cf: {  	v57 =	vld.idx.msk [tilespmem:v38+s20+$0x0], $0xffff;
	vm4 =	vlt.f32 v9, v36  }
0x1d0: {  	v12 =	vld.idx.msk [tilespmem:v12+s20+$0x0], $0xffff;
	vm6 =	vlt.f32 v10, v35;
	v58 =	vsel vm4, $0x20, v25  }
0x1d1: {  	vm5 =	vlt.f32 v17, v37;
	v17 =	vld.idx.msk [tilespmem:v39+s20+$0x0], $0xffff;
	v60 =	vsel vm6, $0x20, v25;
	v3 =	vadd.s32 v3, v58  }
0x1d2: {  	vm7 =	vlt.f32 v11, v34;
	v59 =	vsel vm5, $0x20, v25;
	v6 =	vadd.s32 v6, v60  }
0x1d3: {  	vm8 =	vlt.f32 v8, v32;
	v61 =	vsel vm7, $0x20, v25;
	v7 =	vadd.s32 v7, v59  }
0x1d4: {  	vm10 =	vlt.f32 v57, v30;
	v8 =	vsel vm8, $0x20, v25;
	v0 =	vadd.s32 v0, v61  }
0x1d5: {  	vm9 =	vlt.f32 v12, v33;
	v63 =	vsel vm10, $0x20, v25;
	v1 =	vadd.s32 v1, v8  }
0x1d6: {  	v62 =	vsel vm9, $0x20, v25;
	v4 =	vadd.s32 v4, v63;
	vm11 =	vlt.f32 v17, v31;
	v38 =	vld.idx.msk [tilespmem:v3+s20+$0x0], $0xffff  }
0x1d7: {  	v2 =	vadd.s32 v2, v62;
	v39 =	vsel vm11, $0x20, v25;
	v41 =	vld.idx.msk [tilespmem:v6+s20+$0x0], $0xffff  }
0x1d8: {  	v40 =	vld.idx.msk [tilespmem:v7+s20+$0x0], $0xffff;
	v5 =	vadd.s32 v5, v39  }
0x1d9: {  	v42 =	vld.idx.msk [tilespmem:v0+s20+$0x0], $0xffff  }
0x1da: {  	v12 =	vld.idx.msk [tilespmem:v1+s20+$0x0], $0xffff  }
0x1db: {  	v43 =	vld.idx.msk [tilespmem:v4+s20+$0x0], $0xffff;
	vm12 =	vlt.f32 v38, v36  }
0x1dc: {  	v17 =	vld.idx.msk [tilespmem:v2+s20+$0x0], $0xffff;
	vm14 =	vlt.f32 v41, v35;
	v44 =	vsel vm12, $0x10, v26  }
0x1dd: {  	vm13 =	vlt.f32 v40, v37;
	v45 =	vld.idx.msk [tilespmem:v5+s20+$0x0], $0xffff;
	v47 =	vsel vm14, $0x10, v26;
	v3 =	vadd.s32 v3, v44  }
0x1de: {  	vm15 =	vlt.f32 v42, v34;
	v46 =	vsel vm13, $0x10, v26;
	v6 =	vadd.s32 v6, v47  }
0x1df: {  	vm4 =	vlt.f32 v12, v32;
	v48 =	vsel vm15, $0x10, v26;
	v7 =	vadd.s32 v7, v46  }
0x1e0: {  	vm6 =	vlt.f32 v43, v30;
	v49 =	vsel vm4, $0x10, v26;
	v0 =	vadd.s32 v0, v48  }
0x1e1: {  	vm5 =	vlt.f32 v17, v33;
	v51 =	vsel vm6, $0x10, v26;
	v1 =	vadd.s32 v1, v49  }
0x1e2: {  	v50 =	vsel vm5, $0x10, v26;
	v4 =	vadd.s32 v4, v51;
	vm7 =	vlt.f32 v45, v31;
	v52 =	vld.idx.msk [tilespmem:v3+s20+$0x0], $0xffff  }
0x1e3: {  	v2 =	vadd.s32 v2, v50;
	v53 =	vsel vm7, $0x10, v26;
	v55 =	vld.idx.msk [tilespmem:v6+s20+$0x0], $0xffff  }
0x1e4: {  	v54 =	vld.idx.msk [tilespmem:v7+s20+$0x0], $0xffff;
	v5 =	vadd.s32 v5, v53  }
0x1e5: {  	v56 =	vld.idx.msk [tilespmem:v0+s20+$0x0], $0xffff  }
0x1e6: {  	v12 =	vld.idx.msk [tilespmem:v1+s20+$0x0], $0xffff  }
0x1e7: {  	v57 =	vld.idx.msk [tilespmem:v4+s20+$0x0], $0xffff;
	vm8 =	vlt.f32 v52, v36  }
0x1e8: {  	v17 =	vld.idx.msk [tilespmem:v2+s20+$0x0], $0xffff;
	vm10 =	vlt.f32 v55, v35;
	v36 =	vsel vm8, $0x10, v21  }
0x1e9: {  	vm9 =	vlt.f32 v54, v37;
	v58 =	vld.idx.msk [tilespmem:v5+s20+$0x0], $0xffff;
	v35 =	vsel vm10, $0x10, v21;
	v3 =	vor.u32 v3, v36  }
0x1ea: {  	vm11 =	vlt.f32 v56, v34;
	v59 =	vsel vm9, $0x10, v21;
	v6 =	vor.u32 v6, v35  }
0x1eb: {  	vm12 =	vlt.f32 v12, v32;
	v60 =	vsel vm11, $0x10, v21;
	v7 =	vor.u32 v7, v59  }
0x1ec: {  	vm14 =	vlt.f32 v57, v30;
	v61 =	vsel vm12, $0x10, v21;
	v0 =	vor.u32 v0, v60  }
0x1ed: {  	vm13 =	vlt.f32 v17, v33;
	v9 =	vsel vm14, $0x10, v21;
	v1 =	vor.u32 v1, v61  }
0x1ee: {  	v62 =	vsel vm13, $0x10, v21;
	v4 =	vor.u32 v4, v9;
	vm15 =	vlt.f32 v58, v31;
	v3 =	vld.idx.msk [tilespmem:v3+s21+$0x0], $0xffff  }
0x1ef: {  	v2 =	vor.u32 v2, v62;
	v63 =	vsel vm15, $0x10, v21;
	v6 =	vld.idx.msk [tilespmem:v6+s21+$0x0], $0xffff  }
0x1f0: {  	v7 =	vld.idx.msk [tilespmem:v7+s21+$0x0], $0xffff;
	v5 =	vor.u32 v5, v63  }
0x1f1: {  	v0 =	vld.idx.msk [tilespmem:v0+s21+$0x0], $0xffff  }
0x1f2: {  	v1 =	vld.idx.msk [tilespmem:v1+s21+$0x0], $0xffff  }
0x1f3: {  	v4 =	vld.idx.msk [tilespmem:v4+s21+$0x0], $0xffff  }
0x1f4: {  	s2 =	sadd.s32 $0x400, s2;
	v2 =	vld.idx.msk [tilespmem:v2+s21+$0x0], $0xffff  }
0x1f5: {  	v5 =	vld.idx.msk [tilespmem:v5+s21+$0x0], $0xffff;
	[tilespmem:s2+$0x30] =	vst v7  }
0x1f6: {  	s0 =	sadd.s32 $0x1, s0;
	[tilespmem:s2+$0xFFFFFFC0] =	vst v3  }
0x1f7: {  	p1 =	sne.s32 s0, $0x10;
	[tilespmem:s2+$0xFFFFFFD0] =	vst v6  }
.Ltmp4:
0x1f8: {  	[tilespmem:s2+$0xFFFFFFE0] =	vst v0;
	(pc) =	sbr.rel @p1 .LBB2_5-.Ltmp4, $4  }
0x1f9: {  	[tilespmem:s2+$0xFFFFFFF0] =	vst v1  }
0x1fa: {  	[tilespmem:s2+$0x10] =	vst v4  }
0x1fb: {  	[tilespmem:s2+$0x0] =	vst v2  }
0x1fc: {  	s30 =	sadd.s32 $0x1, s30;
	[tilespmem:s2+$0x20] =	vst v5  }
0x1fd: {  	p1 =	sne.s32 s29, $0x8  }
.Ltmp5:
0x1fe: {  	s31 =	sshrl.u32 s4, $0x3;
	(pc) =	sbr.rel @p1 .LBB2_10-.Ltmp5, $3  }
0x1ff: {  	s30 =	smul.u32 $0x300, s31;
	_ =	sdelay $0x1  }
0x200: {  	s0 =	sadd.s32 s5, s30  }
0x201: {  	[hbm4b:s0+s6] =	stream.linear.scatter [tilespmem:s22], [sflag:$0x3], $0x3000, $0x38;
	[tilespmem:$0xE400] =	vst v63  }
.Ltmp6:
0x202: {  	(pc) =	sbr.rel .LBB2_11-.Ltmp6, $4  }
0x203: {  	_ = 	snop  }
0x204: {  	_ =	swait.ge [sflag:s23], $0x3000  }
0x205: {  	[sflag:s23] =	ssyncset.done $0x0  }
0x206: {  	[sflag:s23] =	ssyncadd.s32 $0xFFFFD000  }
.LBB2_10:
0x207: {  	s0 =	sadd.s32 s1, s30  }
.Ltmp7:
0x208: {  	s0 =	sadd.s32 $0xC00, s0;
	(pc) =	sbr.rel @p0 .LBB2_12-.Ltmp7, $4  }
0x209: {  	[tilespmem:s17], [sflag:$0x1] =	stream.linear.gather [hbm4b:s0+s6], $0x3000, $0x38;
	[tilespmem:$0xE400] =	vst v63  }
0x20a: {  	_ =	swait.ge [sflag:s23], $0x3000  }
0x20b: {  	[sflag:s23] =	ssyncset.done $0x0  }
0x20c: {  	[sflag:s23] =	ssyncadd.s32 $0xFFFFD000  }
.LBB2_11:
0x20d: {  	_ =	swait.ge [sflag:s24], $0x3000  }
0x20e: {  	[sflag:s24] =	ssyncset.done $0x0  }
0x20f: {  	[sflag:s24] =	ssyncadd.s32 $0xFFFFD000  }
.LBB2_12:
0x210: {  	s4 =	sadd.s32 $0x1, s29;
	s0 =	simm.s32 $0x0;
	s2 =	simm.s32 $0x0  }
.LBB2_13:
0x211: {  	s7 =	sshrl.u32 s2, $0x3  }
0x212: {  	s8 =	sand.u32 $0x7, s0;
	s7 =	smul.u32 $0x6000, s7  }
0x213: {  	s8 =	sshll.u32 s8, $0x9  }
0x214: {  	s7 =	sor.u32 s8, s7  }
0x215: {  	s7 =	sshra.s32 s7, $0x2  }
0x216: {  	s14 =	sadd.s32 $0x5440, s7  }
0x217: {  	v0 =	vld [tilespmem:s14+$0xFFFFFFC0]  }
0x218: {  	v1 =	vld [tilespmem:s14+$0xFFFFFFD0]  }
0x219: {  	v2 =	vld [tilespmem:s14+$0xFFFFFFE0]  }
0x21a: {  	v3 =	vld [tilespmem:s14+$0xFFFFFFF0]  }
0x21b: {  	v4 =	vld [tilespmem:s14+$0x0]  }
0x21c: {  	v5 =	vld [tilespmem:s14+$0x10]  }
0x21d: {  	v6 =	vld [tilespmem:s14+$0x20]  }
0x21e: {  	v7 =	vld [tilespmem:s14+$0x30]  }
0x21f: {  	v44 =	vmul.f32 v0, v27  }
0x220: {  	v43 =	vmul.f32 v1, v27;
	v42 =	vmul.f32 v2, v27  }
0x221: {  	v41 =	vmul.f32 v3, v27;
	v40 =	vmul.f32 v4, v27  }
0x222: {  	v39 =	vmul.f32 v5, v27;
	v38 =	vmul.f32 v6, v27  }
0x223: {  	v45 =	vmul.f32 v7, v27;
	vm0 =	vlt.f32 v29, v44;
	vm1 =	vlt.f32 v29, v43  }
0x224: {  	vm2 =	vlt.f32 v29, v42;
	vm3 =	vlt.f32 v29, v41;
	vm4 =	vlt.f32 v29, v40  }
0x225: {  	vm5 =	vlt.f32 v29, v39;
	vm6 =	vlt.f32 v29, v38;
	vm7 =	vlt.f32 v29, v45  }
0x226: {  	v59 =	vsel vm0, $0xB, v18;
	v60 =	vsel vm1, $0xB, v18;
	v61 =	vsel vm2, $0xB, v18  }
0x227: {  	s8 =	sadd.s32 $0x400, s14;
	v62 =	vsel vm3, $0xB, v18;
	v63 =	vsel vm4, $0xB, v18;
	v34 =	vperm.xlane v28, v59  }
0x228: {  	v32 =	vld [tilespmem:s8+$0xFFFFFFE0];
	v33 =	vsel vm5, $0xB, v18;
	v35 =	vperm.xlane v28, v60;
	v9 =	vperm.xlane v28, v61  }
0x229: {  	v8 =	vsel vm6, $0xB, v18;
	v10 =	vperm.xlane v28, v62;
	v12 =	vperm.xlane v28, v63  }
0x22a: {  	v11 =	vsel vm7, $0xB, v18;
	v17 =	vperm.xlane v28, v33;
	v30 =	vperm.xlane v28, v8  }
0x22b: {  	v31 =	vperm.xlane v28, v11;
	vm0 =	vlt.f32 v34, v44;
	vm1 =	vlt.f32 v35, v43  }
0x22c: {  	vm2 =	vlt.f32 v9, v42;
	vm3 =	vlt.f32 v10, v41;
	vm4 =	vlt.f32 v12, v40  }
0x22d: {  	vm5 =	vlt.f32 v17, v39;
	vm6 =	vlt.f32 v30, v38;
	v34 =	vmul.f32 v32, v27  }
0x22e: {  	v6 =	vsel vm0, $0x2, v19;
	vm0 =	vlt.f32 v31, v45;
	v7 =	vsel vm1, $0x2, v19  }
0x22f: {  	v9 =	vsel vm2, $0x2, v19;
	v10 =	vsel vm3, $0x2, v19;
	v12 =	vsel vm4, $0x2, v19  }
0x230: {  	v17 =	vsel vm5, $0x2, v19;
	v30 =	vsel vm6, $0x2, v19;
	v0 =	vadd.s32 v59, v6  }
0x231: {  	v57 =	vld [tilespmem:s8+$0xFFFFFFC0];
	v1 =	vadd.s32 v60, v7;
	v36 =	vsel vm0, $0x2, v19;
	v2 =	vadd.s32 v61, v9  }
0x232: {  	v3 =	vadd.s32 v62, v10;
	v4 =	vadd.s32 v63, v12;
	v37 =	vperm.xlane v28, v0  }
0x233: {  	v5 =	vadd.s32 v33, v17;
	v46 =	vperm.xlane v28, v1;
	v47 =	vperm.xlane v28, v2  }
0x234: {  	v8 =	vadd.s32 v8, v30;
	v12 =	vperm.xlane v28, v3;
	v48 =	vperm.xlane v28, v4  }
0x235: {  	v6 =	vadd.s32 v11, v36;
	v17 =	vperm.xlane v28, v5;
	v30 =	vperm.xlane v28, v8  }
0x236: {  	v36 =	vmul.f32 v57, v27;
	v31 =	vperm.xlane v28, v6  }
0x237: {  	vm0 =	vlt.f32 v37, v44;
	vm1 =	vlt.f32 v46, v43;
	vm2 =	vlt.f32 v47, v42  }
0x238: {  	vm3 =	vlt.f32 v12, v41;
	vm4 =	vlt.f32 v48, v40;
	vm5 =	vlt.f32 v17, v39  }
0x239: {  	v7 =	vsel vm0, $0x1, v20;
	vm0 =	vlt.f32 v30, v38;
	vm6 =	vlt.f32 v31, v45  }
0x23a: {  	v9 =	vsel vm1, $0x1, v20;
	v10 =	vsel vm2, $0x1, v20;
	v49 =	vsel vm3, $0x1, v20  }
0x23b: {  	v12 =	vsel vm4, $0x1, v20;
	v17 =	vsel vm5, $0x1, v20;
	v30 =	vsel vm0, $0x1, v20  }
0x23c: {  	v0 =	vadd.s32 v0, v7;
	v1 =	vadd.s32 v1, v9;
	v2 =	vadd.s32 v2, v10  }
0x23d: {  	v3 =	vadd.s32 v3, v49;
	v4 =	vadd.s32 v4, v12;
	v50 =	vsel vm6, $0x1, v20  }
0x23e: {  	v5 =	vadd.s32 v5, v17;
	v51 =	vperm.xlane v28, v0;
	v52 =	vperm.xlane v28, v1  }
0x23f: {  	v8 =	vadd.s32 v8, v30;
	v53 =	vperm.xlane v28, v2;
	v12 =	vperm.xlane v28, v3  }
0x240: {  	v6 =	vadd.s32 v6, v50;
	v54 =	vperm.xlane v28, v4;
	v17 =	vperm.xlane v28, v5  }
0x241: {  	v30 =	vperm.xlane v28, v8;
	v31 =	vperm.xlane v28, v6;
	vm0 =	vlt.f32 v51, v44  }
0x242: {  	vm1 =	vlt.f32 v52, v43;
	vm2 =	vlt.f32 v53, v42;
	vm3 =	vlt.f32 v12, v41  }
0x243: {  	vm4 =	vlt.f32 v54, v40;
	vm5 =	vlt.f32 v17, v39;
	vm6 =	vlt.f32 v30, v38  }
0x244: {  	v55 =	vsel vm0, $0x1, v21;
	v56 =	vsel vm1, $0x1, v21;
	vm0 =	vlt.f32 v31, v45  }
0x245: {  	v11 =	vsel vm2, $0x1, v21;
	v12 =	vsel vm3, $0x1, v21;
	v17 =	vsel vm4, $0x1, v21  }
0x246: {  	v58 =	vsel vm5, $0x1, v21;
	v0 =	vor.u32 v55, v0;
	v31 =	vsel vm6, $0x1, v21  }
0x247: {  	v33 =	vld [tilespmem:s8+$0xFFFFFFF0];
	v1 =	vor.u32 v56, v1;
	v59 =	vsel vm0, $0x1, v21;
	v0 =	vshll.u32 v0, $0x8  }
0x248: {  	v60 =	vld [tilespmem:s8+$0x0];
	v2 =	vor.u32 v11, v2;
	v1 =	vshll.u32 v1, $0x8;
	v0 =	vor.u32 v22, v0  }
0x249: {  	v61 =	vld [tilespmem:s8+$0x30];
	v3 =	vor.u32 v12, v3;
	v2 =	vshll.u32 v2, $0x8;
	v1 =	vor.u32 v22, v1  }
0x24a: {  	v30 =	vld [tilespmem:s8+$0xFFFFFFD0];
	v4 =	vor.u32 v17, v4;
	v3 =	vshll.u32 v3, $0x8;
	v2 =	vor.u32 v22, v2  }
0x24b: {  	v12 =	vld [tilespmem:s8+$0x10];
	v5 =	vor.u32 v58, v5;
	v4 =	vshll.u32 v4, $0x8;
	v3 =	vor.u32 v22, v3  }
0x24c: {  	v17 =	vld [tilespmem:s8+$0x20];
	v5 =	vshll.u32 v5, $0x8;
	v8 =	vor.u32 v31, v8;
	v4 =	vor.u32 v22, v4  }
0x24d: {  	v6 =	vor.u32 v59, v6;
	v5 =	vor.u32 v22, v5;
	v8 =	vshll.u32 v8, $0x8;
	v62 =	vld.idx.msk [tilespmem:v0+s20+$0x0], $0xffff  }
0x24e: {  	v32 =	vmul.f32 v33, v27;
	v6 =	vshll.u32 v6, $0x8;
	v8 =	vor.u32 v22, v8;
	v63 =	vld.idx.msk [tilespmem:v1+s20+$0x0], $0xffff  }
0x24f: {  	v33 =	vmul.f32 v60, v27;
	v37 =	vmul.f32 v61, v27;
	v6 =	vor.u32 v22, v6;
	v49 =	vld.idx.msk [tilespmem:v2+s20+$0x0], $0xffff  }
0x250: {  	vm1 =	vlt.f32 v29, v36;
	vm3 =	vlt.f32 v29, v34;
	vm4 =	vlt.f32 v29, v32;
	v57 =	vld.idx.msk [tilespmem:v3+s20+$0x0], $0xffff  }
0x251: {  	vm5 =	vlt.f32 v29, v33;
	vm0 =	vlt.f32 v29, v37;
	v50 =	vsel vm1, $0xB, v18;
	v58 =	vld.idx.msk [tilespmem:v4+s20+$0x0], $0xffff  }
0x252: {  	v53 =	vsel vm3, $0xB, v18;
	v35 =	vmul.f32 v30, v27;
	v30 =	vmul.f32 v12, v27;
	v12 =	vld.idx.msk [tilespmem:v5+s20+$0x0], $0xffff  }
0x253: {  	v54 =	vsel vm4, $0xB, v18;
	v48 =	vsel vm5, $0xB, v18;
	v31 =	vmul.f32 v17, v27;
	v17 =	vld.idx.msk [tilespmem:v8+s20+$0x0], $0xffff  }
0x254: {  	v55 =	vperm.xlane v28, v50;
	vm2 =	vlt.f32 v29, v35;
	vm6 =	vlt.f32 v29, v30;
	v51 =	vld.idx.msk [tilespmem:v6+s20+$0x0], $0xffff  }
0x255: {  	vm7 =	vlt.f32 v29, v31;
	v52 =	vsel vm2, $0xB, v18;
	v47 =	vsel vm6, $0xB, v18  }
0x256: {  	v46 =	vsel vm7, $0xB, v18;
	vm1 =	vlt.f32 v62, v44;
	vm2 =	vlt.f32 v63, v43  }
0x257: {  	vm3 =	vlt.f32 v49, v42;
	vm4 =	vlt.f32 v57, v41;
	vm5 =	vlt.f32 v58, v40  }
0x258: {  	vm6 =	vlt.f32 v12, v39;
	vm7 =	vlt.f32 v17, v38;
	v59 =	vsel vm1, $0x40, v23  }
0x259: {  	v60 =	vsel vm2, $0x40, v23;
	vm1 =	vlt.f32 v51, v45;
	v61 =	vsel vm3, $0x40, v23  }
0x25a: {  	v11 =	vsel vm4, $0x40, v23;
	v12 =	vsel vm5, $0x40, v23;
	v0 =	vadd.s32 v0, v59  }
0x25b: {  	v17 =	vsel vm1, $0x40, v23;
	v1 =	vadd.s32 v1, v60;
	v2 =	vadd.s32 v2, v61  }
0x25c: {  	v3 =	vadd.s32 v3, v11;
	v6 =	vadd.s32 v6, v17;
	v17 =	vand.u32 $0xFFFFFF80, v0  }
0x25d: {  	v4 =	vadd.s32 v4, v12;
	v56 =	vand.u32 $0xFFFFFF80, v1;
	v51 =	vor.u32 v24, v17  }
0x25e: {  	v12 =	vand.u32 $0xFFFFFF80, v3;
	v17 =	vand.u32 $0xFFFFFF80, v6;
	v10 =	vor.u32 v24, v56  }
0x25f: {  	v7 =	vor.u32 v24, v12;
	v12 =	vand.u32 $0xFFFFFF80, v4;
	v17 =	vor.u32 v24, v17  }
0x260: {  	v62 =	vsel vm6, $0x40, v23;
	v57 =	vand.u32 $0xFFFFFF80, v2;
	v12 =	vor.u32 v24, v12  }
0x261: {  	vm5 =	vlt.f32 v55, v36;
	v63 =	vsel vm7, $0x40, v23;
	v11 =	vor.u32 v24, v57  }
0x262: {  	v5 =	vadd.s32 v5, v62;
	v59 =	vperm.xlane v28, v48;
	v8 =	vadd.s32 v8, v63;
	v9 =	vld.idx.msk [tilespmem:v51+s20+$0x0], $0xffff  }
0x263: {  	v60 =	vsel vm0, $0xB, v18;
	v61 =	vperm.xlane v28, v47;
	v56 =	vand.u32 $0xFFFFFF80, v8;
	v10 =	vld.idx.msk [tilespmem:v10+s20+$0x0], $0xffff  }
0x264: {  	v62 =	vperm.xlane v28, v46;
	v58 =	vand.u32 $0xFFFFFF80, v5;
	v56 =	vor.u32 v24, v56;
	v17 =	vld.idx.msk [tilespmem:v17+s20+$0x0], $0xffff  }
0x265: {  	v49 =	vor.u32 v24, v58;
	v57 =	vperm.xlane v28, v53;
	v58 =	vperm.xlane v28, v54;
	v12 =	vld.idx.msk [tilespmem:v12+s20+$0x0], $0xffff  }
0x266: {  	v63 =	vperm.xlane v28, v60;
	vm3 =	vlt.f32 v59, v33;
	v51 =	vperm.xlane v28, v52;
	v11 =	vld.idx.msk [tilespmem:v11+s20+$0x0], $0xffff  }
0x267: {  	vm4 =	vlt.f32 v61, v30;
	vm1 =	vlt.f32 v57, v34;
	vm2 =	vlt.f32 v58, v32  }
0x268: {  	v7 =	vld.idx.msk [tilespmem:v7+s20+$0x0], $0xffff;
	vm0 =	vlt.f32 v51, v35;
	vm6 =	vlt.f32 v9, v44;
	vm7 =	vlt.f32 v10, v43  }
0x269: {  	v55 =	vld.idx.msk [tilespmem:v56+s20+$0x0], $0xffff;
	v61 =	vsel vm6, $0x20, v25;
	vm6 =	vlt.f32 v17, v45;
	v56 =	vsel vm7, $0x20, v25  }
0x26a: {  	v59 =	vld.idx.msk [tilespmem:v49+s20+$0x0], $0xffff;
	vm7 =	vlt.f32 v12, v40;
	v12 =	vsel vm0, $0x2, v19;
	v0 =	vadd.s32 v0, v61  }
0x26b: {  	v17 =	vsel vm6, $0x20, v25;
	vm6 =	vlt.f32 v11, v42;
	v1 =	vadd.s32 v1, v56  }
0x26c: {  	v57 =	vsel vm7, $0x20, v25;
	vm7 =	vlt.f32 v62, v31;
	v61 =	vsel vm5, $0x2, v19  }
0x26d: {  	v6 =	vadd.s32 v6, v17;
	v11 =	vsel vm6, $0x20, v25;
	vm6 =	vlt.f32 v7, v41  }
0x26e: {  	vm5 =	vlt.f32 v63, v37;
	v2 =	vadd.s32 v2, v11;
	v7 =	vsel vm6, $0x20, v25  }
0x26f: {  	v63 =	vsel vm2, $0x2, v19;
	vm6 =	vlt.f32 v59, v39;
	v3 =	vadd.s32 v3, v7  }
0x270: {  	v4 =	vadd.s32 v4, v57;
	v58 =	vsel vm6, $0x20, v25;
	vm6 =	vlt.f32 v55, v38;
	v9 =	vld.idx.msk [tilespmem:v0+s20+$0x0], $0xffff  }
0x271: {  	v56 =	vsel vm4, $0x2, v19;
	v5 =	vadd.s32 v5, v58;
	v59 =	vsel vm6, $0x20, v25;
	v62 =	vld.idx.msk [tilespmem:v1+s20+$0x0], $0xffff  }
0x272: {  	v12 =	vadd.s32 v52, v12;
	v17 =	vsel vm1, $0x2, v19;
	v7 =	vadd.s32 v8, v59;
	v10 =	vld.idx.msk [tilespmem:v6+s20+$0x0], $0xffff  }
0x273: {  	v57 =	vsel vm7, $0x2, v19;
	v47 =	vadd.s32 v47, v56;
	v11 =	vadd.s32 v50, v61;
	v51 =	vld.idx.msk [tilespmem:v2+s20+$0x0], $0xffff  }
0x274: {  	v50 =	vsel vm5, $0x2, v19;
	v17 =	vadd.s32 v53, v17;
	v55 =	vsel vm3, $0x2, v19;
	v58 =	vld.idx.msk [tilespmem:v3+s20+$0x0], $0xffff  }
0x275: {  	v46 =	vadd.s32 v46, v57;
	v48 =	vadd.s32 v48, v55;
	v52 =	vld.idx.msk [tilespmem:v4+s20+$0x0], $0xffff;
	vm0 =	vlt.f32 v9, v44  }
0x276: {  	v49 =	vld.idx.msk [tilespmem:v5+s20+$0x0], $0xffff;
	v9 =	vadd.s32 v54, v63;
	vm1 =	vlt.f32 v62, v43;
	v59 =	vsel vm0, $0x10, v26  }
0x277: {  	v61 =	vld.idx.msk [tilespmem:v7+s20+$0x0], $0xffff;
	vm0 =	vlt.f32 v10, v45;
	v63 =	vsel vm1, $0x10, v26;
	v0 =	vadd.s32 v0, v59  }
0x278: {  	v62 =	vsel vm0, $0x10, v26;
	vm0 =	vlt.f32 v51, v42;
	v1 =	vadd.s32 v1, v63  }
0x279: {  	v6 =	vadd.s32 v6, v62;
	v53 =	vsel vm0, $0x10, v26;
	vm0 =	vlt.f32 v58, v41  }
0x27a: {  	v2 =	vadd.s32 v2, v53;
	v54 =	vsel vm0, $0x10, v26;
	vm0 =	vlt.f32 v52, v40  }
0x27b: {  	v3 =	vadd.s32 v3, v54;
	v58 =	vsel vm0, $0x10, v26;
	vm0 =	vlt.f32 v49, v39  }
0x27c: {  	v4 =	vadd.s32 v4, v58;
	v59 =	vsel vm0, $0x10, v26;
	vm0 =	vlt.f32 v61, v38;
	v10 =	vld.idx.msk [tilespmem:v0+s20+$0x0], $0xffff  }
0x27d: {  	v56 =	vperm.xlane v28, v48;
	v5 =	vadd.s32 v5, v59;
	v61 =	vsel vm0, $0x10, v26;
	v8 =	vld.idx.msk [tilespmem:v1+s20+$0x0], $0xffff  }
0x27e: {  	v50 =	vadd.s32 v60, v50;
	v55 =	vperm.xlane v28, v9;
	v49 =	vld.idx.msk [tilespmem:v6+s20+$0x0], $0xffff;
	v7 =	vadd.s32 v7, v61  }
0x27f: {  	vm4 =	vlt.f32 v56, v33;
	v51 =	vperm.xlane v28, v11;
	v53 =	vperm.xlane v28, v17;
	v54 =	vld.idx.msk [tilespmem:v2+s20+$0x0], $0xffff  }
0x280: {  	vm3 =	vlt.f32 v55, v32;
	v52 =	vperm.xlane v28, v12;
	v58 =	vperm.xlane v28, v47;
	v57 =	vld.idx.msk [tilespmem:v3+s20+$0x0], $0xffff  }
0x281: {  	vm2 =	vlt.f32 v53, v34;
	v59 =	vperm.xlane v28, v46;
	v60 =	vld.idx.msk [tilespmem:v4+s20+$0x0], $0xffff;
	vm0 =	vlt.f32 v10, v44  }
0x282: {  	v10 =	vperm.xlane v28, v50;
	v44 =	vld.idx.msk [tilespmem:v5+s20+$0x0], $0xffff;
	vm1 =	vlt.f32 v8, v43;
	v61 =	vsel vm0, $0x10, v21  }
0x283: {  	vm0 =	vlt.f32 v49, v45;
	v62 =	vld.idx.msk [tilespmem:v7+s20+$0x0], $0xffff;
	v43 =	vsel vm1, $0x10, v21;
	v0 =	vor.u32 v0, v61  }
0x284: {  	v63 =	vsel vm0, $0x10, v21;
	vm0 =	vlt.f32 v54, v42;
	v1 =	vor.u32 v1, v43  }
0x285: {  	v6 =	vor.u32 v6, v63;
	v49 =	vsel vm0, $0x10, v21;
	vm0 =	vlt.f32 v57, v41  }
0x286: {  	v41 =	vsel vm0, $0x10, v21;
	vm0 =	vlt.f32 v60, v40;
	v2 =	vor.u32 v2, v49  }
0x287: {  	v54 =	vsel vm0, $0x10, v21;
	vm0 =	vlt.f32 v44, v39;
	v3 =	vor.u32 v3, v41  }
0x288: {  	v39 =	vsel vm0, $0x10, v21;
	vm0 =	vlt.f32 v62, v38;
	v4 =	vor.u32 v4, v54;
	v0 =	vld.idx.msk [tilespmem:v0+s21+$0x0], $0xffff  }
0x289: {  	vm5 =	vlt.f32 v58, v30;
	v57 =	vsel vm0, $0x10, v21;
	v5 =	vor.u32 v5, v39;
	v1 =	vld.idx.msk [tilespmem:v1+s21+$0x0], $0xffff  }
0x28a: {  	v53 =	vsel vm5, $0x1, v20;
	vm6 =	vlt.f32 v10, v37;
	v6 =	vld.idx.msk [tilespmem:v6+s21+$0x0], $0xffff;
	v7 =	vor.u32 v7, v57  }
0x28b: {  	vm1 =	vlt.f32 v51, v36;
	v63 =	vsel vm3, $0x1, v20;
	v55 =	vsel vm6, $0x1, v20;
	v2 =	vld.idx.msk [tilespmem:v2+s21+$0x0], $0xffff  }
0x28c: {  	v60 =	vsel vm1, $0x1, v20;
	vm1 =	vlt.f32 v59, v31;
	v42 =	vadd.s32 v9, v63;
	v3 =	vld.idx.msk [tilespmem:v3+s21+$0x0], $0xffff  }
0x28d: {  	v45 =	vadd.s32 v11, v60;
	v59 =	vperm.xlane v28, v42;
	v41 =	vadd.s32 v50, v55;
	v4 =	vld.idx.msk [tilespmem:v4+s21+$0x0], $0xffff  }
0x28e: {  	s13 =	sadd.s32 $0xB440, s7;
	v62 =	vsel vm2, $0x1, v20;
	v54 =	vsel vm1, $0x1, v20;
	v56 =	vperm.xlane v28, v45;
	v5 =	vld.idx.msk [tilespmem:v5+s21+$0x0], $0xffff  }
0x28f: {  	v63 =	vperm.xlane v28, v41;
	vm0 =	vlt.f32 v52, v35;
	v52 =	vsel vm4, $0x1, v20;
	v7 =	vld.idx.msk [tilespmem:v7+s21+$0x0], $0xffff;
	[tilespmem:s13+$0x30] =	vst v6  }
0x290: {  	v43 =	vadd.s32 v17, v62;
	v39 =	vadd.s32 v47, v53;
	v40 =	vadd.s32 v46, v54;
	[tilespmem:s13+$0xFFFFFFC0] =	vst v0  }
0x291: {  	vm3 =	vlt.f32 v59, v32;
	v61 =	vsel vm0, $0x1, v20;
	v38 =	vadd.s32 v48, v52;
	[tilespmem:s13+$0xFFFFFFD0] =	vst v1  }
0x292: {  	v58 =	vperm.xlane v28, v43;
	v62 =	vperm.xlane v28, v40;
	v44 =	vadd.s32 v12, v61;
	[tilespmem:s13+$0xFFFFFFE0] =	vst v2  }
0x293: {  	vm4 =	vlt.f32 v56, v36;
	v60 =	vperm.xlane v28, v38;
	v57 =	vperm.xlane v28, v44;
	[tilespmem:s13+$0xFFFFFFF0] =	vst v3  }
0x294: {  	v61 =	vperm.xlane v28, v39;
	v47 =	vsel vm4, $0x1, v21;
	vm4 =	vlt.f32 v63, v37;
	[tilespmem:s13+$0x0] =	vst v4  }
0x295: {  	vm2 =	vlt.f32 v58, v34;
	vm1 =	vlt.f32 v62, v31;
	vm6 =	vlt.f32 v57, v35;
	[tilespmem:s13+$0x10] =	vst v5  }
0x296: {  	s14 =	simm.s32 $0x80;
	s7 =	sadd.s32 $0x400, s8;
	vm5 =	vlt.f32 v60, v33;
	vm0 =	vlt.f32 v61, v30;
	v46 =	vsel vm6, $0x1, v21;
	[tilespmem:s13+$0x20] =	vst v7  }
.LBB2_14:
0x297: {  	v0 =	vld [tilespmem:s7+$0xFFFFFFC0];
	v1 =	vsel vm2, $0x1, v21;
	v2 =	vsel vm3, $0x1, v21;
	v3 =	vsel vm5, $0x1, v21  }
0x298: {  	v5 =	vor.u32 v47, v45;
	v6 =	vsel vm0, $0x1, v21;
	v7 =	vsel vm1, $0x1, v21;
	v4 =	vld [tilespmem:s7+$0xFFFFFFD0]  }
0x299: {  	v9 =	vor.u32 v46, v44;
	v10 =	vsel vm4, $0x1, v21;
	v5 =	vshll.u32 v5, $0x8;
	v8 =	vld [tilespmem:s7+$0xFFFFFFE0]  }
0x29a: {  	v9 =	vshll.u32 v9, $0x8;
	v1 =	vor.u32 v1, v43;
	v5 =	vor.u32 v22, v5;
	v11 =	vld [tilespmem:s7+$0xFFFFFFF0]  }
0x29b: {  	v2 =	vor.u32 v2, v42;
	v9 =	vor.u32 v22, v9;
	v1 =	vshll.u32 v1, $0x8;
	v12 =	vld [tilespmem:s7+$0x0]  }
0x29c: {  	v3 =	vor.u32 v3, v38;
	v2 =	vshll.u32 v2, $0x8;
	v1 =	vor.u32 v22, v1;
	v17 =	vld [tilespmem:s7+$0x10]  }
0x29d: {  	v6 =	vor.u32 v6, v39;
	v3 =	vshll.u32 v3, $0x8;
	v2 =	vor.u32 v22, v2;
	v38 =	vld [tilespmem:s7+$0x20]  }
0x29e: {  	v7 =	vor.u32 v7, v40;
	v6 =	vshll.u32 v6, $0x8;
	v3 =	vor.u32 v22, v3;
	v45 =	vld [tilespmem:s7+$0x30]  }
0x29f: {  	v10 =	vor.u32 v10, v41;
	v7 =	vshll.u32 v7, $0x8;
	v6 =	vor.u32 v22, v6;
	v53 =	vld.idx.msk [tilespmem:v5+s20+$0x0], $0xffff  }
0x2a0: {  	v43 =	vmul.f32 v0, v27;
	v0 =	vor.u32 v22, v7;
	v7 =	vshll.u32 v10, $0x8;
	v10 =	vld.idx.msk [tilespmem:v9+s20+$0x0], $0xffff  }
0x2a1: {  	v44 =	vmul.f32 v4, v27;
	v4 =	vor.u32 v22, v7;
	v42 =	vmul.f32 v8, v27;
	v7 =	vld.idx.msk [tilespmem:v1+s20+$0x0], $0xffff  }
0x2a2: {  	v41 =	vmul.f32 v11, v27;
	v40 =	vmul.f32 v12, v27;
	v8 =	vld.idx.msk [tilespmem:v2+s20+$0x0], $0xffff  }
0x2a3: {  	v39 =	vmul.f32 v17, v27;
	v38 =	vmul.f32 v38, v27;
	v11 =	vld.idx.msk [tilespmem:v3+s20+$0x0], $0xffff  }
0x2a4: {  	vm1 =	vlt.f32 v29, v43;
	vm2 =	vlt.f32 v29, v44;
	v45 =	vmul.f32 v45, v27;
	v12 =	vld.idx.msk [tilespmem:v6+s20+$0x0], $0xffff  }
0x2a5: {  	vm3 =	vlt.f32 v29, v42;
	vm4 =	vlt.f32 v29, v41;
	vm5 =	vlt.f32 v29, v40;
	v17 =	vld.idx.msk [tilespmem:v0+s20+$0x0], $0xffff  }
0x2a6: {  	vm6 =	vlt.f32 v29, v39;
	vm7 =	vlt.f32 v29, v38;
	vm0 =	vlt.f32 v29, v45;
	v54 =	vld.idx.msk [tilespmem:v4+s20+$0x0], $0xffff  }
0x2a7: {  	v51 =	vsel vm1, $0xB, v18;
	v52 =	vsel vm2, $0xB, v18;
	v49 =	vsel vm3, $0xB, v18  }
0x2a8: {  	v50 =	vsel vm4, $0xB, v18;
	v48 =	vsel vm5, $0xB, v18;
	v47 =	vsel vm6, $0xB, v18  }
0x2a9: {  	v55 =	vperm.xlane v28, v51;
	vm1 =	vlt.f32 v53, v36;
	v46 =	vsel vm7, $0xB, v18  }
0x2aa: {  	vm2 =	vlt.f32 v10, v35;
	vm3 =	vlt.f32 v7, v34;
	vm4 =	vlt.f32 v8, v32  }
0x2ab: {  	vm5 =	vlt.f32 v11, v33;
	vm6 =	vlt.f32 v12, v30;
	vm7 =	vlt.f32 v17, v31  }
0x2ac: {  	v7 =	vsel vm1, $0x40, v23;
	v8 =	vsel vm2, $0x40, v23;
	vm1 =	vlt.f32 v54, v37  }
0x2ad: {  	v10 =	vsel vm3, $0x40, v23;
	v11 =	vsel vm4, $0x40, v23;
	v12 =	vsel vm5, $0x40, v23  }
0x2ae: {  	v5 =	vadd.s32 v5, v7;
	v7 =	vsel vm6, $0x40, v23;
	v17 =	vsel vm1, $0x40, v23  }
0x2af: {  	v53 =	vsel vm7, $0x40, v23;
	v4 =	vadd.s32 v4, v17;
	v17 =	vand.u32 $0xFFFFFF80, v5  }
0x2b0: {  	v8 =	vadd.s32 v9, v8;
	v9 =	vor.u32 v24, v17;
	v17 =	vand.u32 $0xFFFFFF80, v4  }
0x2b1: {  	v1 =	vadd.s32 v1, v10;
	v10 =	vand.u32 $0xFFFFFF80, v8;
	v17 =	vor.u32 v24, v17  }
0x2b2: {  	v2 =	vadd.s32 v2, v11;
	v11 =	vand.u32 $0xFFFFFF80, v1;
	v10 =	vor.u32 v24, v10  }
0x2b3: {  	v3 =	vadd.s32 v3, v12;
	v11 =	vor.u32 v24, v11;
	v12 =	vand.u32 $0xFFFFFF80, v2  }
0x2b4: {  	v6 =	vadd.s32 v6, v7;
	v7 =	vor.u32 v24, v12;
	v12 =	vand.u32 $0xFFFFFF80, v3  }
0x2b5: {  	v0 =	vadd.s32 v0, v53;
	v12 =	vor.u32 v24, v12;
	v53 =	vand.u32 $0xFFFFFF80, v6;
	v9 =	vld.idx.msk [tilespmem:v9+s20+$0x0], $0xffff  }
0x2b6: {  	v54 =	vperm.xlane v28, v52;
	v53 =	vor.u32 v24, v53;
	v56 =	vand.u32 $0xFFFFFF80, v0;
	v17 =	vld.idx.msk [tilespmem:v17+s20+$0x0], $0xffff  }
0x2b7: {  	v57 =	vperm.xlane v28, v49;
	v58 =	vperm.xlane v28, v50;
	v56 =	vor.u32 v24, v56;
	v10 =	vld.idx.msk [tilespmem:v10+s20+$0x0], $0xffff  }
0x2b8: {  	v60 =	vperm.xlane v28, v48;
	v61 =	vperm.xlane v28, v47;
	v59 =	vsel vm0, $0xB, v18;
	v11 =	vld.idx.msk [tilespmem:v11+s20+$0x0], $0xffff  }
0x2b9: {  	v62 =	vperm.xlane v28, v46;
	v63 =	vperm.xlane v28, v59;
	v7 =	vld.idx.msk [tilespmem:v7+s20+$0x0], $0xffff  }
0x2ba: {  	vm5 =	vlt.f32 v55, v43;
	vm1 =	vlt.f32 v57, v42;
	vm0 =	vlt.f32 v54, v44;
	v12 =	vld.idx.msk [tilespmem:v12+s20+$0x0], $0xffff  }
0x2bb: {  	vm3 =	vlt.f32 v58, v41;
	vm2 =	vlt.f32 v60, v40;
	vm6 =	vlt.f32 v9, v36;
	v53 =	vld.idx.msk [tilespmem:v53+s20+$0x0], $0xffff  }
0x2bc: {  	vm4 =	vlt.f32 v61, v39;
	v54 =	vsel vm6, $0x20, v25;
	vm6 =	vlt.f32 v17, v37;
	v9 =	vld.idx.msk [tilespmem:v56+s20+$0x0], $0xffff  }
0x2bd: {  	v5 =	vadd.s32 v5, v54;
	vm7 =	vlt.f32 v10, v35;
	v10 =	vsel vm6, $0x20, v25  }
0x2be: {  	v17 =	vsel vm7, $0x20, v25;
	vm6 =	vlt.f32 v11, v34;
	v4 =	vadd.s32 v4, v10  }
0x2bf: {  	v8 =	vadd.s32 v8, v17;
	v10 =	vsel vm6, $0x20, v25;
	vm6 =	vlt.f32 v7, v32  }
0x2c0: {  	v1 =	vadd.s32 v1, v10;
	v7 =	vsel vm6, $0x20, v25;
	vm6 =	vlt.f32 v12, v33  }
0x2c1: {  	v2 =	vadd.s32 v2, v7;
	v7 =	vsel vm6, $0x20, v25;
	vm6 =	vlt.f32 v53, v30  }
0x2c2: {  	v3 =	vadd.s32 v3, v7;
	v7 =	vsel vm6, $0x20, v25;
	vm6 =	vlt.f32 v9, v31;
	v9 =	vld.idx.msk [tilespmem:v5+s20+$0x0], $0xffff  }
0x2c3: {  	vm7 =	vlt.f32 v62, v38;
	v6 =	vadd.s32 v6, v7;
	v7 =	vsel vm6, $0x20, v25;
	v10 =	vld.idx.msk [tilespmem:v4+s20+$0x0], $0xffff  }
0x2c4: {  	v11 =	vsel vm5, $0x2, v19;
	vm5 =	vlt.f32 v63, v45;
	v0 =	vadd.s32 v0, v7;
	v7 =	vld.idx.msk [tilespmem:v8+s20+$0x0], $0xffff  }
0x2c5: {  	v54 =	vsel vm3, $0x2, v19;
	v17 =	vsel vm1, $0x2, v19;
	v12 =	vsel vm0, $0x2, v19;
	v55 =	vld.idx.msk [tilespmem:v1+s20+$0x0], $0xffff  }
0x2c6: {  	v57 =	vsel vm4, $0x2, v19;
	v56 =	vsel vm2, $0x2, v19;
	v58 =	vsel vm7, $0x2, v19;
	v60 =	vld.idx.msk [tilespmem:v2+s20+$0x0], $0xffff  }
0x2c7: {  	v51 =	vadd.s32 v51, v11;
	v11 =	vsel vm5, $0x2, v19;
	v52 =	vadd.s32 v52, v12;
	v12 =	vld.idx.msk [tilespmem:v3+s20+$0x0], $0xffff  }
0x2c8: {  	v53 =	vadd.s32 v49, v17;
	v49 =	vadd.s32 v50, v54;
	vm0 =	vlt.f32 v9, v36;
	v17 =	vld.idx.msk [tilespmem:v6+s20+$0x0], $0xffff  }
0x2c9: {  	v48 =	vadd.s32 v48, v56;
	v50 =	vsel vm0, $0x10, v26;
	vm0 =	vlt.f32 v10, v37;
	v9 =	vld.idx.msk [tilespmem:v0+s20+$0x0], $0xffff  }
0x2ca: {  	v5 =	vadd.s32 v5, v50;
	vm1 =	vlt.f32 v7, v35;
	v7 =	vsel vm0, $0x10, v26  }
0x2cb: {  	v10 =	vsel vm1, $0x10, v26;
	vm0 =	vlt.f32 v55, v34;
	v4 =	vadd.s32 v4, v7  }
0x2cc: {  	v7 =	vadd.s32 v8, v10;
	v8 =	vsel vm0, $0x10, v26;
	vm0 =	vlt.f32 v60, v32  }
0x2cd: {  	v1 =	vadd.s32 v1, v8;
	v8 =	vsel vm0, $0x10, v26;
	vm0 =	vlt.f32 v12, v33  }
0x2ce: {  	v2 =	vadd.s32 v2, v8;
	v8 =	vsel vm0, $0x10, v26;
	vm0 =	vlt.f32 v17, v30  }
0x2cf: {  	v3 =	vadd.s32 v3, v8;
	v8 =	vsel vm0, $0x10, v26;
	vm0 =	vlt.f32 v9, v31;
	v9 =	vld.idx.msk [tilespmem:v5+s20+$0x0], $0xffff  }
0x2d0: {  	v10 =	vadd.s32 v47, v57;
	v6 =	vadd.s32 v6, v8;
	v8 =	vsel vm0, $0x10, v26;
	v12 =	vld.idx.msk [tilespmem:v4+s20+$0x0], $0xffff  }
0x2d1: {  	v47 =	vperm.xlane v28, v52;
	v17 =	vperm.xlane v28, v51;
	v0 =	vadd.s32 v0, v8;
	v8 =	vld.idx.msk [tilespmem:v7+s20+$0x0], $0xffff  }
0x2d2: {  	v46 =	vadd.s32 v46, v58;
	v54 =	vperm.xlane v28, v49;
	v50 =	vperm.xlane v28, v53;
	v55 =	vld.idx.msk [tilespmem:v1+s20+$0x0], $0xffff  }
0x2d3: {  	v56 =	vperm.xlane v28, v48;
	v11 =	vadd.s32 v59, v11;
	v57 =	vperm.xlane v28, v10;
	v58 =	vld.idx.msk [tilespmem:v2+s20+$0x0], $0xffff  }
0x2d4: {  	v59 =	vperm.xlane v28, v46;
	v60 =	vperm.xlane v28, v11;
	v61 =	vld.idx.msk [tilespmem:v3+s20+$0x0], $0xffff  }
0x2d5: {  	vm2 =	vlt.f32 v17, v43;
	vm0 =	vlt.f32 v47, v44;
	vm3 =	vlt.f32 v9, v36;
	v17 =	vld.idx.msk [tilespmem:v6+s20+$0x0], $0xffff  }
0x2d6: {  	vm1 =	vlt.f32 v50, v42;
	v36 =	vmovc v43;
	v47 =	vsel vm3, $0x10, v21;
	vm3 =	vlt.f32 v12, v37;
	v9 =	vld.idx.msk [tilespmem:v0+s20+$0x0], $0xffff  }
0x2d7: {  	v37 =	vmovc v45;
	vm4 =	vlt.f32 v8, v35;
	v8 =	vsel vm3, $0x10, v21;
	v5 =	vor.u32 v5, v47;
	v35 =	vmovc v44  }
0x2d8: {  	v12 =	vsel vm4, $0x10, v21;
	vm3 =	vlt.f32 v55, v34;
	v4 =	vor.u32 v4, v8;
	v34 =	vmovc v42  }
0x2d9: {  	v8 =	vsel vm3, $0x10, v21;
	vm3 =	vlt.f32 v58, v32;
	v7 =	vor.u32 v7, v12;
	v32 =	vmovc v41  }
0x2da: {  	v12 =	vsel vm3, $0x10, v21;
	vm3 =	vlt.f32 v61, v33;
	v1 =	vor.u32 v1, v8;
	v33 =	vmovc v40  }
0x2db: {  	v8 =	vsel vm3, $0x10, v21;
	vm3 =	vlt.f32 v17, v30;
	v2 =	vor.u32 v2, v12;
	v30 =	vmovc v39  }
0x2dc: {  	v12 =	vsel vm3, $0x10, v21;
	vm3 =	vlt.f32 v9, v31;
	v3 =	vor.u32 v3, v8;
	v31 =	vmovc v38;
	v5 =	vld.idx.msk [tilespmem:v5+s21+$0x0], $0xffff  }
0x2dd: {  	s14 =	sadd.s32 $0x80, s14;
	vm4 =	vlt.f32 v54, v32;
	v8 =	vsel vm3, $0x10, v21;
	v6 =	vor.u32 v6, v12;
	v4 =	vld.idx.msk [tilespmem:v4+s21+$0x0], $0xffff  }
0x2de: {  	p0 =	slt.u32 s14, $0x280;
	vm5 =	vlt.f32 v57, v30;
	vm3 =	vlt.f32 v56, v33;
	v0 =	vor.u32 v0, v8;
	v7 =	vld.idx.msk [tilespmem:v7+s21+$0x0], $0xffff  }
0x2df: {  	vm6 =	vlt.f32 v60, v37;
	v8 =	vsel vm2, $0x1, v20;
	vm2 =	vlt.f32 v59, v31;
	v1 =	vld.idx.msk [tilespmem:v1+s21+$0x0], $0xffff  }
0x2e0: {  	v17 =	vsel vm4, $0x1, v20;
	v9 =	vsel vm0, $0x1, v20;
	v12 =	vsel vm1, $0x1, v20;
	v2 =	vld.idx.msk [tilespmem:v2+s21+$0x0], $0xffff  }
0x2e1: {  	v39 =	vsel vm5, $0x1, v20;
	v38 =	vsel vm3, $0x1, v20;
	v40 =	vsel vm2, $0x1, v20;
	v3 =	vld.idx.msk [tilespmem:v3+s21+$0x0], $0xffff  }
0x2e2: {  	s13 =	sadd.s32 $0x400, s13;
	v44 =	vadd.s32 v52, v9;
	v43 =	vadd.s32 v53, v12;
	v45 =	vadd.s32 v51, v8;
	v6 =	vld.idx.msk [tilespmem:v6+s21+$0x0], $0xffff  }
0x2e3: {  	v42 =	vadd.s32 v49, v17;
	v38 =	vadd.s32 v48, v38;
	v8 =	vsel vm6, $0x1, v20;
	v0 =	vld.idx.msk [tilespmem:v0+s21+$0x0], $0xffff;
	[tilespmem:s13+$0x30] =	vst v4  }
0x2e4: {  	v39 =	vadd.s32 v10, v39;
	v9 =	vperm.xlane v28, v44;
	v4 =	vperm.xlane v28, v45;
	[tilespmem:s13+$0xFFFFFFC0] =	vst v5  }
0x2e5: {  	v10 =	vperm.xlane v28, v42;
	v40 =	vadd.s32 v46, v40;
	v5 =	vperm.xlane v28, v43;
	[tilespmem:s13+$0xFFFFFFD0] =	vst v7  }
.Ltmp8:
0x2e6: {  	v41 =	vadd.s32 v11, v8;
	v8 =	vperm.xlane v28, v39;
	v7 =	vperm.xlane v28, v38;
	[tilespmem:s13+$0xFFFFFFE0] =	vst v1;
	(pc) =	sbr.rel @p0 .LBB2_14-.Ltmp8, $4  }
0x2e7: {  	v11 =	vperm.xlane v28, v41;
	vm4 =	vlt.f32 v4, v36;
	v1 =	vperm.xlane v28, v40;
	[tilespmem:s13+$0xFFFFFFF0] =	vst v2  }
0x2e8: {  	vm6 =	vlt.f32 v9, v35;
	vm3 =	vlt.f32 v10, v32;
	vm2 =	vlt.f32 v5, v34;
	[tilespmem:s13+$0x0] =	vst v3  }
0x2e9: {  	vm0 =	vlt.f32 v8, v30;
	vm5 =	vlt.f32 v7, v33;
	vm1 =	vlt.f32 v1, v31;
	[tilespmem:s13+$0x10] =	vst v6  }
0x2ea: {  	s7 =	sadd.s32 $0x400, s7;
	v46 =	vsel vm6, $0x1, v21;
	v47 =	vsel vm4, $0x1, v21;
	vm4 =	vlt.f32 v11, v37;
	[tilespmem:s13+$0x20] =	vst v0  }
0x2eb: {  	v0 =	vsel vm2, $0x1, v21;
	v1 =	vsel vm3, $0x1, v21;
	v2 =	vsel vm5, $0x1, v21  }
0x2ec: {  	v3 =	vor.u32 v47, v45;
	v4 =	vsel vm0, $0x1, v21;
	v5 =	vsel vm1, $0x1, v21  }
0x2ed: {  	v6 =	vor.u32 v46, v44;
	v7 =	vsel vm4, $0x1, v21;
	v3 =	vshll.u32 v3, $0x8  }
0x2ee: {  	v6 =	vshll.u32 v6, $0x8;
	v0 =	vor.u32 v0, v43;
	v3 =	vor.u32 v22, v3  }
0x2ef: {  	v1 =	vor.u32 v1, v42;
	v6 =	vor.u32 v22, v6;
	v0 =	vshll.u32 v0, $0x8  }
0x2f0: {  	v2 =	vor.u32 v2, v38;
	v1 =	vshll.u32 v1, $0x8;
	v0 =	vor.u32 v22, v0  }
0x2f1: {  	v4 =	vor.u32 v4, v39;
	v2 =	vshll.u32 v2, $0x8;
	v1 =	vor.u32 v22, v1  }
0x2f2: {  	v5 =	vor.u32 v5, v40;
	v4 =	vshll.u32 v4, $0x8;
	v2 =	vor.u32 v22, v2  }
0x2f3: {  	v7 =	vor.u32 v7, v41;
	v5 =	vshll.u32 v5, $0x8;
	v4 =	vor.u32 v22, v4;
	v8 =	vld.idx.msk [tilespmem:v3+s20+$0x0], $0xffff  }
0x2f4: {  	v7 =	vshll.u32 v7, $0x8;
	v5 =	vor.u32 v22, v5;
	v9 =	vld.idx.msk [tilespmem:v6+s20+$0x0], $0xffff  }
0x2f5: {  	v7 =	vor.u32 v22, v7;
	v10 =	vld.idx.msk [tilespmem:v0+s20+$0x0], $0xffff  }
0x2f6: {  	v11 =	vld.idx.msk [tilespmem:v1+s20+$0x0], $0xffff  }
0x2f7: {  	v12 =	vld.idx.msk [tilespmem:v2+s20+$0x0], $0xffff  }
0x2f8: {  	v17 =	vld.idx.msk [tilespmem:v4+s20+$0x0], $0xffff  }
0x2f9: {  	v48 =	vld.idx.msk [tilespmem:v5+s20+$0x0], $0xffff  }
0x2fa: {  	v49 =	vld.idx.msk [tilespmem:v7+s20+$0x0], $0xffff;
	_ =	sdelay $0x1  }
0x2fb: {  	vm9 =	vlt.f32 v8, v36  }
0x2fc: {  	vm10 =	vlt.f32 v9, v35;
	vm11 =	vlt.f32 v10, v34;
	vm12 =	vlt.f32 v11, v32  }
0x2fd: {  	vm13 =	vlt.f32 v12, v33;
	vm14 =	vlt.f32 v17, v30;
	vm6 =	vlt.f32 v48, v31  }
0x2fe: {  	v8 =	vsel vm9, $0x40, v23;
	v9 =	vsel vm10, $0x40, v23;
	vm15 =	vlt.f32 v49, v37  }
0x2ff: {  	v10 =	vsel vm11, $0x40, v23;
	v11 =	vsel vm12, $0x40, v23;
	v12 =	vsel vm13, $0x40, v23  }
0x300: {  	v3 =	vadd.s32 v3, v8;
	v50 =	vsel vm14, $0x40, v23;
	v17 =	vsel vm15, $0x40, v23  }
0x301: {  	v6 =	vadd.s32 v6, v9;
	v7 =	vadd.s32 v7, v17;
	v17 =	vand.u32 $0xFFFFFF80, v3  }
0x302: {  	v0 =	vadd.s32 v0, v10;
	v52 =	vand.u32 $0xFFFFFF80, v6;
	v51 =	vor.u32 v24, v17  }
0x303: {  	v1 =	vadd.s32 v1, v11;
	v17 =	vand.u32 $0xFFFFFF80, v7;
	v10 =	vor.u32 v24, v52  }
0x304: {  	v2 =	vadd.s32 v2, v12;
	v53 =	vand.u32 $0xFFFFFF80, v0;
	v17 =	vor.u32 v24, v17  }
0x305: {  	v4 =	vadd.s32 v4, v50;
	v12 =	vand.u32 $0xFFFFFF80, v1;
	v11 =	vor.u32 v24, v53  }
0x306: {  	v38 =	vsel vm6, $0x40, v23;
	v55 =	vand.u32 $0xFFFFFF80, v4;
	v54 =	vor.u32 v24, v12  }
0x307: {  	v5 =	vadd.s32 v5, v38;
	v12 =	vand.u32 $0xFFFFFF80, v2;
	v38 =	vor.u32 v24, v55;
	v9 =	vld.idx.msk [tilespmem:v51+s20+$0x0], $0xffff  }
0x308: {  	v56 =	vand.u32 $0xFFFFFF80, v5;
	v12 =	vor.u32 v24, v12;
	v10 =	vld.idx.msk [tilespmem:v10+s20+$0x0], $0xffff  }
0x309: {  	v39 =	vor.u32 v24, v56;
	v17 =	vld.idx.msk [tilespmem:v17+s20+$0x0], $0xffff  }
0x30a: {  	v11 =	vld.idx.msk [tilespmem:v11+s20+$0x0], $0xffff  }
0x30b: {  	v8 =	vld.idx.msk [tilespmem:v54+s20+$0x0], $0xffff  }
0x30c: {  	v57 =	vld.idx.msk [tilespmem:v38+s20+$0x0], $0xffff;
	vm4 =	vlt.f32 v9, v36  }
0x30d: {  	v12 =	vld.idx.msk [tilespmem:v12+s20+$0x0], $0xffff;
	vm6 =	vlt.f32 v10, v35;
	v58 =	vsel vm4, $0x20, v25  }
0x30e: {  	vm5 =	vlt.f32 v17, v37;
	v17 =	vld.idx.msk [tilespmem:v39+s20+$0x0], $0xffff;
	v60 =	vsel vm6, $0x20, v25;
	v3 =	vadd.s32 v3, v58  }
0x30f: {  	vm7 =	vlt.f32 v11, v34;
	v59 =	vsel vm5, $0x20, v25;
	v6 =	vadd.s32 v6, v60  }
0x310: {  	vm8 =	vlt.f32 v8, v32;
	v61 =	vsel vm7, $0x20, v25;
	v7 =	vadd.s32 v7, v59  }
0x311: {  	vm10 =	vlt.f32 v57, v30;
	v8 =	vsel vm8, $0x20, v25;
	v0 =	vadd.s32 v0, v61  }
0x312: {  	vm9 =	vlt.f32 v12, v33;
	v63 =	vsel vm10, $0x20, v25;
	v1 =	vadd.s32 v1, v8  }
0x313: {  	v62 =	vsel vm9, $0x20, v25;
	v4 =	vadd.s32 v4, v63;
	vm11 =	vlt.f32 v17, v31;
	v38 =	vld.idx.msk [tilespmem:v3+s20+$0x0], $0xffff  }
0x314: {  	v2 =	vadd.s32 v2, v62;
	v39 =	vsel vm11, $0x20, v25;
	v41 =	vld.idx.msk [tilespmem:v6+s20+$0x0], $0xffff  }
0x315: {  	v40 =	vld.idx.msk [tilespmem:v7+s20+$0x0], $0xffff;
	v5 =	vadd.s32 v5, v39  }
0x316: {  	v42 =	vld.idx.msk [tilespmem:v0+s20+$0x0], $0xffff  }
0x317: {  	v12 =	vld.idx.msk [tilespmem:v1+s20+$0x0], $0xffff  }
0x318: {  	v43 =	vld.idx.msk [tilespmem:v4+s20+$0x0], $0xffff;
	vm12 =	vlt.f32 v38, v36  }
0x319: {  	v17 =	vld.idx.msk [tilespmem:v2+s20+$0x0], $0xffff;
	vm14 =	vlt.f32 v41, v35;
	v44 =	vsel vm12, $0x10, v26  }
0x31a: {  	vm13 =	vlt.f32 v40, v37;
	v45 =	vld.idx.msk [tilespmem:v5+s20+$0x0], $0xffff;
	v47 =	vsel vm14, $0x10, v26;
	v3 =	vadd.s32 v3, v44  }
0x31b: {  	vm15 =	vlt.f32 v42, v34;
	v46 =	vsel vm13, $0x10, v26;
	v6 =	vadd.s32 v6, v47  }
0x31c: {  	vm4 =	vlt.f32 v12, v32;
	v48 =	vsel vm15, $0x10, v26;
	v7 =	vadd.s32 v7, v46  }
0x31d: {  	vm6 =	vlt.f32 v43, v30;
	v49 =	vsel vm4, $0x10, v26;
	v0 =	vadd.s32 v0, v48  }
0x31e: {  	vm5 =	vlt.f32 v17, v33;
	v51 =	vsel vm6, $0x10, v26;
	v1 =	vadd.s32 v1, v49  }
0x31f: {  	v50 =	vsel vm5, $0x10, v26;
	v4 =	vadd.s32 v4, v51;
	vm7 =	vlt.f32 v45, v31;
	v52 =	vld.idx.msk [tilespmem:v3+s20+$0x0], $0xffff  }
0x320: {  	v2 =	vadd.s32 v2, v50;
	v53 =	vsel vm7, $0x10, v26;
	v55 =	vld.idx.msk [tilespmem:v6+s20+$0x0], $0xffff  }
0x321: {  	v54 =	vld.idx.msk [tilespmem:v7+s20+$0x0], $0xffff;
	v5 =	vadd.s32 v5, v53  }
0x322: {  	v56 =	vld.idx.msk [tilespmem:v0+s20+$0x0], $0xffff  }
0x323: {  	v12 =	vld.idx.msk [tilespmem:v1+s20+$0x0], $0xffff  }
0x324: {  	v57 =	vld.idx.msk [tilespmem:v4+s20+$0x0], $0xffff;
	vm8 =	vlt.f32 v52, v36  }
0x325: {  	v17 =	vld.idx.msk [tilespmem:v2+s20+$0x0], $0xffff;
	vm10 =	vlt.f32 v55, v35;
	v36 =	vsel vm8, $0x10, v21  }
0x326: {  	vm9 =	vlt.f32 v54, v37;
	v58 =	vld.idx.msk [tilespmem:v5+s20+$0x0], $0xffff;
	v35 =	vsel vm10, $0x10, v21;
	v3 =	vor.u32 v3, v36  }
0x327: {  	vm11 =	vlt.f32 v56, v34;
	v59 =	vsel vm9, $0x10, v21;
	v6 =	vor.u32 v6, v35  }
0x328: {  	vm12 =	vlt.f32 v12, v32;
	v60 =	vsel vm11, $0x10, v21;
	v7 =	vor.u32 v7, v59  }
0x329: {  	vm14 =	vlt.f32 v57, v30;
	v61 =	vsel vm12, $0x10, v21;
	v0 =	vor.u32 v0, v60  }
0x32a: {  	vm13 =	vlt.f32 v17, v33;
	v9 =	vsel vm14, $0x10, v21;
	v1 =	vor.u32 v1, v61  }
0x32b: {  	v62 =	vsel vm13, $0x10, v21;
	v4 =	vor.u32 v4, v9;
	vm15 =	vlt.f32 v58, v31;
	v3 =	vld.idx.msk [tilespmem:v3+s21+$0x0], $0xffff  }
0x32c: {  	v2 =	vor.u32 v2, v62;
	v63 =	vsel vm15, $0x10, v21;
	v6 =	vld.idx.msk [tilespmem:v6+s21+$0x0], $0xffff  }
0x32d: {  	v7 =	vld.idx.msk [tilespmem:v7+s21+$0x0], $0xffff;
	v5 =	vor.u32 v5, v63  }
0x32e: {  	v0 =	vld.idx.msk [tilespmem:v0+s21+$0x0], $0xffff  }
0x32f: {  	v1 =	vld.idx.msk [tilespmem:v1+s21+$0x0], $0xffff  }
0x330: {  	v4 =	vld.idx.msk [tilespmem:v4+s21+$0x0], $0xffff  }
0x331: {  	s7 =	sadd.s32 $0x400, s13;
	v2 =	vld.idx.msk [tilespmem:v2+s21+$0x0], $0xffff  }
0x332: {  	v5 =	vld.idx.msk [tilespmem:v5+s21+$0x0], $0xffff;
	[tilespmem:s7+$0x30] =	vst v7  }
0x333: {  	s2 =	sadd.s32 $0x1, s2;
	[tilespmem:s7+$0xFFFFFFC0] =	vst v3  }
0x334: {  	p0 =	sne.s32 s2, $0x10;
	[tilespmem:s7+$0xFFFFFFD0] =	vst v6  }
.Ltmp9:
0x335: {  	[tilespmem:s7+$0xFFFFFFE0] =	vst v0;
	(pc) =	sbr.rel @p0 .LBB2_13-.Ltmp9, $4  }
0x336: {  	[tilespmem:s7+$0xFFFFFFF0] =	vst v1  }
0x337: {  	[tilespmem:s7+$0x10] =	vst v4  }
0x338: {  	[tilespmem:s7+$0x0] =	vst v2  }
0x339: {  	s0 =	sadd.s32 $0x1, s0;
	[tilespmem:s7+$0x20] =	vst v5  }
0x33a: {  	s0 =	smul.u32 $0x1800, s31;
	p0 =	seq.s32 s29, $0x8  }
.Ltmp10:
0x33b: {  	_ = 	snop;
	(pc) =	sbr.rel @p0 .LBB2_18-.Ltmp10, $4  }
0x33c: {  	s0 =	sshrl.u32 s0, $0x3  }
0x33d: {  	s0 =	sadd.s32 s5, s0  }
0x33e: {  	s0 =	sadd.s32 $0x600, s0  }
0x33f: {  	[hbm4b:s0+s6] =	stream.linear.scatter [tilespmem:s25], [sflag:$0x4], $0x3000, $0x38;
	[tilespmem:$0xE400] =	vst v63  }
.Ltmp11:
0x340: {  	(pc) =	sbr.rel .LBB2_4-.Ltmp11, $2  }
0x341: {  	_ =	sdelay $0x2  }
0x342: {  	s0 =	sadd.s32 $0x1200, s30;
	s29 =	smov.u32 s4  }
.LBB2_19:
0x343: {  	_ =	sfence.sel $0x180000  }
0x344: {  	[bflag:$0x0] =	sbarrier.arrive $0xFFFF  }
0x345: {  	_ =	strace $0x90000047  }
0x346: {  	s0 =	stileid.u32;
	[bflag:$0x2] =	sbarrier.arrive $0xFFFF  }
0x347: {  	p0 =	sne.s32 s0, $0x0;
	s0 =	rddreg [dreg:$0x4]  }
0x348: {  	s0 =	sadd.s32 @!p0 $0x100000, s0  }
0x349: {  	[sflag:s0] =	ssyncadd.tile.s32 @!p0 $0x1;
	_ =	shalt  }
.Lfunc_end2:
_tile_overlayer_lowered:
.L_overlay_start_2:
0x34a: {  	(tag) =	ssettag $0x2  }
0x34b: {  	s0 =	rddreg [dreg:$0x0];
	s2 =	stileid.u32  }
0x34c: {  	s1 =	rddreg [dreg:$0x1];
	p0 =	sne.s32 s2, $0x0  }
0x34d: {  	s3 =	rddreg [dreg:$0x2];
	[bflag:$0x3] =	sbarrier.arrive $0xFFFF;
	s2 =	simm.s32 @!p0 $0x1C05  }
0x34e: {  	[timem:s3], [sflag:s2] =	dma.local @!p0 [hbm:s0], s1  }
0x34f: {  	s0 =	simm.s32 @!p0 $0x5  }
0x350: {  	_ =	swait.ge @!p0 [sflag:s0], s1  }
0x351: {  	s1 =	ssub.s32 @!p0 $0x0, s1;
	[sflag:s0] =	ssyncset.done @!p0 $0x0  }
0x352: {  	[sflag:s0] =	ssyncadd.s32 @!p0 s1  }
0x353: {  	[bflag:$0x3] =	sbarrier.arrive $0xFFFF  }
0x354: {  	_ =	shalt  }

</sc_bundles>
